<compile_context>
chip_gen: v7x
topology: tpu7x:2x2x1
jax: 0.10.2.dev20260603
libtpu: 0.0.44.dev20260713+nightly
codegen_flags: <defaults>
</compile_context>

<pallas_src>
import functools

import jax
import jax.numpy as jnp
from jax import lax
from jax.experimental import pallas as pl
from jax.experimental.pallas import tpu as pltpu
from jax.experimental.pallas import tpu_sc as plsc

B, D, M, K, BG, P = 256, 3072, 20000, 128, 2048, 128
NS = 16
NW = 32
HALF = M // 2
CP_ROWS = 624
CP_TAIL = HALF - (NS - 1) * CP_ROWS
GPW = K // NS
JPS = BG // NS


def _sac_row(w):
    return (w // NS) * HALF + (w % NS) * CP_ROWS


def _src_body(wi_col_ref, wi_row_ref, src_ref, winr_ref):
    col = wi_col_ref[...]
    row = wi_row_ref[...]
    eq = col == row
    jp = lax.broadcasted_iota(jnp.int32, (BG, 128), 0)
    src_ref[...] = jnp.max(jnp.where(eq, jp, -1), axis=0, keepdims=True)
    w = lax.broadcasted_iota(jnp.int32, (1, NW), 1)
    rw = (w // NS) * HALF + (w % NS) * CP_ROWS
    eq2 = col == rw
    jp2 = lax.broadcasted_iota(jnp.int32, (BG, NW), 0)
    winr_ref[...] = jnp.max(jnp.where(eq2, jp2, -1), axis=0, keepdims=True)


_src_call = pl.pallas_call(
    _src_body,
    grid=(BG // 128,),
    in_specs=[
        pl.BlockSpec((BG, 1), lambda i: (0, 0)),
        pl.BlockSpec((1, 128), lambda i: (0, i)),
    ],
    out_specs=[
        pl.BlockSpec((1, 128), lambda i: (0, i)),
        pl.BlockSpec((1, NW), lambda i: (0, 0)),
    ],
    out_shape=[
        jax.ShapeDtypeStruct((1, BG), jnp.int32),
        jax.ShapeDtypeStruct((1, NW), jnp.int32),
    ],
)


def _fix_body(winr_ref, mem_row_ref, img_row_ref, fix_ref):
    w = pl.program_id(0)
    wv = winr_ref[w]
    fix_ref[...] = jnp.where(wv >= 0, img_row_ref[...], mem_row_ref[...])


_fix_call = pl.pallas_call(
    _fix_body,
    grid_spec=pltpu.PrefetchScalarGridSpec(
        num_scalar_prefetch=1,
        grid=(NW,),
        in_specs=[
            pl.BlockSpec(
                (1, 1, D),
                lambda w, winr: ((w // NS) * HALF + (w % NS) * CP_ROWS, 0, 0)),
            pl.BlockSpec(
                (1, 1, D),
                lambda w, winr: (jnp.maximum(winr[w], 0), 0, 0)),
        ],
        out_specs=pl.BlockSpec((1, 1, D), lambda w, winr: (w, 0, 0)),
    ),
    out_shape=jax.ShapeDtypeStruct((NW, 1, D), jnp.float32),
)


def _loss_body(x1_ref, x2_ref, buf_ref, w_ref, out_ref):
    w = w_ref[...]
    z1 = jnp.dot(x1_ref[...], w, preferred_element_type=jnp.float32)
    z2 = jnp.dot(x2_ref[...], w, preferred_element_type=jnp.float32)
    zb = jnp.dot(buf_ref[...], w, preferred_element_type=jnp.float32)
    n1 = jnp.sqrt(jnp.sum(z1 * z1, axis=-1, keepdims=True)) + 1e-8
    n2 = jnp.sqrt(jnp.sum(z2 * z2, axis=-1, keepdims=True)) + 1e-8
    nb = jnp.sqrt(jnp.sum(zb * zb, axis=-1, keepdims=True)) + 1e-8
    ax = jnp.sum(z1 * z2, axis=-1, keepdims=True) / (n1 * n2)
    ab = jnp.sum(zb * zb, axis=-1, keepdims=True) / (nb * nb)
    tot = jnp.sum(ax) + 0.5 * jnp.sum(ab)
    out_ref[...] = jnp.broadcast_to(-tot / (B + 0.5 * K), (1, 1))


_loss_call = pl.pallas_call(
    _loss_body,
    in_specs=[
        pl.BlockSpec((B, D), lambda: (0, 0)),
        pl.BlockSpec((B, D), lambda: (0, 0)),
        pl.BlockSpec((K, D), lambda: (0, 0)),
        pl.BlockSpec((D, P), lambda: (0, 0)),
    ],
    out_specs=pl.BlockSpec((1, 1), lambda: (0, 0)),
    out_shape=jax.ShapeDtypeStruct((1, 1), jnp.float32),
)


def _sc_body(mem_hbm, img_hbm, gidx_hbm, src_hbm, tgt_hbm, fix_hbm,
             buf_out, nm_hbm,
             gidx_v, grow_v, tgt_v, src_v, sref, tref, chunk_v,
             sem_cp, sem_g, sem_sc):
    cid = lax.axis_index("c")
    sid = lax.axis_index("s")
    wfl = cid * NS + sid

    lo = cid * HALF + sid * CP_ROWS
    cp = pltpu.make_async_copy(
        mem_hbm.at[pl.ds(lo, CP_ROWS)], nm_hbm.at[pl.ds(lo, CP_ROWS)], sem_cp)
    lo_tail = cid * HALF + (NS - 1) * CP_ROWS
    cp_tail = pltpu.make_async_copy(
        mem_hbm.at[pl.ds(lo_tail, CP_TAIL)], nm_hbm.at[pl.ds(lo_tail, CP_TAIL)],
        sem_cp)
    is_tail = sid == NS - 1

    @pl.when(jnp.logical_not(is_tail))
    def _():
        cp.start()

    @pl.when(is_tail)
    def _():
        cp_tail.start()

    @pl.when(cid == 0)
    def _():
        pltpu.sync_copy(gidx_hbm.at[pl.ds(sid * GPW, GPW)], gidx_v)
        pltpu.async_copy(mem_hbm.at[gidx_v], grow_v, sem_g).wait()
        pltpu.sync_copy(grow_v, buf_out.at[pl.ds(sid * GPW, GPW)])

    pltpu.sync_copy(tgt_hbm, tgt_v)
    pltpu.sync_copy(src_hbm, src_v)

    @pl.when(jnp.logical_not(is_tail))
    def _():
        cp.wait()

    @pl.when(is_tail)
    def _():
        cp_tail.wait()

    plsc.subcore_barrier()

    half_lo = cid * HALF
    for k in range(JPS // 16):
        o = sid * JPS + k * 16
        t = tgt_v[pl.ds(o, 16)]
        s = src_v[pl.ds(o, 16)]
        inh = (t >= half_lo) & (t < half_lo + HALF)
        tref[...] = jnp.where(inh, t, lo)
        sref[...] = jnp.where(inh, s, 0)
        pltpu.async_copy(img_hbm.at[sref], chunk_v, sem_sc).wait()
        pltpu.async_copy(chunk_v, nm_hbm.at[tref], sem_sc).wait()

    sref[...] = jnp.zeros((16,), jnp.int32) + wfl
    pltpu.async_copy(fix_hbm.at[sref], chunk_v, sem_sc).wait()
    tref[...] = jnp.zeros((16,), jnp.int32) + lo
    pltpu.async_copy(chunk_v, nm_hbm.at[tref], sem_sc).wait()


@functools.lru_cache(maxsize=1)
def _get_sc_call():
    return functools.partial(
        pl.kernel,
        out_type=(
            jax.ShapeDtypeStruct((K, D), jnp.float32),
            jax.ShapeDtypeStruct((M, D), jnp.float32),
        ),
        mesh=plsc.VectorSubcoreMesh(core_axis_name="c", subcore_axis_name="s"),
        scratch_types=[
            pltpu.VMEM((GPW,), jnp.int32),
            pltpu.VMEM((GPW, D), jnp.float32),
            pltpu.VMEM((BG,), jnp.int32),
            pltpu.VMEM((BG,), jnp.int32),
            pltpu.VMEM((16,), jnp.int32),
            pltpu.VMEM((16,), jnp.int32),
            pltpu.VMEM((16, D), jnp.float32),
            pltpu.SemaphoreType.DMA,
            pltpu.SemaphoreType.DMA,
            pltpu.SemaphoreType.DMA,
        ],
    )(_sc_body)


def kernel(x1, x2, img, mem, W, gather_idx, write_idx, buf_task_labels, task):
    wi = write_idx.astype(jnp.int32)
    src2d, winr2d = _src_call(wi.reshape(BG, 1), wi.reshape(1, BG))
    src = src2d.reshape(BG)
    winr = winr2d.reshape(NW)
    fix = _fix_call(
        winr, mem.reshape(M, 1, D), img.reshape(BG, 1, D)).reshape(NW, D)
    buf, new_mem = _get_sc_call()(
        mem, img, gather_idx.astype(jnp.int32), src, wi, fix)
    loss = _loss_call(x1, x2, buf, W)[0, 0]
    return loss, new_mem

# --- scband reference (transcript-rebuilt; emitter-appended) ---
"""Pipeline reference for scband-continual-model-7181185318940 (READ-ONLY COPY).

The authoritative reference and input builder live on the scoring server;
editing this copy changes nothing except your own understanding.
"""

import jax, jax.numpy as jnp
import numpy as np


def setup_inputs(seed: int = 0) -> dict:
    key = jax.random.key(seed)
    ks = jax.random.split(key, 8)
    B, d, M, K, BG, P = 256, 3072, 20000, 128, 2048, 128
    x1 = jax.random.normal(ks[0], (B, d), dtype=jnp.float32)
    x2 = jax.random.normal(ks[1], (B, d), dtype=jnp.float32)
    img = jax.random.normal(ks[2], (BG, d), dtype=jnp.float32)
    mem = jax.random.normal(ks[3], (M, d), dtype=jnp.float32)
    W = jax.random.normal(ks[4], (d, P), dtype=jnp.float32) * 0.02
    gather_idx = jax.random.randint(ks[5], (K,), 0, M)
    write_idx = jax.random.randint(ks[6], (BG,), 0, M)
    buf_task_labels = jax.random.randint(ks[7], (K,), 0, 4)
    return {
        'x1': x1, 'x2': x2, 'img': img, 'mem': mem, 'W': W,
        'gather_idx': gather_idx, 'write_idx': write_idx,
        'buf_task_labels': buf_task_labels, 'task': 3,
    }


def reference(x1, x2, img, mem, W, gather_idx, write_idx, buf_task_labels, task):
    B = x1.shape[0]
    K = gather_idx.shape[0]
    # recall(): gather replay samples from the memory buffer (no-grad in torch)
    buf_x1 = jnp.take(mem, gather_idx, axis=0)
    buf_x2 = buf_x1
    # select(): mix current batch with recalled buffer samples
    mixed_x1 = jnp.concatenate([x1, buf_x1], axis=0)
    mixed_x2 = jnp.concatenate([x2, buf_x2], axis=0)
    mem_idx = jnp.concatenate([
        jnp.zeros((B,), dtype=bool), jnp.ones((K,), dtype=bool)
    ], axis=0)
    curr_task_labels = jnp.full((B,), task, dtype=buf_task_labels.dtype)
    task_labels = jnp.concatenate([curr_task_labels, buf_task_labels], axis=0)
    # net(): projector + SimSiam-style cosine alignment loss, buffer samples down-weighted
    z1 = mixed_x1 @ W
    z2 = mixed_x2 @ W
    n1 = z1 / (jnp.linalg.norm(z1, axis=-1, keepdims=True) + 1e-8)
    n2 = z2 / (jnp.linalg.norm(z2, axis=-1, keepdims=True) + 1e-8)
    align = jnp.sum(n1 * n2, axis=-1)
    w = jnp.where(mem_idx, 0.5, 1.0)
    loss = -jnp.sum(w * align) / jnp.sum(w)
    # buffer.add_data(): scatter-overwrite gathered images into the memory buffer
    new_mem = mem.at[write_idx].set(img)
    return loss, new_mem

if __name__ == "__main__":
    import jax
    _d = setup_inputs()
    print(jax.jit(kernel)(*tuple(_d.values())))

</pallas_src>

<mosaic_0001>
#map = affine_map<(d0, d1) -> (0, 0)>
#map1 = affine_map<(d0, d1) -> (0)>
module attributes {stable_mosaic.version = 14 : i64} {
  func.func @_sc_body(%arg0: i32, %arg1: i32, %arg2: memref<20000x3072xf32, #tpu.memory_space<hbm>>, %arg3: memref<2048x3072xf32, #tpu.memory_space<hbm>>, %arg4: memref<128xi32, #tpu.memory_space<hbm>>, %arg5: memref<2048xi32, #tpu.memory_space<hbm>>, %arg6: memref<2048xi32, #tpu.memory_space<hbm>>, %arg7: memref<32x3072xf32, #tpu.memory_space<hbm>>, %arg8: memref<128x3072xf32, #tpu.memory_space<hbm>>, %arg9: memref<20000x3072xf32, #tpu.memory_space<hbm>>, %arg10: memref<8xi32, #tpu.memory_space<vmem>>, %arg11: memref<8x3072xf32, #tpu.memory_space<vmem>>, %arg12: memref<2048xi32, #tpu.memory_space<vmem>>, %arg13: memref<2048xi32, #tpu.memory_space<vmem>>, %arg14: memref<16xi32, #tpu.memory_space<vmem>>, %arg15: memref<16xi32, #tpu.memory_space<vmem>>, %arg16: memref<16x3072xf32, #tpu.memory_space<vmem>>, %arg17: memref<!tpu.dma_semaphore, #tpu.memory_space<semaphore_mem>>, %arg18: memref<!tpu.dma_semaphore, #tpu.memory_space<semaphore_mem>>, %arg19: memref<!tpu.dma_semaphore, #tpu.memory_space<semaphore_mem>>) attributes {dimension_semantics = [#tpu.dimension_semantics<core_parallel>, #tpu.dimension_semantics<subcore_parallel>], iteration_bounds = array<i64: 2, 16>, scalar_prefetch = 0 : i64, scratch_operands = 10 : i64, tpu.core_type = #tpu.core_type<sc_vector_subcore>, window_params = [{transform_indices = #map}, {transform_indices = #map}, {transform_indices = #map1}, {transform_indices = #map1}, {transform_indices = #map1}, {transform_indices = #map}, {transform_indices = #map}, {transform_indices = #map}]} {
    %mul3A = arith.constant 16 : i32
    %mul3A_0 = arith.muli %arg0, %mul3A : i32
    %add3A = arith.addi %mul3A_0, %arg1 : i32
    %mul3A_1 = arith.constant 10000 : i32
    %mul3A_2 = arith.muli %arg0, %mul3A_1 : i32
    %mul3A_3 = arith.constant 624 : i32
    %mul3A_4 = arith.muli %arg1, %mul3A_3 : i32
    %add3A_5 = arith.addi %mul3A_2, %mul3A_4 : i32
    %mul3A_6 = arith.constant 10000 : i32
    %mul3A_7 = arith.muli %arg0, %mul3A_6 : i32
    %add3A_8 = arith.constant 9360 : i32
    %add3A_9 = arith.addi %mul3A_7, %add3A_8 : i32
    %eq3A = arith.constant 15 : i32
    %eq3A_10 = arith.cmpi eq, %arg1, %eq3A : i32
    %not3A = arith.constant true
    %not3A_11 = arith.xori %eq3A_10, %not3A : i1
    %convert_element_type3A = arith.extui %not3A_11 : i1 to i32
    %cond3A = arith.constant 0 : i32
    %cond3A_12 = arith.cmpi ne, %convert_element_type3A, %cond3A : i32
    scf.if %cond3A_12 {
      %dma_start3A_385 = arith.constant 0 : i32
      %dma_start3A_386 = tpu.memref_slice %arg9[%add3A_5, %dma_start3A_385] : memref<20000x3072xf32, #tpu.memory_space<hbm>> -> memref<624x3072xf32, #tpu.memory_space<hbm>>
      %dma_start3A_387 = arith.constant 0 : i32
      %dma_start3A_388 = tpu.memref_slice %arg2[%add3A_5, %dma_start3A_387] : memref<20000x3072xf32, #tpu.memory_space<hbm>> -> memref<624x3072xf32, #tpu.memory_space<hbm>>
      tpu.enqueue_dma source(%dma_start3A_388 : memref<624x3072xf32, #tpu.memory_space<hbm>>) target(%dma_start3A_386 : memref<624x3072xf32, #tpu.memory_space<hbm>>) target_semaphore(%arg17 : memref<!tpu.dma_semaphore, #tpu.memory_space<semaphore_mem>>)
    } else {
    }
    %convert_element_type3A_13 = arith.extui %eq3A_10 : i1 to i32
    %cond3A_14 = arith.constant 0 : i32
    %cond3A_15 = arith.cmpi ne, %convert_element_type3A_13, %cond3A_14 : i32
    scf.if %cond3A_15 {
      %dma_start3A_385 = arith.constant 0 : i32
      %dma_start3A_386 = tpu.memref_slice %arg9[%add3A_9, %dma_start3A_385] : memref<20000x3072xf32, #tpu.memory_space<hbm>> -> memref<640x3072xf32, #tpu.memory_space<hbm>>
      %dma_start3A_387 = arith.constant 0 : i32
      %dma_start3A_388 = tpu.memref_slice %arg2[%add3A_9, %dma_start3A_387] : memref<20000x3072xf32, #tpu.memory_space<hbm>> -> memref<640x3072xf32, #tpu.memory_space<hbm>>
      tpu.enqueue_dma source(%dma_start3A_388 : memref<640x3072xf32, #tpu.memory_space<hbm>>) target(%dma_start3A_386 : memref<640x3072xf32, #tpu.memory_space<hbm>>) target_semaphore(%arg17 : memref<!tpu.dma_semaphore, #tpu.memory_space<semaphore_mem>>)
    } else {
    }
    %eq3A_16 = arith.constant 0 : i32
    %eq3A_17 = arith.cmpi eq, %arg0, %eq3A_16 : i32
    %convert_element_type3A_18 = arith.extui %eq3A_17 : i1 to i32
    %cond3A_19 = arith.constant 0 : i32
    %cond3A_20 = arith.cmpi ne, %convert_element_type3A_18, %cond3A_19 : i32
    scf.if %cond3A_20 {
      %mul3A_385 = arith.constant 8 : i32
      %mul3A_386 = arith.muli %arg1, %mul3A_385 : i32
      "tpu.region"() ({
        %run_scoped3A = tpu.sem_alloc : memref<!tpu.dma_semaphore, #tpu.memory_space<semaphore_mem>>
        %dma_start3A_395 = tpu.memref_slice %arg4[%mul3A_386] : memref<128xi32, #tpu.memory_space<hbm>> -> memref<8xi32, #tpu.memory_space<hbm>>
        %dma_start3A_396 = tpu.memref_slice %arg4[%mul3A_386] : memref<128xi32, #tpu.memory_space<hbm>> -> memref<8xi32, #tpu.memory_space<hbm>>
        tpu.enqueue_dma source(%dma_start3A_396 : memref<8xi32, #tpu.memory_space<hbm>>) target(%arg10 : memref<8xi32, #tpu.memory_space<vmem>>) target_semaphore(%run_scoped3A : memref<!tpu.dma_semaphore, #tpu.memory_space<semaphore_mem>>)
        %dma_wait3A_397 = tpu.memref_slice %arg4[%mul3A_386] : memref<128xi32, #tpu.memory_space<hbm>> -> memref<8xi32, #tpu.memory_space<hbm>>
        %dma_wait3A_398 = tpu.memref_slice %arg4[%mul3A_386] : memref<128xi32, #tpu.memory_space<hbm>> -> memref<8xi32, #tpu.memory_space<hbm>>
        tpu.wait_dma2 semaphore(%run_scoped3A : memref<!tpu.dma_semaphore, #tpu.memory_space<semaphore_mem>>) src(%dma_wait3A_398 : memref<8xi32, #tpu.memory_space<hbm>>) dst(%arg10 : memref<8xi32, #tpu.memory_space<vmem>>)
        tpu.yield
      }) : () -> ()
      %dma_start3A_387 = arith.constant 0 : i32
      %dma_start3A_388 = arith.constant 0 : i32
      %dma_start3A_389 = tpu.memref_slice %arg2[%dma_start3A_387, %dma_start3A_388] : memref<20000x3072xf32, #tpu.memory_space<hbm>> -> memref<20000x3072xf32, #tpu.memory_space<hbm>>
      tpu.enqueue_indirect_dma source(%dma_start3A_389 : memref<20000x3072xf32, #tpu.memory_space<hbm>>) target(%arg11 : memref<8x3072xf32, #tpu.memory_space<vmem>>) offsets(%arg10 : memref<8xi32, #tpu.memory_space<vmem>>) semaphore(%arg18 : memref<!tpu.dma_semaphore, #tpu.memory_space<semaphore_mem>>)
      %dma_wait3A_390 = arith.constant 0 : i32
      %dma_wait3A_391 = arith.constant 0 : i32
      %dma_wait3A_392 = tpu.memref_slice %arg2[%dma_wait3A_390, %dma_wait3A_391] : memref<20000x3072xf32, #tpu.memory_space<hbm>> -> memref<20000x3072xf32, #tpu.memory_space<hbm>>
      tpu.wait_indirect_dma semaphore(%arg18 : memref<!tpu.dma_semaphore, #tpu.memory_space<semaphore_mem>>) src(%dma_wait3A_392 : memref<20000x3072xf32, #tpu.memory_space<hbm>>) dst(%arg11 : memref<8x3072xf32, #tpu.memory_space<vmem>>)
      %mul3A_393 = arith.constant 8 : i32
      %mul3A_394 = arith.muli %arg1, %mul3A_393 : i32
      "tpu.region"() ({
        %run_scoped3A = tpu.sem_alloc : memref<!tpu.dma_semaphore, #tpu.memory_space<semaphore_mem>>
        %dma_start3A_395 = arith.constant 0 : i32
        %dma_start3A_396 = tpu.memref_slice %arg8[%mul3A_394, %dma_start3A_395] : memref<128x3072xf32, #tpu.memory_space<hbm>> -> memref<8x3072xf32, #tpu.memory_space<hbm>>
        %dma_start3A_397 = arith.constant 0 : i32
        %dma_start3A_398 = tpu.memref_slice %arg8[%mul3A_394, %dma_start3A_397] : memref<128x3072xf32, #tpu.memory_space<hbm>> -> memref<8x3072xf32, #tpu.memory_space<hbm>>
        tpu.enqueue_dma source(%arg11 : memref<8x3072xf32, #tpu.memory_space<vmem>>) target(%dma_start3A_398 : memref<8x3072xf32, #tpu.memory_space<hbm>>) target_semaphore(%run_scoped3A : memref<!tpu.dma_semaphore, #tpu.memory_space<semaphore_mem>>)
        %dma_wait3A_399 = arith.constant 0 : i32
        %dma_wait3A_400 = tpu.memref_slice %arg8[%mul3A_394, %dma_wait3A_399] : memref<128x3072xf32, #tpu.memory_space<hbm>> -> memref<8x3072xf32, #tpu.memory_space<hbm>>
        %dma_wait3A_401 = arith.constant 0 : i32
        %dma_wait3A_402 = tpu.memref_slice %arg8[%mul3A_394, %dma_wait3A_401] : memref<128x3072xf32, #tpu.memory_space<hbm>> -> memref<8x3072xf32, #tpu.memory_space<hbm>>
        tpu.wait_dma2 semaphore(%run_scoped3A : memref<!tpu.dma_semaphore, #tpu.memory_space<semaphore_mem>>) src(%arg11 : memref<8x3072xf32, #tpu.memory_space<vmem>>) dst(%dma_wait3A_402 : memref<8x3072xf32, #tpu.memory_space<hbm>>)
        tpu.yield
      }) : () -> ()
    } else {
    }
    "tpu.region"() ({
      %run_scoped3A = tpu.sem_alloc : memref<!tpu.dma_semaphore, #tpu.memory_space<semaphore_mem>>
      tpu.enqueue_dma source(%arg6 : memref<2048xi32, #tpu.memory_space<hbm>>) target(%arg12 : memref<2048xi32, #tpu.memory_space<vmem>>) target_semaphore(%run_scoped3A : memref<!tpu.dma_semaphore, #tpu.memory_space<semaphore_mem>>)
      tpu.wait_dma2 semaphore(%run_scoped3A : memref<!tpu.dma_semaphore, #tpu.memory_space<semaphore_mem>>) src(%arg6 : memref<2048xi32, #tpu.memory_space<hbm>>) dst(%arg12 : memref<2048xi32, #tpu.memory_space<vmem>>)
      tpu.yield
    }) : () -> ()
    "tpu.region"() ({
      %run_scoped3A = tpu.sem_alloc : memref<!tpu.dma_semaphore, #tpu.memory_space<semaphore_mem>>
      tpu.enqueue_dma source(%arg5 : memref<2048xi32, #tpu.memory_space<hbm>>) target(%arg13 : memref<2048xi32, #tpu.memory_space<vmem>>) target_semaphore(%run_scoped3A : memref<!tpu.dma_semaphore, #tpu.memory_space<semaphore_mem>>)
      tpu.wait_dma2 semaphore(%run_scoped3A : memref<!tpu.dma_semaphore, #tpu.memory_space<semaphore_mem>>) src(%arg5 : memref<2048xi32, #tpu.memory_space<hbm>>) dst(%arg13 : memref<2048xi32, #tpu.memory_space<vmem>>)
      tpu.yield
    }) : () -> ()
    %not3A_21 = arith.constant true
    %not3A_22 = arith.xori %eq3A_10, %not3A_21 : i1
    %convert_element_type3A_23 = arith.extui %not3A_22 : i1 to i32
    %cond3A_24 = arith.constant 0 : i32
    %cond3A_25 = arith.cmpi ne, %convert_element_type3A_23, %cond3A_24 : i32
    scf.if %cond3A_25 {
      %dma_wait3A_385 = arith.constant 0 : i32
      %dma_wait3A_386 = tpu.memref_slice %arg9[%add3A_5, %dma_wait3A_385] : memref<20000x3072xf32, #tpu.memory_space<hbm>> -> memref<624x3072xf32, #tpu.memory_space<hbm>>
      %dma_wait3A_387 = arith.constant 0 : i32
      %dma_wait3A_388 = tpu.memref_slice %arg2[%add3A_5, %dma_wait3A_387] : memref<20000x3072xf32, #tpu.memory_space<hbm>> -> memref<624x3072xf32, #tpu.memory_space<hbm>>
      tpu.wait_dma2 semaphore(%arg17 : memref<!tpu.dma_semaphore, #tpu.memory_space<semaphore_mem>>) src(%dma_wait3A_388 : memref<624x3072xf32, #tpu.memory_space<hbm>>) dst(%dma_wait3A_386 : memref<624x3072xf32, #tpu.memory_space<hbm>>)
    } else {
    }
    %convert_element_type3A_26 = arith.extui %eq3A_10 : i1 to i32
    %cond3A_27 = arith.constant 0 : i32
    %cond3A_28 = arith.cmpi ne, %convert_element_type3A_26, %cond3A_27 : i32
    scf.if %cond3A_28 {
      %dma_wait3A_385 = arith.constant 0 : i32
      %dma_wait3A_386 = tpu.memref_slice %arg9[%add3A_9, %dma_wait3A_385] : memref<20000x3072xf32, #tpu.memory_space<hbm>> -> memref<640x3072xf32, #tpu.memory_space<hbm>>
      %dma_wait3A_387 = arith.constant 0 : i32
      %dma_wait3A_388 = tpu.memref_slice %arg2[%add3A_9, %dma_wait3A_387] : memref<20000x3072xf32, #tpu.memory_space<hbm>> -> memref<640x3072xf32, #tpu.memory_space<hbm>>
      tpu.wait_dma2 semaphore(%arg17 : memref<!tpu.dma_semaphore, #tpu.memory_space<semaphore_mem>>) src(%dma_wait3A_388 : memref<640x3072xf32, #tpu.memory_space<hbm>>) dst(%dma_wait3A_386 : memref<640x3072xf32, #tpu.memory_space<hbm>>)
    } else {
    }
    %barrier3A = arith.constant 0 : index
    tpu.barrier barrier_id(%barrier3A)
    %mul3A_29 = arith.constant 10000 : i32
    %mul3A_30 = arith.muli %arg0, %mul3A_29 : i32
    %mul3A_31 = arith.constant 128 : i32
    %mul3A_32 = arith.muli %arg1, %mul3A_31 : i32
    %add3A_33 = arith.constant 0 : i32
    %add3A_34 = arith.addi %mul3A_32, %add3A_33 : i32
    %get3A = arith.index_cast %add3A_34 : i32 to index
    %get3A_35 = tpu.vector_load %arg12[%get3A] {strides = array<i32>} : memref<2048xi32, #tpu.memory_space<vmem>>, vector<16xi32>,
    %get3A_36 = vector.shape_cast %get3A_35 : vector<16xi32> to vector<16xi32>
    %get3A_37 = arith.index_cast %add3A_34 : i32 to index
    %get3A_38 = tpu.vector_load %arg13[%get3A_37] {strides = array<i32>} : memref<2048xi32, #tpu.memory_space<vmem>>, vector<16xi32>,
    %get3A_39 = vector.shape_cast %get3A_38 : vector<16xi32> to vector<16xi32>
    %ge3A = vector.broadcast %mul3A_30 : i32 to vector<16xi32>
    %ge3A_40 = arith.cmpi sge, %get3A_36, %ge3A : vector<16xi32>
    %add3A_41 = arith.constant 10000 : i32
    %add3A_42 = arith.addi %mul3A_30, %add3A_41 : i32
    %lt3A = vector.broadcast %add3A_42 : i32 to vector<16xi32>
    %lt3A_43 = arith.cmpi slt, %get3A_36, %lt3A : vector<16xi32>
    %and3A = arith.andi %ge3A_40, %lt3A_43 : vector<16xi1>
    %broadcast_in_dim3A = vector.broadcast %add3A_5 : i32 to vector<16xi32>
    %select_n3A = arith.select %and3A, %get3A_36, %broadcast_in_dim3A : vector<16xi1>, vector<16xi32>
    %swap3A = arith.constant 0 : index
    %swap3A_44 = tpu.vector_load %arg15[%swap3A] {strides = array<i32>} : memref<16xi32, #tpu.memory_space<vmem>>, vector<16xi32>,
    %swap3A_45 = vector.shape_cast %swap3A_44 : vector<16xi32> to vector<16xi32>
    %swap3A_46 = vector.shape_cast %select_n3A : vector<16xi32> to vector<16xi32>
    tpu.vector_store %arg15[%swap3A], %swap3A_46 {strides = array<i32>} : memref<16xi32, #tpu.memory_space<vmem>>, vector<16xi32>,
    %jit3A = arith.constant 0 : i32
    %broadcast_in_dim3A_47 = vector.broadcast %jit3A : i32 to vector<16xi32>
    %select_n3A_48 = arith.select %and3A, %get3A_39, %broadcast_in_dim3A_47 : vector<16xi1>, vector<16xi32>
    %swap3A_49 = arith.constant 0 : index
    %swap3A_50 = tpu.vector_load %arg14[%swap3A_49] {strides = array<i32>} : memref<16xi32, #tpu.memory_space<vmem>>, vector<16xi32>,
    %swap3A_51 = vector.shape_cast %swap3A_50 : vector<16xi32> to vector<16xi32>
    %swap3A_52 = vector.shape_cast %select_n3A_48 : vector<16xi32> to vector<16xi32>
    tpu.vector_store %arg14[%swap3A_49], %swap3A_52 {strides = array<i32>} : memref<16xi32, #tpu.memory_space<vmem>>, vector<16xi32>,
    %dma_start3A = arith.constant 0 : i32
    %dma_start3A_53 = arith.constant 0 : i32
    %dma_start3A_54 = tpu.memref_slice %arg3[%dma_start3A, %dma_start3A_53] : memref<2048x3072xf32, #tpu.memory_space<hbm>> -> memref<2048x3072xf32, #tpu.memory_space<hbm>>
    tpu.enqueue_indirect_dma source(%dma_start3A_54 : memref<2048x3072xf32, #tpu.memory_space<hbm>>) target(%arg16 : memref<16x3072xf32, #tpu.memory_space<vmem>>) offsets(%arg14 : memref<16xi32, #tpu.memory_space<vmem>>) semaphore(%arg19 : memref<!tpu.dma_semaphore, #tpu.memory_space<semaphore_mem>>)
    %dma_wait3A = arith.constant 0 : i32
    %dma_wait3A_55 = arith.constant 0 : i32
    %dma_wait3A_56 = tpu.memref_slice %arg3[%dma_wait3A, %dma_wait3A_55] : memref<2048x3072xf32, #tpu.memory_space<hbm>> -> memref<2048x3072xf32, #tpu.memory_space<hbm>>
    tpu.wait_indirect_dma semaphore(%arg19 : memref<!tpu.dma_semaphore, #tpu.memory_space<semaphore_mem>>) src(%dma_wait3A_56 : memref<2048x3072xf32, #tpu.memory_space<hbm>>) dst(%arg16 : memref<16x3072xf32, #tpu.memory_space<vmem>>)
    %dma_start3A_57 = arith.constant 0 : i32
    %dma_start3A_58 = arith.constant 0 : i32
    %dma_start3A_59 = tpu.memref_slice %arg9[%dma_start3A_57, %dma_start3A_58] : memref<20000x3072xf32, #tpu.memory_space<hbm>> -> memref<20000x3072xf32, #tpu.memory_space<hbm>>
    tpu.enqueue_indirect_dma source(%arg16 : memref<16x3072xf32, #tpu.memory_space<vmem>>) target(%dma_start3A_59 : memref<20000x3072xf32, #tpu.memory_space<hbm>>) offsets(%arg15 : memref<16xi32, #tpu.memory_space<vmem>>) semaphore(%arg19 : memref<!tpu.dma_semaphore, #tpu.memory_space<semaphore_mem>>)
    %dma_wait3A_60 = arith.constant 0 : i32
    %dma_wait3A_61 = arith.constant 0 : i32
    %dma_wait3A_62 = tpu.memref_slice %arg9[%dma_wait3A_60, %dma_wait3A_61] : memref<20000x3072xf32, #tpu.memory_space<hbm>> -> memref<20000x3072xf32, #tpu.memory_space<hbm>>
    tpu.wait_indirect_dma semaphore(%arg19 : memref<!tpu.dma_semaphore, #tpu.memory_space<semaphore_mem>>) src(%arg16 : memref<16x3072xf32, #tpu.memory_space<vmem>>) dst(%dma_wait3A_62 : memref<20000x3072xf32, #tpu.memory_space<hbm>>)
    %mul3A_63 = arith.constant 128 : i32
    %mul3A_64 = arith.muli %arg1, %mul3A_63 : i32
    %add3A_65 = arith.constant 16 : i32
    %add3A_66 = arith.addi %mul3A_64, %add3A_65 : i32
    %get3A_67 = arith.index_cast %add3A_66 : i32 to index
    %get3A_68 = tpu.vector_load %arg12[%get3A_67] {strides = array<i32>} : memref<2048xi32, #tpu.memory_space<vmem>>, vector<16xi32>,
    %get3A_69 = vector.shape_cast %get3A_68 : vector<16xi32> to vector<16xi32>
    %get3A_70 = arith.index_cast %add3A_66 : i32 to index
    %get3A_71 = tpu.vector_load %arg13[%get3A_70] {strides = array<i32>} : memref<2048xi32, #tpu.memory_space<vmem>>, vector<16xi32>,
    %get3A_72 = vector.shape_cast %get3A_71 : vector<16xi32> to vector<16xi32>
    %ge3A_73 = vector.broadcast %mul3A_30 : i32 to vector<16xi32>
    %ge3A_74 = arith.cmpi sge, %get3A_69, %ge3A_73 : vector<16xi32>
    %add3A_75 = arith.constant 10000 : i32
    %add3A_76 = arith.addi %mul3A_30, %add3A_75 : i32
    %lt3A_77 = vector.broadcast %add3A_76 : i32 to vector<16xi32>
    %lt3A_78 = arith.cmpi slt, %get3A_69, %lt3A_77 : vector<16xi32>
    %and3A_79 = arith.andi %ge3A_74, %lt3A_78 : vector<16xi1>
    %broadcast_in_dim3A_80 = vector.broadcast %add3A_5 : i32 to vector<16xi32>
    %select_n3A_81 = arith.select %and3A_79, %get3A_69, %broadcast_in_dim3A_80 : vector<16xi1>, vector<16xi32>
    %swap3A_82 = arith.constant 0 : index
    %swap3A_83 = tpu.vector_load %arg15[%swap3A_82] {strides = array<i32>} : memref<16xi32, #tpu.memory_space<vmem>>, vector<16xi32>,
    %swap3A_84 = vector.shape_cast %swap3A_83 : vector<16xi32> to vector<16xi32>
    %swap3A_85 = vector.shape_cast %select_n3A_81 : vector<16xi32> to vector<16xi32>
    tpu.vector_store %arg15[%swap3A_82], %swap3A_85 {strides = array<i32>} : memref<16xi32, #tpu.memory_space<vmem>>, vector<16xi32>,
    %jit3A_86 = arith.constant 0 : i32
    %broadcast_in_dim3A_87 = vector.broadcast %jit3A_86 : i32 to vector<16xi32>
    %select_n3A_88 = arith.select %and3A_79, %get3A_72, %broadcast_in_dim3A_87 : vector<16xi1>, vector<16xi32>
    %swap3A_89 = arith.constant 0 : index
    %swap3A_90 = tpu.vector_load %arg14[%swap3A_89] {strides = array<i32>} : memref<16xi32, #tpu.memory_space<vmem>>, vector<16xi32>,
    %swap3A_91 = vector.shape_cast %swap3A_90 : vector<16xi32> to vector<16xi32>
    %swap3A_92 = vector.shape_cast %select_n3A_88 : vector<16xi32> to vector<16xi32>
    tpu.vector_store %arg14[%swap3A_89], %swap3A_92 {strides = array<i32>} : memref<16xi32, #tpu.memory_space<vmem>>, vector<16xi32>,
    %dma_start3A_93 = arith.constant 0 : i32
    %dma_start3A_94 = arith.constant 0 : i32
    %dma_start3A_95 = tpu.memref_slice %arg3[%dma_start3A_93, %dma_start3A_94] : memref<2048x3072xf32, #tpu.memory_space<hbm>> -> memref<2048x3072xf32, #tpu.memory_space<hbm>>
    tpu.enqueue_indirect_dma source(%dma_start3A_95 : memref<2048x3072xf32, #tpu.memory_space<hbm>>) target(%arg16 : memref<16x3072xf32, #tpu.memory_space<vmem>>) offsets(%arg14 : memref<16xi32, #tpu.memory_space<vmem>>) semaphore(%arg19 : memref<!tpu.dma_semaphore, #tpu.memory_space<semaphore_mem>>)
    %dma_wait3A_96 = arith.constant 0 : i32
    %dma_wait3A_97 = arith.constant 0 : i32
    %dma_wait3A_98 = tpu.memref_slice %arg3[%dma_wait3A_96, %dma_wait3A_97] : memref<2048x3072xf32, #tpu.memory_space<hbm>> -> memref<2048x3072xf32, #tpu.memory_space<hbm>>
    tpu.wait_indirect_dma semaphore(%arg19 : memref<!tpu.dma_semaphore, #tpu.memory_space<semaphore_mem>>) src(%dma_wait3A_98 : memref<2048x3072xf32, #tpu.memory_space<hbm>>) dst(%arg16 : memref<16x3072xf32, #tpu.memory_space<vmem>>)
    %dma_start3A_99 = arith.constant 0 : i32
    %dma_start3A_100 = arith.constant 0 : i32
    %dma_start3A_101 = tpu.memref_slice %arg9[%dma_start3A_99, %dma_start3A_100] : memref<20000x3072xf32, #tpu.memory_space<hbm>> -> memref<20000x3072xf32, #tpu.memory_space<hbm>>
    tpu.enqueue_indirect_dma source(%arg16 : memref<16x3072xf32, #tpu.memory_space<vmem>>) target(%dma_start3A_101 : memref<20000x3072xf32, #tpu.memory_space<hbm>>) offsets(%arg15 : memref<16xi32, #tpu.memory_space<vmem>>) semaphore(%arg19 : memref<!tpu.dma_semaphore, #tpu.memory_space<semaphore_mem>>)
    %dma_wait3A_102 = arith.constant 0 : i32
    %dma_wait3A_103 = arith.constant 0 : i32
    %dma_wait3A_104 = tpu.memref_slice %arg9[%dma_wait3A_102, %dma_wait3A_103] : memref<20000x3072xf32, #tpu.memory_space<hbm>> -> memref<20000x3072xf32, #tpu.memory_space<hbm>>
    tpu.wait_indirect_dma semaphore(%arg19 : memref<!tpu.dma_semaphore, #tpu.memory_space<semaphore_mem>>) src(%arg16 : memref<16x3072xf32, #tpu.memory_space<vmem>>) dst(%dma_wait3A_104 : memref<20000x3072xf32, #tpu.memory_space<hbm>>)
    %mul3A_105 = arith.constant 128 : i32
    %mul3A_106 = arith.muli %arg1, %mul3A_105 : i32
    %add3A_107 = arith.constant 32 : i32
    %add3A_108 = arith.addi %mul3A_106, %add3A_107 : i32
    %get3A_109 = arith.index_cast %add3A_108 : i32 to index
    %get3A_110 = tpu.vector_load %arg12[%get3A_109] {strides = array<i32>} : memref<2048xi32, #tpu.memory_space<vmem>>, vector<16xi32>,
    %get3A_111 = vector.shape_cast %get3A_110 : vector<16xi32> to vector<16xi32>
    %get3A_112 = arith.index_cast %add3A_108 : i32 to index
    %get3A_113 = tpu.vector_load %arg13[%get3A_112] {strides = array<i32>} : memref<2048xi32, #tpu.memory_space<vmem>>, vector<16xi32>,
    %get3A_114 = vector.shape_cast %get3A_113 : vector<16xi32> to vector<16xi32>
    %ge3A_115 = vector.broadcast %mul3A_30 : i32 to vector<16xi32>
    %ge3A_116 = arith.cmpi sge, %get3A_111, %ge3A_115 : vector<16xi32>
    %add3A_117 = arith.constant 10000 : i32
    %add3A_118 = arith.addi %mul3A_30, %add3A_117 : i32
    %lt3A_119 = vector.broadcast %add3A_118 : i32 to vector<16xi32>
    %lt3A_120 = arith.cmpi slt, %get3A_111, %lt3A_119 : vector<16xi32>
    %and3A_121 = arith.andi %ge3A_116, %lt3A_120 : vector<16xi1>
    %broadcast_in_dim3A_122 = vector.broadcast %add3A_5 : i32 to vector<16xi32>
    %select_n3A_123 = arith.select %and3A_121, %get3A_111, %broadcast_in_dim3A_122 : vector<16xi1>, vector<16xi32>
    %swap3A_124 = arith.constant 0 : index
    %swap3A_125 = tpu.vector_load %arg15[%swap3A_124] {strides = array<i32>} : memref<16xi32, #tpu.memory_space<vmem>>, vector<16xi32>,
    %swap3A_126 = vector.shape_cast %swap3A_125 : vector<16xi32> to vector<16xi32>
    %swap3A_127 = vector.shape_cast %select_n3A_123 : vector<16xi32> to vector<16xi32>
    tpu.vector_store %arg15[%swap3A_124], %swap3A_127 {strides = array<i32>} : memref<16xi32, #tpu.memory_space<vmem>>, vector<16xi32>,
    %jit3A_128 = arith.constant 0 : i32
    %broadcast_in_dim3A_129 = vector.broadcast %jit3A_128 : i32 to vector<16xi32>
    %select_n3A_130 = arith.select %and3A_121, %get3A_114, %broadcast_in_dim3A_129 : vector<16xi1>, vector<16xi32>
    %swap3A_131 = arith.constant 0 : index
    %swap3A_132 = tpu.vector_load %arg14[%swap3A_131] {strides = array<i32>} : memref<16xi32, #tpu.memory_space<vmem>>, vector<16xi32>,
    %swap3A_133 = vector.shape_cast %swap3A_132 : vector<16xi32> to vector<16xi32>
    %swap3A_134 = vector.shape_cast %select_n3A_130 : vector<16xi32> to vector<16xi32>
    tpu.vector_store %arg14[%swap3A_131], %swap3A_134 {strides = array<i32>} : memref<16xi32, #tpu.memory_space<vmem>>, vector<16xi32>,
    %dma_start3A_135 = arith.constant 0 : i32
    %dma_start3A_136 = arith.constant 0 : i32
    %dma_start3A_137 = tpu.memref_slice %arg3[%dma_start3A_135, %dma_start3A_136] : memref<2048x3072xf32, #tpu.memory_space<hbm>> -> memref<2048x3072xf32, #tpu.memory_space<hbm>>
    tpu.enqueue_indirect_dma source(%dma_start3A_137 : memref<2048x3072xf32, #tpu.memory_space<hbm>>) target(%arg16 : memref<16x3072xf32, #tpu.memory_space<vmem>>) offsets(%arg14 : memref<16xi32, #tpu.memory_space<vmem>>) semaphore(%arg19 : memref<!tpu.dma_semaphore, #tpu.memory_space<semaphore_mem>>)
    %dma_wait3A_138 = arith.constant 0 : i32
    %dma_wait3A_139 = arith.constant 0 : i32
    %dma_wait3A_140 = tpu.memref_slice %arg3[%dma_wait3A_138, %dma_wait3A_139] : memref<2048x3072xf32, #tpu.memory_space<hbm>> -> memref<2048x3072xf32, #tpu.memory_space<hbm>>
    tpu.wait_indirect_dma semaphore(%arg19 : memref<!tpu.dma_semaphore, #tpu.memory_space<semaphore_mem>>) src(%dma_wait3A_140 : memref<2048x3072xf32, #tpu.memory_space<hbm>>) dst(%arg16 : memref<16x3072xf32, #tpu.memory_space<vmem>>)
    %dma_start3A_141 = arith.constant 0 : i32
    %dma_start3A_142 = arith.constant 0 : i32
    %dma_start3A_143 = tpu.memref_slice %arg9[%dma_start3A_141, %dma_start3A_142] : memref<20000x3072xf32, #tpu.memory_space<hbm>> -> memref<20000x3072xf32, #tpu.memory_space<hbm>>
    tpu.enqueue_indirect_dma source(%arg16 : memref<16x3072xf32, #tpu.memory_space<vmem>>) target(%dma_start3A_143 : memref<20000x3072xf32, #tpu.memory_space<hbm>>) offsets(%arg15 : memref<16xi32, #tpu.memory_space<vmem>>) semaphore(%arg19 : memref<!tpu.dma_semaphore, #tpu.memory_space<semaphore_mem>>)
    %dma_wait3A_144 = arith.constant 0 : i32
    %dma_wait3A_145 = arith.constant 0 : i32
    %dma_wait3A_146 = tpu.memref_slice %arg9[%dma_wait3A_144, %dma_wait3A_145] : memref<20000x3072xf32, #tpu.memory_space<hbm>> -> memref<20000x3072xf32, #tpu.memory_space<hbm>>
    tpu.wait_indirect_dma semaphore(%arg19 : memref<!tpu.dma_semaphore, #tpu.memory_space<semaphore_mem>>) src(%arg16 : memref<16x3072xf32, #tpu.memory_space<vmem>>) dst(%dma_wait3A_146 : memref<20000x3072xf32, #tpu.memory_space<hbm>>)
    %mul3A_147 = arith.constant 128 : i32
    %mul3A_148 = arith.muli %arg1, %mul3A_147 : i32
    %add3A_149 = arith.constant 48 : i32
    %add3A_150 = arith.addi %mul3A_148, %add3A_149 : i32
    %get3A_151 = arith.index_cast %add3A_150 : i32 to index
    %get3A_152 = tpu.vector_load %arg12[%get3A_151] {strides = array<i32>} : memref<2048xi32, #tpu.memory_space<vmem>>, vector<16xi32>,
    %get3A_153 = vector.shape_cast %get3A_152 : vector<16xi32> to vector<16xi32>
    %get3A_154 = arith.index_cast %add3A_150 : i32 to index
    %get3A_155 = tpu.vector_load %arg13[%get3A_154] {strides = array<i32>} : memref<2048xi32, #tpu.memory_space<vmem>>, vector<16xi32>,
    %get3A_156 = vector.shape_cast %get3A_155 : vector<16xi32> to vector<16xi32>
    %ge3A_157 = vector.broadcast %mul3A_30 : i32 to vector<16xi32>
    %ge3A_158 = arith.cmpi sge, %get3A_153, %ge3A_157 : vector<16xi32>
    %add3A_159 = arith.constant 10000 : i32
    %add3A_160 = arith.addi %mul3A_30, %add3A_159 : i32
    %lt3A_161 = vector.broadcast %add3A_160 : i32 to vector<16xi32>
    %lt3A_162 = arith.cmpi slt, %get3A_153, %lt3A_161 : vector<16xi32>
    %and3A_163 = arith.andi %ge3A_158, %lt3A_162 : vector<16xi1>
    %broadcast_in_dim3A_164 = vector.broadcast %add3A_5 : i32 to vector<16xi32>
    %select_n3A_165 = arith.select %and3A_163, %get3A_153, %broadcast_in_dim3A_164 : vector<16xi1>, vector<16xi32>
    %swap3A_166 = arith.constant 0 : index
    %swap3A_167 = tpu.vector_load %arg15[%swap3A_166] {strides = array<i32>} : memref<16xi32, #tpu.memory_space<vmem>>, vector<16xi32>,
    %swap3A_168 = vector.shape_cast %swap3A_167 : vector<16xi32> to vector<16xi32>
    %swap3A_169 = vector.shape_cast %select_n3A_165 : vector<16xi32> to vector<16xi32>
    tpu.vector_store %arg15[%swap3A_166], %swap3A_169 {strides = array<i32>} : memref<16xi32, #tpu.memory_space<vmem>>, vector<16xi32>,
    %jit3A_170 = arith.constant 0 : i32
    %broadcast_in_dim3A_171 = vector.broadcast %jit3A_170 : i32 to vector<16xi32>
    %select_n3A_172 = arith.select %and3A_163, %get3A_156, %broadcast_in_dim3A_171 : vector<16xi1>, vector<16xi32>
    %swap3A_173 = arith.constant 0 : index
    %swap3A_174 = tpu.vector_load %arg14[%swap3A_173] {strides = array<i32>} : memref<16xi32, #tpu.memory_space<vmem>>, vector<16xi32>,
    %swap3A_175 = vector.shape_cast %swap3A_174 : vector<16xi32> to vector<16xi32>
    %swap3A_176 = vector.shape_cast %select_n3A_172 : vector<16xi32> to vector<16xi32>
    tpu.vector_store %arg14[%swap3A_173], %swap3A_176 {strides = array<i32>} : memref<16xi32, #tpu.memory_space<vmem>>, vector<16xi32>,
    %dma_start3A_177 = arith.constant 0 : i32
    %dma_start3A_178 = arith.constant 0 : i32
    %dma_start3A_179 = tpu.memref_slice %arg3[%dma_start3A_177, %dma_start3A_178] : memref<2048x3072xf32, #tpu.memory_space<hbm>> -> memref<2048x3072xf32, #tpu.memory_space<hbm>>
    tpu.enqueue_indirect_dma source(%dma_start3A_179 : memref<2048x3072xf32, #tpu.memory_space<hbm>>) target(%arg16 : memref<16x3072xf32, #tpu.memory_space<vmem>>) offsets(%arg14 : memref<16xi32, #tpu.memory_space<vmem>>) semaphore(%arg19 : memref<!tpu.dma_semaphore, #tpu.memory_space<semaphore_mem>>)
    %dma_wait3A_180 = arith.constant 0 : i32
    %dma_wait3A_181 = arith.constant 0 : i32
    %dma_wait3A_182 = tpu.memref_slice %arg3[%dma_wait3A_180, %dma_wait3A_181] : memref<2048x3072xf32, #tpu.memory_space<hbm>> -> memref<2048x3072xf32, #tpu.memory_space<hbm>>
    tpu.wait_indirect_dma semaphore(%arg19 : memref<!tpu.dma_semaphore, #tpu.memory_space<semaphore_mem>>) src(%dma_wait3A_182 : memref<2048x3072xf32, #tpu.memory_space<hbm>>) dst(%arg16 : memref<16x3072xf32, #tpu.memory_space<vmem>>)
    %dma_start3A_183 = arith.constant 0 : i32
    %dma_start3A_184 = arith.constant 0 : i32
    %dma_start3A_185 = tpu.memref_slice %arg9[%dma_start3A_183, %dma_start3A_184] : memref<20000x3072xf32, #tpu.memory_space<hbm>> -> memref<20000x3072xf32, #tpu.memory_space<hbm>>
    tpu.enqueue_indirect_dma source(%arg16 : memref<16x3072xf32, #tpu.memory_space<vmem>>) target(%dma_start3A_185 : memref<20000x3072xf32, #tpu.memory_space<hbm>>) offsets(%arg15 : memref<16xi32, #tpu.memory_space<vmem>>) semaphore(%arg19 : memref<!tpu.dma_semaphore, #tpu.memory_space<semaphore_mem>>)
    %dma_wait3A_186 = arith.constant 0 : i32
    %dma_wait3A_187 = arith.constant 0 : i32
    %dma_wait3A_188 = tpu.memref_slice %arg9[%dma_wait3A_186, %dma_wait3A_187] : memref<20000x3072xf32, #tpu.memory_space<hbm>> -> memref<20000x3072xf32, #tpu.memory_space<hbm>>
    tpu.wait_indirect_dma semaphore(%arg19 : memref<!tpu.dma_semaphore, #tpu.memory_space<semaphore_mem>>) src(%arg16 : memref<16x3072xf32, #tpu.memory_space<vmem>>) dst(%dma_wait3A_188 : memref<20000x3072xf32, #tpu.memory_space<hbm>>)
    %mul3A_189 = arith.constant 128 : i32
    %mul3A_190 = arith.muli %arg1, %mul3A_189 : i32
    %add3A_191 = arith.constant 64 : i32
    %add3A_192 = arith.addi %mul3A_190, %add3A_191 : i32
    %get3A_193 = arith.index_cast %add3A_192 : i32 to index
    %get3A_194 = tpu.vector_load %arg12[%get3A_193] {strides = array<i32>} : memref<2048xi32, #tpu.memory_space<vmem>>, vector<16xi32>,
    %get3A_195 = vector.shape_cast %get3A_194 : vector<16xi32> to vector<16xi32>
    %get3A_196 = arith.index_cast %add3A_192 : i32 to index
    %get3A_197 = tpu.vector_load %arg13[%get3A_196] {strides = array<i32>} : memref<2048xi32, #tpu.memory_space<vmem>>, vector<16xi32>,
    %get3A_198 = vector.shape_cast %get3A_197 : vector<16xi32> to vector<16xi32>
    %ge3A_199 = vector.broadcast %mul3A_30 : i32 to vector<16xi32>
    %ge3A_200 = arith.cmpi sge, %get3A_195, %ge3A_199 : vector<16xi32>
    %add3A_201 = arith.constant 10000 : i32
    %add3A_202 = arith.addi %mul3A_30, %add3A_201 : i32
    %lt3A_203 = vector.broadcast %add3A_202 : i32 to vector<16xi32>
    %lt3A_204 = arith.cmpi slt, %get3A_195, %lt3A_203 : vector<16xi32>
    %and3A_205 = arith.andi %ge3A_200, %lt3A_204 : vector<16xi1>
    %broadcast_in_dim3A_206 = vector.broadcast %add3A_5 : i32 to vector<16xi32>
    %select_n3A_207 = arith.select %and3A_205, %get3A_195, %broadcast_in_dim3A_206 : vector<16xi1>, vector<16xi32>
    %swap3A_208 = arith.constant 0 : index
    %swap3A_209 = tpu.vector_load %arg15[%swap3A_208] {strides = array<i32>} : memref<16xi32, #tpu.memory_space<vmem>>, vector<16xi32>,
    %swap3A_210 = vector.shape_cast %swap3A_209 : vector<16xi32> to vector<16xi32>
    %swap3A_211 = vector.shape_cast %select_n3A_207 : vector<16xi32> to vector<16xi32>
    tpu.vector_store %arg15[%swap3A_208], %swap3A_211 {strides = array<i32>} : memref<16xi32, #tpu.memory_space<vmem>>, vector<16xi32>,
    %jit3A_212 = arith.constant 0 : i32
    %broadcast_in_dim3A_213 = vector.broadcast %jit3A_212 : i32 to vector<16xi32>
    %select_n3A_214 = arith.select %and3A_205, %get3A_198, %broadcast_in_dim3A_213 : vector<16xi1>, vector<16xi32>
    %swap3A_215 = arith.constant 0 : index
    %swap3A_216 = tpu.vector_load %arg14[%swap3A_215] {strides = array<i32>} : memref<16xi32, #tpu.memory_space<vmem>>, vector<16xi32>,
    %swap3A_217 = vector.shape_cast %swap3A_216 : vector<16xi32> to vector<16xi32>
    %swap3A_218 = vector.shape_cast %select_n3A_214 : vector<16xi32> to vector<16xi32>
    tpu.vector_store %arg14[%swap3A_215], %swap3A_218 {strides = array<i32>} : memref<16xi32, #tpu.memory_space<vmem>>, vector<16xi32>,
    %dma_start3A_219 = arith.constant 0 : i32
    %dma_start3A_220 = arith.constant 0 : i32
    %dma_start3A_221 = tpu.memref_slice %arg3[%dma_start3A_219, %dma_start3A_220] : memref<2048x3072xf32, #tpu.memory_space<hbm>> -> memref<2048x3072xf32, #tpu.memory_space<hbm>>
    tpu.enqueue_indirect_dma source(%dma_start3A_221 : memref<2048x3072xf32, #tpu.memory_space<hbm>>) target(%arg16 : memref<16x3072xf32, #tpu.memory_space<vmem>>) offsets(%arg14 : memref<16xi32, #tpu.memory_space<vmem>>) semaphore(%arg19 : memref<!tpu.dma_semaphore, #tpu.memory_space<semaphore_mem>>)
    %dma_wait3A_222 = arith.constant 0 : i32
    %dma_wait3A_223 = arith.constant 0 : i32
    %dma_wait3A_224 = tpu.memref_slice %arg3[%dma_wait3A_222, %dma_wait3A_223] : memref<2048x3072xf32, #tpu.memory_space<hbm>> -> memref<2048x3072xf32, #tpu.memory_space<hbm>>
    tpu.wait_indirect_dma semaphore(%arg19 : memref<!tpu.dma_semaphore, #tpu.memory_space<semaphore_mem>>) src(%dma_wait3A_224 : memref<2048x3072xf32, #tpu.memory_space<hbm>>) dst(%arg16 : memref<16x3072xf32, #tpu.memory_space<vmem>>)
    %dma_start3A_225 = arith.constant 0 : i32
    %dma_start3A_226 = arith.constant 0 : i32
    %dma_start3A_227 = tpu.memref_slice %arg9[%dma_start3A_225, %dma_start3A_226] : memref<20000x3072xf32, #tpu.memory_space<hbm>> -> memref<20000x3072xf32, #tpu.memory_space<hbm>>
    tpu.enqueue_indirect_dma source(%arg16 : memref<16x3072xf32, #tpu.memory_space<vmem>>) target(%dma_start3A_227 : memref<20000x3072xf32, #tpu.memory_space<hbm>>) offsets(%arg15 : memref<16xi32, #tpu.memory_space<vmem>>) semaphore(%arg19 : memref<!tpu.dma_semaphore, #tpu.memory_space<semaphore_mem>>)
    %dma_wait3A_228 = arith.constant 0 : i32
    %dma_wait3A_229 = arith.constant 0 : i32
    %dma_wait3A_230 = tpu.memref_slice %arg9[%dma_wait3A_228, %dma_wait3A_229] : memref<20000x3072xf32, #tpu.memory_space<hbm>> -> memref<20000x3072xf32, #tpu.memory_space<hbm>>
    tpu.wait_indirect_dma semaphore(%arg19 : memref<!tpu.dma_semaphore, #tpu.memory_space<semaphore_mem>>) src(%arg16 : memref<16x3072xf32, #tpu.memory_space<vmem>>) dst(%dma_wait3A_230 : memref<20000x3072xf32, #tpu.memory_space<hbm>>)
    %mul3A_231 = arith.constant 128 : i32
    %mul3A_232 = arith.muli %arg1, %mul3A_231 : i32
    %add3A_233 = arith.constant 80 : i32
    %add3A_234 = arith.addi %mul3A_232, %add3A_233 : i32
    %get3A_235 = arith.index_cast %add3A_234 : i32 to index
    %get3A_236 = tpu.vector_load %arg12[%get3A_235] {strides = array<i32>} : memref<2048xi32, #tpu.memory_space<vmem>>, vector<16xi32>,
    %get3A_237 = vector.shape_cast %get3A_236 : vector<16xi32> to vector<16xi32>
    %get3A_238 = arith.index_cast %add3A_234 : i32 to index
    %get3A_239 = tpu.vector_load %arg13[%get3A_238] {strides = array<i32>} : memref<2048xi32, #tpu.memory_space<vmem>>, vector<16xi32>,
    %get3A_240 = vector.shape_cast %get3A_239 : vector<16xi32> to vector<16xi32>
    %ge3A_241 = vector.broadcast %mul3A_30 : i32 to vector<16xi32>
    %ge3A_242 = arith.cmpi sge, %get3A_237, %ge3A_241 : vector<16xi32>
    %add3A_243 = arith.constant 10000 : i32
    %add3A_244 = arith.addi %mul3A_30, %add3A_243 : i32
    %lt3A_245 = vector.broadcast %add3A_244 : i32 to vector<16xi32>
    %lt3A_246 = arith.cmpi slt, %get3A_237, %lt3A_245 : vector<16xi32>
    %and3A_247 = arith.andi %ge3A_242, %lt3A_246 : vector<16xi1>
    %broadcast_in_dim3A_248 = vector.broadcast %add3A_5 : i32 to vector<16xi32>
    %select_n3A_249 = arith.select %and3A_247, %get3A_237, %broadcast_in_dim3A_248 : vector<16xi1>, vector<16xi32>
    %swap3A_250 = arith.constant 0 : index
    %swap3A_251 = tpu.vector_load %arg15[%swap3A_250] {strides = array<i32>} : memref<16xi32, #tpu.memory_space<vmem>>, vector<16xi32>,
    %swap3A_252 = vector.shape_cast %swap3A_251 : vector<16xi32> to vector<16xi32>
    %swap3A_253 = vector.shape_cast %select_n3A_249 : vector<16xi32> to vector<16xi32>
    tpu.vector_store %arg15[%swap3A_250], %swap3A_253 {strides = array<i32>} : memref<16xi32, #tpu.memory_space<vmem>>, vector<16xi32>,
    %jit3A_254 = arith.constant 0 : i32
    %broadcast_in_dim3A_255 = vector.broadcast %jit3A_254 : i32 to vector<16xi32>
    %select_n3A_256 = arith.select %and3A_247, %get3A_240, %broadcast_in_dim3A_255 : vector<16xi1>, vector<16xi32>
    %swap3A_257 = arith.constant 0 : index
    %swap3A_258 = tpu.vector_load %arg14[%swap3A_257] {strides = array<i32>} : memref<16xi32, #tpu.memory_space<vmem>>, vector<16xi32>,
    %swap3A_259 = vector.shape_cast %swap3A_258 : vector<16xi32> to vector<16xi32>
    %swap3A_260 = vector.shape_cast %select_n3A_256 : vector<16xi32> to vector<16xi32>
    tpu.vector_store %arg14[%swap3A_257], %swap3A_260 {strides = array<i32>} : memref<16xi32, #tpu.memory_space<vmem>>, vector<16xi32>,
    %dma_start3A_261 = arith.constant 0 : i32
    %dma_start3A_262 = arith.constant 0 : i32
    %dma_start3A_263 = tpu.memref_slice %arg3[%dma_start3A_261, %dma_start3A_262] : memref<2048x3072xf32, #tpu.memory_space<hbm>> -> memref<2048x3072xf32, #tpu.memory_space<hbm>>
    tpu.enqueue_indirect_dma source(%dma_start3A_263 : memref<2048x3072xf32, #tpu.memory_space<hbm>>) target(%arg16 : memref<16x3072xf32, #tpu.memory_space<vmem>>) offsets(%arg14 : memref<16xi32, #tpu.memory_space<vmem>>) semaphore(%arg19 : memref<!tpu.dma_semaphore, #tpu.memory_space<semaphore_mem>>)
    %dma_wait3A_264 = arith.constant 0 : i32
    %dma_wait3A_265 = arith.constant 0 : i32
    %dma_wait3A_266 = tpu.memref_slice %arg3[%dma_wait3A_264, %dma_wait3A_265] : memref<2048x3072xf32, #tpu.memory_space<hbm>> -> memref<2048x3072xf32, #tpu.memory_space<hbm>>
    tpu.wait_indirect_dma semaphore(%arg19 : memref<!tpu.dma_semaphore, #tpu.memory_space<semaphore_mem>>) src(%dma_wait3A_266 : memref<2048x3072xf32, #tpu.memory_space<hbm>>) dst(%arg16 : memref<16x3072xf32, #tpu.memory_space<vmem>>)
    %dma_start3A_267 = arith.constant 0 : i32
    %dma_start3A_268 = arith.constant 0 : i32
    %dma_start3A_269 = tpu.memref_slice %arg9[%dma_start3A_267, %dma_start3A_268] : memref<20000x3072xf32, #tpu.memory_space<hbm>> -> memref<20000x3072xf32, #tpu.memory_space<hbm>>
    tpu.enqueue_indirect_dma source(%arg16 : memref<16x3072xf32, #tpu.memory_space<vmem>>) target(%dma_start3A_269 : memref<20000x3072xf32, #tpu.memory_space<hbm>>) offsets(%arg15 : memref<16xi32, #tpu.memory_space<vmem>>) semaphore(%arg19 : memref<!tpu.dma_semaphore, #tpu.memory_space<semaphore_mem>>)
    %dma_wait3A_270 = arith.constant 0 : i32
    %dma_wait3A_271 = arith.constant 0 : i32
    %dma_wait3A_272 = tpu.memref_slice %arg9[%dma_wait3A_270, %dma_wait3A_271] : memref<20000x3072xf32, #tpu.memory_space<hbm>> -> memref<20000x3072xf32, #tpu.memory_space<hbm>>
    tpu.wait_indirect_dma semaphore(%arg19 : memref<!tpu.dma_semaphore, #tpu.memory_space<semaphore_mem>>) src(%arg16 : memref<16x3072xf32, #tpu.memory_space<vmem>>) dst(%dma_wait3A_272 : memref<20000x3072xf32, #tpu.memory_space<hbm>>)
    %mul3A_273 = arith.constant 128 : i32
    %mul3A_274 = arith.muli %arg1, %mul3A_273 : i32
    %add3A_275 = arith.constant 96 : i32
    %add3A_276 = arith.addi %mul3A_274, %add3A_275 : i32
    %get3A_277 = arith.index_cast %add3A_276 : i32 to index
    %get3A_278 = tpu.vector_load %arg12[%get3A_277] {strides = array<i32>} : memref<2048xi32, #tpu.memory_space<vmem>>, vector<16xi32>,
    %get3A_279 = vector.shape_cast %get3A_278 : vector<16xi32> to vector<16xi32>
    %get3A_280 = arith.index_cast %add3A_276 : i32 to index
    %get3A_281 = tpu.vector_load %arg13[%get3A_280] {strides = array<i32>} : memref<2048xi32, #tpu.memory_space<vmem>>, vector<16xi32>,
    %get3A_282 = vector.shape_cast %get3A_281 : vector<16xi32> to vector<16xi32>
    %ge3A_283 = vector.broadcast %mul3A_30 : i32 to vector<16xi32>
    %ge3A_284 = arith.cmpi sge, %get3A_279, %ge3A_283 : vector<16xi32>
    %add3A_285 = arith.constant 10000 : i32
    %add3A_286 = arith.addi %mul3A_30, %add3A_285 : i32
    %lt3A_287 = vector.broadcast %add3A_286 : i32 to vector<16xi32>
    %lt3A_288 = arith.cmpi slt, %get3A_279, %lt3A_287 : vector<16xi32>
    %and3A_289 = arith.andi %ge3A_284, %lt3A_288 : vector<16xi1>
    %broadcast_in_dim3A_290 = vector.broadcast %add3A_5 : i32 to vector<16xi32>
    %select_n3A_291 = arith.select %and3A_289, %get3A_279, %broadcast_in_dim3A_290 : vector<16xi1>, vector<16xi32>
    %swap3A_292 = arith.constant 0 : index
    %swap3A_293 = tpu.vector_load %arg15[%swap3A_292] {strides = array<i32>} : memref<16xi32, #tpu.memory_space<vmem>>, vector<16xi32>,
    %swap3A_294 = vector.shape_cast %swap3A_293 : vector<16xi32> to vector<16xi32>
    %swap3A_295 = vector.shape_cast %select_n3A_291 : vector<16xi32> to vector<16xi32>
    tpu.vector_store %arg15[%swap3A_292], %swap3A_295 {strides = array<i32>} : memref<16xi32, #tpu.memory_space<vmem>>, vector<16xi32>,
    %jit3A_296 = arith.constant 0 : i32
    %broadcast_in_dim3A_297 = vector.broadcast %jit3A_296 : i32 to vector<16xi32>
    %select_n3A_298 = arith.select %and3A_289, %get3A_282, %broadcast_in_dim3A_297 : vector<16xi1>, vector<16xi32>
    %swap3A_299 = arith.constant 0 : index
    %swap3A_300 = tpu.vector_load %arg14[%swap3A_299] {strides = array<i32>} : memref<16xi32, #tpu.memory_space<vmem>>, vector<16xi32>,
    %swap3A_301 = vector.shape_cast %swap3A_300 : vector<16xi32> to vector<16xi32>
    %swap3A_302 = vector.shape_cast %select_n3A_298 : vector<16xi32> to vector<16xi32>
    tpu.vector_store %arg14[%swap3A_299], %swap3A_302 {strides = array<i32>} : memref<16xi32, #tpu.memory_space<vmem>>, vector<16xi32>,
    %dma_start3A_303 = arith.constant 0 : i32
    %dma_start3A_304 = arith.constant 0 : i32
    %dma_start3A_305 = tpu.memref_slice %arg3[%dma_start3A_303, %dma_start3A_304] : memref<2048x3072xf32, #tpu.memory_space<hbm>> -> memref<2048x3072xf32, #tpu.memory_space<hbm>>
    tpu.enqueue_indirect_dma source(%dma_start3A_305 : memref<2048x3072xf32, #tpu.memory_space<hbm>>) target(%arg16 : memref<16x3072xf32, #tpu.memory_space<vmem>>) offsets(%arg14 : memref<16xi32, #tpu.memory_space<vmem>>) semaphore(%arg19 : memref<!tpu.dma_semaphore, #tpu.memory_space<semaphore_mem>>)
    %dma_wait3A_306 = arith.constant 0 : i32
    %dma_wait3A_307 = arith.constant 0 : i32
    %dma_wait3A_308 = tpu.memref_slice %arg3[%dma_wait3A_306, %dma_wait3A_307] : memref<2048x3072xf32, #tpu.memory_space<hbm>> -> memref<2048x3072xf32, #tpu.memory_space<hbm>>
    tpu.wait_indirect_dma semaphore(%arg19 : memref<!tpu.dma_semaphore, #tpu.memory_space<semaphore_mem>>) src(%dma_wait3A_308 : memref<2048x3072xf32, #tpu.memory_space<hbm>>) dst(%arg16 : memref<16x3072xf32, #tpu.memory_space<vmem>>)
    %dma_start3A_309 = arith.constant 0 : i32
    %dma_start3A_310 = arith.constant 0 : i32
    %dma_start3A_311 = tpu.memref_slice %arg9[%dma_start3A_309, %dma_start3A_310] : memref<20000x3072xf32, #tpu.memory_space<hbm>> -> memref<20000x3072xf32, #tpu.memory_space<hbm>>
    tpu.enqueue_indirect_dma source(%arg16 : memref<16x3072xf32, #tpu.memory_space<vmem>>) target(%dma_start3A_311 : memref<20000x3072xf32, #tpu.memory_space<hbm>>) offsets(%arg15 : memref<16xi32, #tpu.memory_space<vmem>>) semaphore(%arg19 : memref<!tpu.dma_semaphore, #tpu.memory_space<semaphore_mem>>)
    %dma_wait3A_312 = arith.constant 0 : i32
    %dma_wait3A_313 = arith.constant 0 : i32
    %dma_wait3A_314 = tpu.memref_slice %arg9[%dma_wait3A_312, %dma_wait3A_313] : memref<20000x3072xf32, #tpu.memory_space<hbm>> -> memref<20000x3072xf32, #tpu.memory_space<hbm>>
    tpu.wait_indirect_dma semaphore(%arg19 : memref<!tpu.dma_semaphore, #tpu.memory_space<semaphore_mem>>) src(%arg16 : memref<16x3072xf32, #tpu.memory_space<vmem>>) dst(%dma_wait3A_314 : memref<20000x3072xf32, #tpu.memory_space<hbm>>)
    %mul3A_315 = arith.constant 128 : i32
    %mul3A_316 = arith.muli %arg1, %mul3A_315 : i32
    %add3A_317 = arith.constant 112 : i32
    %add3A_318 = arith.addi %mul3A_316, %add3A_317 : i32
    %get3A_319 = arith.index_cast %add3A_318 : i32 to index
    %get3A_320 = tpu.vector_load %arg12[%get3A_319] {strides = array<i32>} : memref<2048xi32, #tpu.memory_space<vmem>>, vector<16xi32>,
    %get3A_321 = vector.shape_cast %get3A_320 : vector<16xi32> to vector<16xi32>
    %get3A_322 = arith.index_cast %add3A_318 : i32 to index
    %get3A_323 = tpu.vector_load %arg13[%get3A_322] {strides = array<i32>} : memref<2048xi32, #tpu.memory_space<vmem>>, vector<16xi32>,
    %get3A_324 = vector.shape_cast %get3A_323 : vector<16xi32> to vector<16xi32>
    %ge3A_325 = vector.broadcast %mul3A_30 : i32 to vector<16xi32>
    %ge3A_326 = arith.cmpi sge, %get3A_321, %ge3A_325 : vector<16xi32>
    %add3A_327 = arith.constant 10000 : i32
    %add3A_328 = arith.addi %mul3A_30, %add3A_327 : i32
    %lt3A_329 = vector.broadcast %add3A_328 : i32 to vector<16xi32>
    %lt3A_330 = arith.cmpi slt, %get3A_321, %lt3A_329 : vector<16xi32>
    %and3A_331 = arith.andi %ge3A_326, %lt3A_330 : vector<16xi1>
    %broadcast_in_dim3A_332 = vector.broadcast %add3A_5 : i32 to vector<16xi32>
    %select_n3A_333 = arith.select %and3A_331, %get3A_321, %broadcast_in_dim3A_332 : vector<16xi1>, vector<16xi32>
    %swap3A_334 = arith.constant 0 : index
    %swap3A_335 = tpu.vector_load %arg15[%swap3A_334] {strides = array<i32>} : memref<16xi32, #tpu.memory_space<vmem>>, vector<16xi32>,
    %swap3A_336 = vector.shape_cast %swap3A_335 : vector<16xi32> to vector<16xi32>
    %swap3A_337 = vector.shape_cast %select_n3A_333 : vector<16xi32> to vector<16xi32>
    tpu.vector_store %arg15[%swap3A_334], %swap3A_337 {strides = array<i32>} : memref<16xi32, #tpu.memory_space<vmem>>, vector<16xi32>,
    %jit3A_338 = arith.constant 0 : i32
    %broadcast_in_dim3A_339 = vector.broadcast %jit3A_338 : i32 to vector<16xi32>
    %select_n3A_340 = arith.select %and3A_331, %get3A_324, %broadcast_in_dim3A_339 : vector<16xi1>, vector<16xi32>
    %swap3A_341 = arith.constant 0 : index
    %swap3A_342 = tpu.vector_load %arg14[%swap3A_341] {strides = array<i32>} : memref<16xi32, #tpu.memory_space<vmem>>, vector<16xi32>,
    %swap3A_343 = vector.shape_cast %swap3A_342 : vector<16xi32> to vector<16xi32>
    %swap3A_344 = vector.shape_cast %select_n3A_340 : vector<16xi32> to vector<16xi32>
    tpu.vector_store %arg14[%swap3A_341], %swap3A_344 {strides = array<i32>} : memref<16xi32, #tpu.memory_space<vmem>>, vector<16xi32>,
    %dma_start3A_345 = arith.constant 0 : i32
    %dma_start3A_346 = arith.constant 0 : i32
    %dma_start3A_347 = tpu.memref_slice %arg3[%dma_start3A_345, %dma_start3A_346] : memref<2048x3072xf32, #tpu.memory_space<hbm>> -> memref<2048x3072xf32, #tpu.memory_space<hbm>>
    tpu.enqueue_indirect_dma source(%dma_start3A_347 : memref<2048x3072xf32, #tpu.memory_space<hbm>>) target(%arg16 : memref<16x3072xf32, #tpu.memory_space<vmem>>) offsets(%arg14 : memref<16xi32, #tpu.memory_space<vmem>>) semaphore(%arg19 : memref<!tpu.dma_semaphore, #tpu.memory_space<semaphore_mem>>)
    %dma_wait3A_348 = arith.constant 0 : i32
    %dma_wait3A_349 = arith.constant 0 : i32
    %dma_wait3A_350 = tpu.memref_slice %arg3[%dma_wait3A_348, %dma_wait3A_349] : memref<2048x3072xf32, #tpu.memory_space<hbm>> -> memref<2048x3072xf32, #tpu.memory_space<hbm>>
    tpu.wait_indirect_dma semaphore(%arg19 : memref<!tpu.dma_semaphore, #tpu.memory_space<semaphore_mem>>) src(%dma_wait3A_350 : memref<2048x3072xf32, #tpu.memory_space<hbm>>) dst(%arg16 : memref<16x3072xf32, #tpu.memory_space<vmem>>)
    %dma_start3A_351 = arith.constant 0 : i32
    %dma_start3A_352 = arith.constant 0 : i32
    %dma_start3A_353 = tpu.memref_slice %arg9[%dma_start3A_351, %dma_start3A_352] : memref<20000x3072xf32, #tpu.memory_space<hbm>> -> memref<20000x3072xf32, #tpu.memory_space<hbm>>
    tpu.enqueue_indirect_dma source(%arg16 : memref<16x3072xf32, #tpu.memory_space<vmem>>) target(%dma_start3A_353 : memref<20000x3072xf32, #tpu.memory_space<hbm>>) offsets(%arg15 : memref<16xi32, #tpu.memory_space<vmem>>) semaphore(%arg19 : memref<!tpu.dma_semaphore, #tpu.memory_space<semaphore_mem>>)
    %dma_wait3A_354 = arith.constant 0 : i32
    %dma_wait3A_355 = arith.constant 0 : i32
    %dma_wait3A_356 = tpu.memref_slice %arg9[%dma_wait3A_354, %dma_wait3A_355] : memref<20000x3072xf32, #tpu.memory_space<hbm>> -> memref<20000x3072xf32, #tpu.memory_space<hbm>>
    tpu.wait_indirect_dma semaphore(%arg19 : memref<!tpu.dma_semaphore, #tpu.memory_space<semaphore_mem>>) src(%arg16 : memref<16x3072xf32, #tpu.memory_space<vmem>>) dst(%dma_wait3A_356 : memref<20000x3072xf32, #tpu.memory_space<hbm>>)
    %broadcast_in_dim3A_357 = arith.constant 0 : i32
    %broadcast_in_dim3A_358 = vector.broadcast %broadcast_in_dim3A_357 : i32 to vector<16xi32>
    %add3A_359 = vector.broadcast %add3A : i32 to vector<16xi32>
    %add3A_360 = arith.addi %broadcast_in_dim3A_358, %add3A_359 : vector<16xi32>
    %swap3A_361 = arith.constant 0 : index
    %swap3A_362 = tpu.vector_load %arg14[%swap3A_361] {strides = array<i32>} : memref<16xi32, #tpu.memory_space<vmem>>, vector<16xi32>,
    %swap3A_363 = vector.shape_cast %swap3A_362 : vector<16xi32> to vector<16xi32>
    %swap3A_364 = vector.shape_cast %add3A_360 : vector<16xi32> to vector<16xi32>
    tpu.vector_store %arg14[%swap3A_361], %swap3A_364 {strides = array<i32>} : memref<16xi32, #tpu.memory_space<vmem>>, vector<16xi32>,
    %dma_start3A_365 = arith.constant 0 : i32
    %dma_start3A_366 = arith.constant 0 : i32
    %dma_start3A_367 = tpu.memref_slice %arg7[%dma_start3A_365, %dma_start3A_366] : memref<32x3072xf32, #tpu.memory_space<hbm>> -> memref<32x3072xf32, #tpu.memory_space<hbm>>
    tpu.enqueue_indirect_dma source(%dma_start3A_367 : memref<32x3072xf32, #tpu.memory_space<hbm>>) target(%arg16 : memref<16x3072xf32, #tpu.memory_space<vmem>>) offsets(%arg14 : memref<16xi32, #tpu.memory_space<vmem>>) semaphore(%arg19 : memref<!tpu.dma_semaphore, #tpu.memory_space<semaphore_mem>>)
    %dma_wait3A_368 = arith.constant 0 : i32
    %dma_wait3A_369 = arith.constant 0 : i32
    %dma_wait3A_370 = tpu.memref_slice %arg7[%dma_wait3A_368, %dma_wait3A_369] : memref<32x3072xf32, #tpu.memory_space<hbm>> -> memref<32x3072xf32, #tpu.memory_space<hbm>>
    tpu.wait_indirect_dma semaphore(%arg19 : memref<!tpu.dma_semaphore, #tpu.memory_space<semaphore_mem>>) src(%dma_wait3A_370 : memref<32x3072xf32, #tpu.memory_space<hbm>>) dst(%arg16 : memref<16x3072xf32, #tpu.memory_space<vmem>>)
    %broadcast_in_dim3A_371 = arith.constant 0 : i32
    %broadcast_in_dim3A_372 = vector.broadcast %broadcast_in_dim3A_371 : i32 to vector<16xi32>
    %add3A_373 = vector.broadcast %add3A_5 : i32 to vector<16xi32>
    %add3A_374 = arith.addi %broadcast_in_dim3A_372, %add3A_373 : vector<16xi32>
    %swap3A_375 = arith.constant 0 : index
    %swap3A_376 = tpu.vector_load %arg15[%swap3A_375] {strides = array<i32>} : memref<16xi32, #tpu.memory_space<vmem>>, vector<16xi32>,
    %swap3A_377 = vector.shape_cast %swap3A_376 : vector<16xi32> to vector<16xi32>
    %swap3A_378 = vector.shape_cast %add3A_374 : vector<16xi32> to vector<16xi32>
    tpu.vector_store %arg15[%swap3A_375], %swap3A_378 {strides = array<i32>} : memref<16xi32, #tpu.memory_space<vmem>>, vector<16xi32>,
    %dma_start3A_379 = arith.constant 0 : i32
    %dma_start3A_380 = arith.constant 0 : i32
    %dma_start3A_381 = tpu.memref_slice %arg9[%dma_start3A_379, %dma_start3A_380] : memref<20000x3072xf32, #tpu.memory_space<hbm>> -> memref<20000x3072xf32, #tpu.memory_space<hbm>>
    tpu.enqueue_indirect_dma source(%arg16 : memref<16x3072xf32, #tpu.memory_space<vmem>>) target(%dma_start3A_381 : memref<20000x3072xf32, #tpu.memory_space<hbm>>) offsets(%arg15 : memref<16xi32, #tpu.memory_space<vmem>>) semaphore(%arg19 : memref<!tpu.dma_semaphore, #tpu.memory_space<semaphore_mem>>)
    %dma_wait3A_382 = arith.constant 0 : i32
    %dma_wait3A_383 = arith.constant 0 : i32
    %dma_wait3A_384 = tpu.memref_slice %arg9[%dma_wait3A_382, %dma_wait3A_383] : memref<20000x3072xf32, #tpu.memory_space<hbm>> -> memref<20000x3072xf32, #tpu.memory_space<hbm>>
    tpu.wait_indirect_dma semaphore(%arg19 : memref<!tpu.dma_semaphore, #tpu.memory_space<semaphore_mem>>) src(%arg16 : memref<16x3072xf32, #tpu.memory_space<vmem>>) dst(%dma_wait3A_384 : memref<20000x3072xf32, #tpu.memory_space<hbm>>)
    return
  }
}

module attributes {stable_mosaic.version = 14 : i64} {
  func.func @_src_body(%arg0: i32, %arg1: memref<2048x1xi32, #tpu.memory_space<vmem>>, %arg2: memref<1x128xi32, #tpu.memory_space<vmem>>, %arg3: memref<1x128xi32, #tpu.memory_space<vmem>>, %arg4: memref<1x32xi32, #tpu.memory_space<vmem>>) attributes {dimension_semantics = [#tpu.dimension_semantics<arbitrary>], iteration_bounds = array<i64: 16>, scalar_prefetch = 0 : i64, scratch_operands = 0 : i64, tpu.core_type = #tpu.core_type<tc>, window_params = [{pipeline_mode = #tpu.pipeline_mode<synchronous>, transform_indices = @transform_0, window_bounds = array<i64: 2048, 1>}, {transform_indices = @transform_1, window_bounds = array<i64: 1, 128>}, {transform_indices = @transform_2, window_bounds = array<i64: 1, 128>}, {pipeline_mode = #tpu.pipeline_mode<synchronous>, transform_indices = @transform_3, window_bounds = array<i64: 1, 32>}]} {
    %get3A = arith.constant 0 : index
    %get3A_0 = arith.constant 0 : index
    %get3A_1 = vector.load %arg1[%get3A, %get3A_0] : memref<2048x1xi32, #tpu.memory_space<vmem>>, vector<2048x1xi32>
    %get3A_2 = arith.constant 0 : index
    %get3A_3 = arith.constant 0 : index
    %get3A_4 = vector.load %arg2[%get3A_2, %get3A_3] : memref<1x128xi32, #tpu.memory_space<vmem>>, vector<1x128xi32>
    %eq3A = vector.broadcast %get3A_1 : vector<2048x1xi32> to vector<2048x128xi32>
    %eq3A_5 = vector.broadcast %get3A_4 : vector<1x128xi32> to vector<2048x128xi32>
    %eq3A_6 = arith.cmpi eq, %eq3A, %eq3A_5 : vector<2048x128xi32>
    %iota3A = tpu.iota {dimensions = array<i32: 0>} : vector<2048x128xi32>
    %jit3A = arith.constant -1 : i32
    %broadcast_in_dim3A = vector.broadcast %jit3A : i32 to vector<2048x128xi32>
    %select_n3A = arith.select %eq3A_6, %iota3A, %broadcast_in_dim3A : vector<2048x128xi1>, vector<2048x128xi32>
    %reduce_max3A = arith.constant dense<-2147483648> : vector<128xi32>
    %reduce_max3A_7 = vector.multi_reduction <maxsi>, %select_n3A, %reduce_max3A [0] : vector<2048x128xi32> to vector<128xi32>
    %broadcast_in_dim3A_8 = vector.shape_cast %reduce_max3A_7 : vector<128xi32> to vector<1x128xi32>
    %swap3A = arith.constant 0 : index
    %swap3A_9 = arith.constant 0 : index
    %swap3A_10 = vector.load %arg3[%swap3A, %swap3A_9] : memref<1x128xi32, #tpu.memory_space<vmem>>, vector<1x128xi32>
    tpu.vector_store %arg3[%swap3A, %swap3A_9], %broadcast_in_dim3A_8 {strides = array<i32>} : memref<1x128xi32, #tpu.memory_space<vmem>>, vector<1x128xi32>,
    %iota3A_11 = tpu.iota {dimensions = array<i32: 1>} : vector<1x32xi32>
    %jit3A_12 = arith.constant 16 : i32
    %div3A = vector.broadcast %jit3A_12 : i32 to vector<1x32xi32>
    %div3A_13 = arith.divsi %iota3A_11, %div3A : vector<1x32xi32>
    %sign3A = arith.constant 0 : i32
    %sign3A_14 = vector.broadcast %sign3A : i32 to vector<1x32xi32>
    %sign3A_15 = arith.cmpi sgt, %iota3A_11, %sign3A_14 : vector<1x32xi32>
    %sign3A_16 = arith.extui %sign3A_15 : vector<1x32xi1> to vector<1x32xi32>
    %sign3A_17 = arith.constant 0 : i32
    %sign3A_18 = vector.broadcast %sign3A_17 : i32 to vector<1x32xi32>
    %sign3A_19 = arith.cmpi slt, %iota3A_11, %sign3A_18 : vector<1x32xi32>
    %sign3A_20 = arith.extui %sign3A_19 : vector<1x32xi1> to vector<1x32xi32>
    %sign3A_21 = arith.subi %sign3A_16, %sign3A_20 : vector<1x32xi32>
    %sign3A_22 = arith.constant 0 : i32
    %sign3A_23 = arith.cmpi sgt, %jit3A_12, %sign3A_22 : i32
    %sign3A_24 = arith.extui %sign3A_23 : i1 to i32
    %sign3A_25 = arith.constant 0 : i32
    %sign3A_26 = arith.cmpi slt, %jit3A_12, %sign3A_25 : i32
    %sign3A_27 = arith.extui %sign3A_26 : i1 to i32
    %sign3A_28 = arith.subi %sign3A_24, %sign3A_27 : i32
    %ne3A = vector.broadcast %sign3A_28 : i32 to vector<1x32xi32>
    %ne3A_29 = arith.cmpi ne, %sign3A_21, %ne3A : vector<1x32xi32>
    %rem3A = vector.broadcast %jit3A_12 : i32 to vector<1x32xi32>
    %rem3A_30 = arith.remsi %iota3A_11, %rem3A : vector<1x32xi32>
    %ne3A_31 = arith.constant 0 : i32
    %ne3A_32 = vector.broadcast %ne3A_31 : i32 to vector<1x32xi32>
    %ne3A_33 = arith.cmpi ne, %rem3A_30, %ne3A_32 : vector<1x32xi32>
    %and3A = arith.andi %ne3A_29, %ne3A_33 : vector<1x32xi1>
    %sub3A = arith.constant 1 : i32
    %sub3A_34 = vector.broadcast %sub3A : i32 to vector<1x32xi32>
    %sub3A_35 = arith.subi %div3A_13, %sub3A_34 : vector<1x32xi32>
    %select_n3A_36 = arith.select %and3A, %sub3A_35, %div3A_13 : vector<1x32xi1>, vector<1x32xi32>
    %mul3A = arith.constant 10000 : i32
    %mul3A_37 = vector.broadcast %mul3A : i32 to vector<1x32xi32>
    %mul3A_38 = arith.muli %select_n3A_36, %mul3A_37 : vector<1x32xi32>
    %jit3A_39 = arith.constant 16 : i32
    %eq3A_40 = arith.constant 0 : i32
    %eq3A_41 = arith.cmpi eq, %jit3A_39, %eq3A_40 : i32
    %jit3A_42 = arith.constant 1 : i32
    %select_n3A_43 = arith.select %eq3A_41, %jit3A_42, %jit3A_39 : i32
    %rem3A_44 = vector.broadcast %select_n3A_43 : i32 to vector<1x32xi32>
    %rem3A_45 = arith.remsi %iota3A_11, %rem3A_44 : vector<1x32xi32>
    %ne3A_46 = arith.constant 0 : i32
    %ne3A_47 = vector.broadcast %ne3A_46 : i32 to vector<1x32xi32>
    %ne3A_48 = arith.cmpi ne, %rem3A_45, %ne3A_47 : vector<1x32xi32>
    %lt3A = arith.constant 0 : i32
    %lt3A_49 = vector.broadcast %lt3A : i32 to vector<1x32xi32>
    %lt3A_50 = arith.cmpi slt, %rem3A_45, %lt3A_49 : vector<1x32xi32>
    %lt3A_51 = arith.constant 0 : i32
    %lt3A_52 = arith.cmpi slt, %select_n3A_43, %lt3A_51 : i32
    %ne3A_53 = vector.broadcast %lt3A_52 : i1 to vector<1x32xi1>
    %ne3A_54 = vector.broadcast %ne3A_53 : vector<1x32xi1> to vector<1x32xi1>
    %ne3A_55 = arith.xori %lt3A_50, %ne3A_54 : vector<1x32xi1>
    %and3A_56 = arith.andi %ne3A_55, %ne3A_48 : vector<1x32xi1>
    %add3A = vector.broadcast %select_n3A_43 : i32 to vector<1x32xi32>
    %add3A_57 = arith.addi %rem3A_45, %add3A : vector<1x32xi32>
    %select_n3A_58 = arith.select %and3A_56, %add3A_57, %rem3A_45 : vector<1x32xi1>, vector<1x32xi32>
    %mul3A_59 = arith.constant 624 : i32
    %mul3A_60 = vector.broadcast %mul3A_59 : i32 to vector<1x32xi32>
    %mul3A_61 = arith.muli %select_n3A_58, %mul3A_60 : vector<1x32xi32>
    %add3A_62 = arith.addi %mul3A_38, %mul3A_61 : vector<1x32xi32>
    %eq3A_63 = vector.broadcast %get3A_1 : vector<2048x1xi32> to vector<2048x32xi32>
    %eq3A_64 = vector.broadcast %add3A_62 : vector<1x32xi32> to vector<2048x32xi32>
    %eq3A_65 = arith.cmpi eq, %eq3A_63, %eq3A_64 : vector<2048x32xi32>
    %iota3A_66 = tpu.iota {dimensions = array<i32: 0>} : vector<2048x32xi32>
    %jit3A_67 = arith.constant -1 : i32
    %broadcast_in_dim3A_68 = vector.broadcast %jit3A_67 : i32 to vector<2048x32xi32>
    %select_n3A_69 = arith.select %eq3A_65, %iota3A_66, %broadcast_in_dim3A_68 : vector<2048x32xi1>, vector<2048x32xi32>
    %reduce_max3A_70 = arith.constant dense<-2147483648> : vector<32xi32>
    %reduce_max3A_71 = vector.multi_reduction <maxsi>, %select_n3A_69, %reduce_max3A_70 [0] : vector<2048x32xi32> to vector<32xi32>
    %broadcast_in_dim3A_72 = vector.shape_cast %reduce_max3A_71 : vector<32xi32> to vector<1x32xi32>
    %swap3A_73 = arith.constant 0 : index
    %swap3A_74 = arith.constant 0 : index
    %swap3A_75 = vector.load %arg4[%swap3A_73, %swap3A_74] : memref<1x32xi32, #tpu.memory_space<vmem>>, vector<1x32xi32>
    tpu.vector_store %arg4[%swap3A_73, %swap3A_74], %broadcast_in_dim3A_72 {strides = array<i32>} : memref<1x32xi32, #tpu.memory_space<vmem>>, vector<1x32xi32>,
    return
  }
  func.func @transform_0(%arg0: i32) -> (i32, i32) {
    %c0_i32 = arith.constant 0 : i32
    %c0_i32_0 = arith.constant 0 : i32
    %c0_i32_1 = arith.constant 0 : i32
    return %c0_i32, %c0_i32_0 : i32, i32
  }
  func.func @transform_1(%arg0: i32) -> (i32, i32) {
    %c0_i32 = arith.constant 0 : i32
    %c0_i32_0 = arith.constant 0 : i32
    return %c0_i32, %arg0 : i32, i32
  }
  func.func @transform_2(%arg0: i32) -> (i32, i32) {
    %c0_i32 = arith.constant 0 : i32
    %c0_i32_0 = arith.constant 0 : i32
    return %c0_i32, %arg0 : i32, i32
  }
  func.func @transform_3(%arg0: i32) -> (i32, i32) {
    %c0_i32 = arith.constant 0 : i32
    %c0_i32_0 = arith.constant 0 : i32
    %c0_i32_1 = arith.constant 0 : i32
    return %c0_i32, %c0_i32_0 : i32, i32
  }
}

module attributes {stable_mosaic.version = 14 : i64} {
  func.func @_fix_body(%arg0: i32, %arg1: memref<32xi32, #tpu.memory_space<smem>>, %arg2: memref<1x1x3072xf32, #tpu.memory_space<vmem>>, %arg3: memref<1x1x3072xf32, #tpu.memory_space<vmem>>, %arg4: memref<1x1x3072xf32, #tpu.memory_space<vmem>>) attributes {dimension_semantics = [#tpu.dimension_semantics<arbitrary>], iteration_bounds = array<i64: 32>, scalar_prefetch = 1 : i64, scratch_operands = 0 : i64, tpu.core_type = #tpu.core_type<tc>, window_params = [{transform_indices = @transform_0, window_bounds = array<i64: 1, 1, 3072>}, {transform_indices = @transform_1, window_bounds = array<i64: 1, 1, 3072>}, {transform_indices = @transform_2, window_bounds = array<i64: 1, 1, 3072>}]} {
    %get3A = arith.index_cast %arg0 : i32 to index
    %get3A_0 = memref.load %arg1[%get3A] : memref<32xi32, #tpu.memory_space<smem>>
    %ge3A = arith.constant 0 : i32
    %ge3A_1 = arith.cmpi sge, %get3A_0, %ge3A : i32
    %get3A_2 = arith.constant 0 : index
    %get3A_3 = arith.constant 0 : index
    %get3A_4 = arith.constant 0 : index
    %get3A_5 = vector.load %arg3[%get3A_2, %get3A_3, %get3A_4] : memref<1x1x3072xf32, #tpu.memory_space<vmem>>, vector<1x1x3072xf32>
    %get3A_6 = arith.constant 0 : index
    %get3A_7 = arith.constant 0 : index
    %get3A_8 = arith.constant 0 : index
    %get3A_9 = vector.load %arg2[%get3A_6, %get3A_7, %get3A_8] : memref<1x1x3072xf32, #tpu.memory_space<vmem>>, vector<1x1x3072xf32>
    %select_n3A = arith.select %ge3A_1, %get3A_5, %get3A_9 : vector<1x1x3072xf32>
    %swap3A = arith.constant 0 : index
    %swap3A_10 = arith.constant 0 : index
    %swap3A_11 = arith.constant 0 : index
    %swap3A_12 = vector.load %arg4[%swap3A, %swap3A_10, %swap3A_11] : memref<1x1x3072xf32, #tpu.memory_space<vmem>>, vector<1x1x3072xf32>
    tpu.vector_store %arg4[%swap3A, %swap3A_10, %swap3A_11], %select_n3A {strides = array<i32>} : memref<1x1x3072xf32, #tpu.memory_space<vmem>>, vector<1x1x3072xf32>,
    return
  }
  func.func @transform_0(%arg0: i32, %arg1: memref<32xi32, #tpu.memory_space<smem>>) -> (i32, i32, i32) {
    %jit3A = arith.constant 16 : i32
    %div3A = arith.divsi %arg0, %jit3A : i32
    %sign3A = arith.constant 0 : i32
    %sign3A_0 = arith.cmpi sgt, %arg0, %sign3A : i32
    %sign3A_1 = arith.extui %sign3A_0 : i1 to i32
    %sign3A_2 = arith.constant 0 : i32
    %sign3A_3 = arith.cmpi slt, %arg0, %sign3A_2 : i32
    %sign3A_4 = arith.extui %sign3A_3 : i1 to i32
    %sign3A_5 = arith.subi %sign3A_1, %sign3A_4 : i32
    %sign3A_6 = arith.constant 0 : i32
    %sign3A_7 = arith.cmpi sgt, %jit3A, %sign3A_6 : i32
    %sign3A_8 = arith.extui %sign3A_7 : i1 to i32
    %sign3A_9 = arith.constant 0 : i32
    %sign3A_10 = arith.cmpi slt, %jit3A, %sign3A_9 : i32
    %sign3A_11 = arith.extui %sign3A_10 : i1 to i32
    %sign3A_12 = arith.subi %sign3A_8, %sign3A_11 : i32
    %ne3A = arith.cmpi ne, %sign3A_5, %sign3A_12 : i32
    %rem3A = arith.remsi %arg0, %jit3A : i32
    %ne3A_13 = arith.constant 0 : i32
    %ne3A_14 = arith.cmpi ne, %rem3A, %ne3A_13 : i32
    %and3A = arith.andi %ne3A, %ne3A_14 : i1
    %sub3A = arith.constant 1 : i32
    %sub3A_15 = arith.subi %div3A, %sub3A : i32
    %select_n3A = arith.select %and3A, %sub3A_15, %div3A : i32
    %mul3A = arith.constant 10000 : i32
    %mul3A_16 = arith.muli %select_n3A, %mul3A : i32
    %jit3A_17 = arith.constant 16 : i32
    %eq3A = arith.constant 0 : i32
    %eq3A_18 = arith.cmpi eq, %jit3A_17, %eq3A : i32
    %jit3A_19 = arith.constant 1 : i32
    %select_n3A_20 = arith.select %eq3A_18, %jit3A_19, %jit3A_17 : i32
    %rem3A_21 = arith.remsi %arg0, %select_n3A_20 : i32
    %ne3A_22 = arith.constant 0 : i32
    %ne3A_23 = arith.cmpi ne, %rem3A_21, %ne3A_22 : i32
    %lt3A = arith.constant 0 : i32
    %lt3A_24 = arith.cmpi slt, %rem3A_21, %lt3A : i32
    %lt3A_25 = arith.constant 0 : i32
    %lt3A_26 = arith.cmpi slt, %select_n3A_20, %lt3A_25 : i32
    %ne3A_27 = arith.xori %lt3A_24, %lt3A_26 : i1
    %and3A_28 = arith.andi %ne3A_27, %ne3A_23 : i1
    %add3A = arith.addi %rem3A_21, %select_n3A_20 : i32
    %select_n3A_29 = arith.select %and3A_28, %add3A, %rem3A_21 : i32
    %mul3A_30 = arith.constant 624 : i32
    %mul3A_31 = arith.muli %select_n3A_29, %mul3A_30 : i32
    %add3A_32 = arith.addi %mul3A_16, %mul3A_31 : i32
    %c0_i32 = arith.constant 0 : i32
    %c0_i32_33 = arith.constant 0 : i32
    %c0_i32_34 = arith.constant 0 : i32
    return %add3A_32, %c0_i32, %c0_i32_33 : i32, i32, i32
  }
  func.func @transform_1(%arg0: i32, %arg1: memref<32xi32, #tpu.memory_space<smem>>) -> (i32, i32, i32) {
    %get3A = arith.index_cast %arg0 : i32 to index
    %get3A_0 = memref.load %arg1[%get3A] : memref<32xi32, #tpu.memory_space<smem>>
    %max3A = arith.constant 0 : i32
    %max3A_1 = arith.maxsi %get3A_0, %max3A : i32
    %c0_i32 = arith.constant 0 : i32
    %c0_i32_2 = arith.constant 0 : i32
    %c0_i32_3 = arith.constant 0 : i32
    return %max3A_1, %c0_i32, %c0_i32_2 : i32, i32, i32
  }
  func.func @transform_2(%arg0: i32, %arg1: memref<32xi32, #tpu.memory_space<smem>>) -> (i32, i32, i32) {
    %c0_i32 = arith.constant 0 : i32
    %c0_i32_0 = arith.constant 0 : i32
    %c0_i32_1 = arith.constant 0 : i32
    return %arg0, %c0_i32, %c0_i32_0 : i32, i32, i32
  }
}

module attributes {stable_mosaic.version = 14 : i64} {
  func.func @_loss_body(%arg0: memref<256x3072xf32, #tpu.memory_space<vmem>>, %arg1: memref<256x3072xf32, #tpu.memory_space<vmem>>, %arg2: memref<128x3072xf32, #tpu.memory_space<vmem>>, %arg3: memref<3072x128xf32, #tpu.memory_space<vmem>>, %arg4: memref<1x1xf32, #tpu.memory_space<vmem>>) attributes {dimension_semantics = [], scalar_prefetch = 0 : i64, scratch_operands = 0 : i64, tpu.core_type = #tpu.core_type<tc>} {
    %get3A = arith.constant 0 : index
    %get3A_0 = arith.constant 0 : index
    %get3A_1 = vector.load %arg3[%get3A, %get3A_0] : memref<3072x128xf32, #tpu.memory_space<vmem>>, vector<3072x128xf32>
    %get3A_2 = arith.constant 0 : index
    %get3A_3 = arith.constant 0 : index
    %get3A_4 = vector.load %arg0[%get3A_2, %get3A_3] : memref<256x3072xf32, #tpu.memory_space<vmem>>, vector<256x3072xf32>
    %dot_general3A = arith.constant dense<0.000000e+00> : vector<256x128xf32>
    %dot_general3A_5 = tpu.matmul %get3A_4, %get3A_1, %dot_general3A {dimension_numbers = #tpu.dot_dimension_numbers<[1], [0], [0], [1], [0, 0, 1, 1], [], []>, transpose_lhs_hint = false} : vector<256x3072xf32>, vector<3072x128xf32>, vector<256x128xf32> -> vector<256x128xf32>
    %get3A_6 = arith.constant 0 : index
    %get3A_7 = arith.constant 0 : index
    %get3A_8 = vector.load %arg1[%get3A_6, %get3A_7] : memref<256x3072xf32, #tpu.memory_space<vmem>>, vector<256x3072xf32>
    %dot_general3A_9 = arith.constant dense<0.000000e+00> : vector<256x128xf32>
    %dot_general3A_10 = tpu.matmul %get3A_8, %get3A_1, %dot_general3A_9 {dimension_numbers = #tpu.dot_dimension_numbers<[1], [0], [0], [1], [0, 0, 1, 1], [], []>, transpose_lhs_hint = false} : vector<256x3072xf32>, vector<3072x128xf32>, vector<256x128xf32> -> vector<256x128xf32>
    %get3A_11 = arith.constant 0 : index
    %get3A_12 = arith.constant 0 : index
    %get3A_13 = vector.load %arg2[%get3A_11, %get3A_12] : memref<128x3072xf32, #tpu.memory_space<vmem>>, vector<128x3072xf32>
    %dot_general3A_14 = arith.constant dense<0.000000e+00> : vector<128x128xf32>
    %dot_general3A_15 = tpu.matmul %get3A_13, %get3A_1, %dot_general3A_14 {dimension_numbers = #tpu.dot_dimension_numbers<[1], [0], [0], [1], [0, 0, 1, 1], [], []>, transpose_lhs_hint = false} : vector<128x3072xf32>, vector<3072x128xf32>, vector<128x128xf32> -> vector<128x128xf32>
    %mul3A = arith.mulf %dot_general3A_5, %dot_general3A_5 : vector<256x128xf32>
    %reduce_sum3A = arith.constant dense<0.000000e+00> : vector<256xf32>
    %reduce_sum3A_16 = vector.multi_reduction <add>, %mul3A, %reduce_sum3A [1] : vector<256x128xf32> to vector<256xf32>
    %broadcast_in_dim3A = vector.shape_cast %reduce_sum3A_16 : vector<256xf32> to vector<256x1xf32>
    %sqrt3A = math.sqrt %broadcast_in_dim3A : vector<256x1xf32>
    %add3A = arith.constant 9.99999993E-9 : f32
    %add3A_17 = vector.broadcast %add3A : f32 to vector<256x1xf32>
    %add3A_18 = arith.addf %sqrt3A, %add3A_17 : vector<256x1xf32>
    %mul3A_19 = arith.mulf %dot_general3A_10, %dot_general3A_10 : vector<256x128xf32>
    %reduce_sum3A_20 = arith.constant dense<0.000000e+00> : vector<256xf32>
    %reduce_sum3A_21 = vector.multi_reduction <add>, %mul3A_19, %reduce_sum3A_20 [1] : vector<256x128xf32> to vector<256xf32>
    %broadcast_in_dim3A_22 = vector.shape_cast %reduce_sum3A_21 : vector<256xf32> to vector<256x1xf32>
    %sqrt3A_23 = math.sqrt %broadcast_in_dim3A_22 : vector<256x1xf32>
    %add3A_24 = arith.constant 9.99999993E-9 : f32
    %add3A_25 = vector.broadcast %add3A_24 : f32 to vector<256x1xf32>
    %add3A_26 = arith.addf %sqrt3A_23, %add3A_25 : vector<256x1xf32>
    %mul3A_27 = arith.mulf %dot_general3A_15, %dot_general3A_15 : vector<128x128xf32>
    %reduce_sum3A_28 = arith.constant dense<0.000000e+00> : vector<128xf32>
    %reduce_sum3A_29 = vector.multi_reduction <add>, %mul3A_27, %reduce_sum3A_28 [1] : vector<128x128xf32> to vector<128xf32>
    %broadcast_in_dim3A_30 = vector.shape_cast %reduce_sum3A_29 : vector<128xf32> to vector<128x1xf32>
    %sqrt3A_31 = math.sqrt %broadcast_in_dim3A_30 : vector<128x1xf32>
    %add3A_32 = arith.constant 9.99999993E-9 : f32
    %add3A_33 = vector.broadcast %add3A_32 : f32 to vector<128x1xf32>
    %add3A_34 = arith.addf %sqrt3A_31, %add3A_33 : vector<128x1xf32>
    %mul3A_35 = arith.mulf %dot_general3A_5, %dot_general3A_10 : vector<256x128xf32>
    %reduce_sum3A_36 = arith.constant dense<0.000000e+00> : vector<256xf32>
    %reduce_sum3A_37 = vector.multi_reduction <add>, %mul3A_35, %reduce_sum3A_36 [1] : vector<256x128xf32> to vector<256xf32>
    %broadcast_in_dim3A_38 = vector.shape_cast %reduce_sum3A_37 : vector<256xf32> to vector<256x1xf32>
    %mul3A_39 = arith.mulf %add3A_18, %add3A_26 : vector<256x1xf32>
    %div3A = arith.divf %broadcast_in_dim3A_38, %mul3A_39 : vector<256x1xf32>
    %mul3A_40 = arith.mulf %dot_general3A_15, %dot_general3A_15 : vector<128x128xf32>
    %reduce_sum3A_41 = arith.constant dense<0.000000e+00> : vector<128xf32>
    %reduce_sum3A_42 = vector.multi_reduction <add>, %mul3A_40, %reduce_sum3A_41 [1] : vector<128x128xf32> to vector<128xf32>
    %broadcast_in_dim3A_43 = vector.shape_cast %reduce_sum3A_42 : vector<128xf32> to vector<128x1xf32>
    %mul3A_44 = arith.mulf %add3A_34, %add3A_34 : vector<128x1xf32>
    %div3A_45 = arith.divf %broadcast_in_dim3A_43, %mul3A_44 : vector<128x1xf32>
    %reduce_sum3A_46 = vector.shape_cast %div3A : vector<256x1xf32> to vector<1x256x1xf32>
    %reduce_sum3A_47 = arith.constant dense<0.000000e+00> : vector<1xf32>
    %reduce_sum3A_48 = vector.multi_reduction <add>, %reduce_sum3A_46, %reduce_sum3A_47 [1, 2] : vector<1x256x1xf32> to vector<1xf32>
    %reduce_sum3A_49 = vector.shape_cast %reduce_sum3A_48 : vector<1xf32> to vector<1x1x1xf32>
    %reduce_sum3A_50 = vector.extract %reduce_sum3A_49[0, 0, 0] : f32 from vector<1x1x1xf32>
    %reduce_sum3A_51 = vector.shape_cast %div3A_45 : vector<128x1xf32> to vector<1x128x1xf32>
    %reduce_sum3A_52 = arith.constant dense<0.000000e+00> : vector<1xf32>
    %reduce_sum3A_53 = vector.multi_reduction <add>, %reduce_sum3A_51, %reduce_sum3A_52 [1, 2] : vector<1x128x1xf32> to vector<1xf32>
    %reduce_sum3A_54 = vector.shape_cast %reduce_sum3A_53 : vector<1xf32> to vector<1x1x1xf32>
    %reduce_sum3A_55 = vector.extract %reduce_sum3A_54[0, 0, 0] : f32 from vector<1x1x1xf32>
    %mul3A_56 = arith.constant 5.000000e-01 : f32
    %mul3A_57 = arith.mulf %mul3A_56, %reduce_sum3A_55 : f32
    %add3A_58 = arith.addf %reduce_sum3A_50, %mul3A_57 : f32
    %neg3A = arith.constant 0.000000e+00 : f32
    %neg3A_59 = arith.subf %neg3A, %add3A_58 : f32
    %div3A_60 = arith.constant 3.200000e+02 : f32
    %div3A_61 = arith.divf %neg3A_59, %div3A_60 : f32
    %broadcast_in_dim3A_62 = vector.broadcast %div3A_61 : f32 to vector<1x1xf32>
    %swap3A = arith.constant 0 : index
    %swap3A_63 = arith.constant 0 : index
    %swap3A_64 = vector.load %arg4[%swap3A, %swap3A_63] : memref<1x1xf32, #tpu.memory_space<vmem>>, vector<1x1xf32>
    tpu.vector_store %arg4[%swap3A, %swap3A_63], %broadcast_in_dim3A_62 {strides = array<i32>} : memref<1x1xf32, #tpu.memory_space<vmem>>, vector<1x1xf32>,
    return
  }
}

</mosaic_0001>

<sc_bundles>
// kernel: kernel.6.cloned.1.call-start
scs
__scs_entry_jumppad:
0x0: {  	(pc) =	sbr.rel $0x88, $3  }
0x1: {  	(tag) =	ssettag $0x0;
	lr =	simm.s32 $0x1  }
0x2: {  	[smem:$0x3F9A] =	sst lr;
	_ =	strace $0xD0000000  }
0x3: {  	_ = 	snop  }
0x4: {  	_ = 	snop  }
0x5: {  	_ = 	snop  }
0x6: {  	_ = 	snop  }
0x7: {  	_ = 	snop  }
__scs_overlays_trampoline_lowered:
0x8: {  	[smem:$0x3FA9] =	sst s0  }
0x9: {  	[smem:$0x3FAA] =	sst s1  }
0xa: {  	[smem:$0x3FAB] =	sst s2  }
0xb: {  	[smem:$0x3FAC] =	sst s3  }
0xc: {  	[smem:$0x3FAD] =	sst s4  }
0xd: {  	[smem:$0x3FAE] =	sst s5  }
0xe: {  	[smem:$0x3FAF] =	sst s6  }
0xf: {  	[smem:$0x3FB0] =	sst s7  }
0x10: {  	[smem:$0x3FB1] =	sst s8  }
0x11: {  	[smem:$0x3FB2] =	sst s9;
	s0 =	simm.s32 @!p0 $0x0  }
0x12: {  	s1 =	sld [smem:$0x3F98];
	s0 =	simm.s32 @p0 $0x1  }
0x13: {  	[smem:$0x3FB3] =	sst s0;
	s0 =	simm.s32 @!p1 $0x0  }
0x14: {  	s2 =	sld [smem:$0x3F97];
	s0 =	simm.s32 @p1 $0x1  }
0x15: {  	[smem:$0x3FB4] =	sst s0;
	s0 =	simm.s32 @!p2 $0x0  }
0x16: {  	s3 =	sld [smem:$0x3FDB];
	s0 =	simm.s32 @p2 $0x1  }
0x17: {  	s4 =	simm.s32 $0x1BF5;
	[smem:$0x3FB6] =	sst s0  }
0x18: {  	s0 =	sld [smem:$0x3F99];
	_ =	swait.ge [sflag:s4], $0x0  }
0x19: {  	s7 =	sld [smem:$0x3F9A]  }
0x1a: {  	s8 =	sadd.s32 $0xFFFFE003, lr  }
0x1b: {  	s9 =	sadd.s32 $0xFFFFFEF7, lr;
	s5 =	simm.s32 $0xFFFFFFFF;
	p2 =	slt.u32 s8, $0xFFFFF086  }
0x1c: {  	p1 =	slt.u32 s9, $0xF7A;
	s5 =	simm.s32 @!p2 $0x0  }
0x1d: {  	s5 =	simm.s32 @p1 $0x1;
	p0 =	seq.s32 s7, s2  }
0x1e: {  	s7 =	smul.u32 @!p0 $0xF7A, s2;
	p2 =	seq.s32 @!p0 s5, $0x0  }
0x1f: {  	s9 =	smul.u32 $0xF7A, s1;
	s8 =	simm.s32 @!p0 $0x1BF5;
	p2 =	por !p2, p0  }
0x20: {  	[sflag:s8] =	ssyncset.s32 @!p0 $0xFFFFF086;
	s6 =	sadd.s32 @!p0 s3, s7;
	s7 =	simm.s32 @!p0 $0x108  }
0x21: {  	s3 =	sadd.s32 s3, s9;
	s6 =	sadd.s32 @!p0 $0x88, s6;
	s7 =	simm.s32 @p2 $0x1082  }
0x22: {  	[simem:s7], [sflag:s8] =	dma.local @!p0 [hbm:s6], $0xF7A  }
0x23: {  	s9 =	sor.u32 $0xD0000000, s2;
	s6 =	simm.s32 $0x108;
	_ =	swait.ge @!p0 [sflag:s8], $0x0  }
0x24: {  	s3 =	sadd.s32 $0x88, s3;
	s6 =	simm.s32 @!p1 $0x1082;
	[sflag:s4] =	ssyncset.s32 $0xFFFFF086  }
0x25: {  	[simem:s6], [sflag:s4] =	dma.local [hbm:s3], $0xF7A  }
0x26: {  	[smem:$0x3F9A] =	sst s1;
	(tag) =	ssettag s2;
	_ =	strace s9  }
0x27: {  	s1 =	sld [smem:$0x3FAA]  }
0x28: {  	s2 =	sld [smem:$0x3FAB]  }
0x29: {  	s4 =	sld [smem:$0x3FAD]  }
0x2a: {  	p0 =	seq.s32 s5, $0x0;
	s5 =	sld [smem:$0x3FAE]  }
0x2b: {  	s6 =	sld [smem:$0x3FAF]  }
0x2c: {  	s7 =	sld [smem:$0x3FB0]  }
0x2d: {  	s3 =	simm.s32 $0x108;
	s8 =	sld [smem:$0x3FB1]  }
0x2e: {  	s3 =	simm.s32 @!p0 $0x1082;
	s9 =	sld [smem:$0x3FB2]  }
0x2f: {  	lr =	sadd.s32 s0, s3;
	s0 =	sld [smem:$0x3FA9]  }
0x30: {  	s3 =	sld [smem:$0x3FAC]  }
0x31: {  	[smem:$0x3FB5] =	sst s10  }
0x32: {  	s10 =	sld [smem:$0x3FB3];
	_ =	sdelay $0x3  }
0x33: {  	p0 =	seq.s32 s10, $0x1;
	s10 =	sld [smem:$0x3FB5];
	_ =	sdelay $0x3  }
0x34: {  	[smem:$0x3FB5] =	sst s10  }
0x35: {  	s10 =	sld [smem:$0x3FB4];
	_ =	sdelay $0x3  }
0x36: {  	p1 =	seq.s32 s10, $0x1;
	s10 =	sld [smem:$0x3FB5];
	_ =	sdelay $0x3  }
0x37: {  	[smem:$0x3FB5] =	sst s10  }
0x38: {  	s10 =	sld [smem:$0x3FB6]  }
0x39: {  	_ = 	snop;
	(pc) =	sbr.ind lr, $3  }
0x3a: {  	_ = 	snop  }
0x3b: {  	_ = 	snop  }
0x3c: {  	p2 =	seq.s32 s10, $0x1;
	s10 =	sld [smem:$0x3FB5]  }
0x3d: {  	_ =	shalt  }
0x3e: {  	_ =	shalt  }
0x3f: {  	_ =	shalt  }
0x40: {  	_ =	shalt  }
0x41: {  	_ =	shalt  }
0x42: {  	_ =	shalt  }
0x43: {  	_ =	shalt  }
0x44: {  	_ =	shalt  }
0x45: {  	_ =	shalt  }
0x46: {  	_ =	shalt  }
0x47: {  	_ =	shalt  }
0x48: {  	_ =	shalt  }
0x49: {  	_ =	shalt  }
0x4a: {  	_ =	shalt  }
0x4b: {  	_ =	shalt  }
0x4c: {  	_ =	shalt  }
0x4d: {  	_ =	shalt  }
0x4e: {  	_ =	shalt  }
0x4f: {  	_ =	shalt  }
0x50: {  	_ =	shalt  }
0x51: {  	_ =	shalt  }
0x52: {  	_ =	shalt  }
0x53: {  	_ =	shalt  }
0x54: {  	_ =	shalt  }
0x55: {  	_ =	shalt  }
0x56: {  	_ =	shalt  }
0x57: {  	_ =	shalt  }
0x58: {  	_ =	shalt  }
0x59: {  	_ =	shalt  }
0x5a: {  	_ =	shalt  }
0x5b: {  	_ =	shalt  }
0x5c: {  	_ =	shalt  }
0x5d: {  	_ =	shalt  }
0x5e: {  	_ =	shalt  }
0x5f: {  	_ =	shalt  }
0x60: {  	_ =	shalt  }
0x61: {  	_ =	shalt  }
0x62: {  	_ =	shalt  }
0x63: {  	_ =	shalt  }
0x64: {  	_ =	shalt  }
0x65: {  	_ =	shalt  }
0x66: {  	_ =	shalt  }
0x67: {  	_ =	shalt  }
0x68: {  	_ =	shalt  }
0x69: {  	_ =	shalt  }
0x6a: {  	_ =	shalt  }
0x6b: {  	_ =	shalt  }
0x6c: {  	_ =	shalt  }
0x6d: {  	_ =	shalt  }
0x6e: {  	_ =	shalt  }
0x6f: {  	_ =	shalt  }
0x70: {  	_ =	shalt  }
0x71: {  	_ =	shalt  }
0x72: {  	_ =	shalt  }
0x73: {  	_ =	shalt  }
0x74: {  	_ =	shalt  }
0x75: {  	_ =	shalt  }
0x76: {  	_ =	shalt  }
0x77: {  	_ =	shalt  }
0x78: {  	_ =	shalt  }
0x79: {  	_ =	shalt  }
0x7a: {  	_ =	shalt  }
0x7b: {  	_ =	shalt  }
0x7c: {  	_ =	shalt  }
0x7d: {  	_ =	shalt  }
0x7e: {  	_ =	shalt  }
0x7f: {  	_ =	shalt  }
0x80: {  	_ =	shalt  }
0x81: {  	_ =	shalt  }
0x82: {  	_ =	shalt  }
0x83: {  	_ =	shalt  }
0x84: {  	_ =	shalt  }
0x85: {  	_ =	shalt  }
0x86: {  	_ =	shalt  }
0x87: {  	_ =	shalt  }
.Lfunc_end0:
.L_simem_size_0:
called_computation_lowered:
.L_overlay_start_0:
0x88: {  	s2 =	sld [smem:$0x3FD9]  }
0x89: {  	s3 =	sld [smem:$0x3FFE];
	_ =	sdelay $0x1  }
0x8a: {  	s1 =	srdreg.scid  }
0x8b: {  	s0 =	sand.u32 $0x1, s1  }
0x8c: {  	s14 =	sshll.u32 s0, $0xA;
	s2 =	sadd.s32 s3, s2  }
0x8d: {  	s2 =	sadd.s32 s2, s14  }
0x8e: {  	[smem:$0x3FC1] =	sst s2  }
0x8f: {  	_ = 	snop  }
0x90: {  	s2 =	sld [smem:$0x3FC7]  }
0x91: {  	s15 =	sld [smem:$0x3FD0]  }
0x92: {  	s4 =	sld [smem:$0x3FC6]  }
0x93: {  	s5 =	sld [smem:$0x3FC4]  }
0x94: {  	s7 =	simm.s32 $0xA;
	s8 =	simm.s32 $0x10;
	s6 =	sld [smem:$0x3FC3]  }
0x95: {  	[smem:s8], [sflag:s7] =	dma.local [hbm:s15], $0x1  }
0x96: {  	_ =	swait.eq [sflag:s7], $0x1  }
0x97: {  	[sflag:s7] =	ssyncset.done $0x0  }
0x98: {  	[sflag:s7] =	ssyncadd.s32 $0xFFFFFFFF  }
0x99: {  	s16 =	sld [smem:$0x11];
	(tm) =	ssettm $0x1  }
0x9a: {  	s17 =	sld [smem:$0x3FFB];
	_ =	sdelay $0x3  }
0x9b: {  	_ =	strace s17  }
0x9c: {  	s7 =	sld [smem:$0x3FFC];
	_ =	sdelay $0x3  }
0x9d: {  	_ =	strace s7  }
0x9e: {  	s7 =	sld [smem:$0x3FFD];
	_ =	sdelay $0x3  }
0x9f: {  	_ =	strace s7  }
0xa0: {  	_ =	strace $0x8FFFFFFF  }
0xa1: {  	s18 =	sld [smem:$0x3FDB];
	_ =	sdelay $0x1  }
0xa2: {  	s19 =	simm.s32 $_scs_section_size  }
0xa3: {  	s9 =	simm.s32 $_size__tile_overlayer_lowered;
	s10 =	simm.s32 $_tile_overlayer_lowered  }
0xa4: {  	s22 =	simm.s32 $0x1BFF;
	s21 =	sshll.u32 s10, $0x1;
	s7 =	sadd.s32 s19, s18  }
0xa5: {  	s11 =	simm.s32 $0x0;
	s20 =	sshll.u32 s9, $0x1;
	s9 =	sadd.s32 s21, s7  }
0xa6: {  	[timem:s11], [sflag:s22] =	dma.local [hbm:s9], s20  }
0xa7: {  	_ =	swait.ge [sflag:s22], s20  }
0xa8: {  	s8 =	ssub.s32 $0x0, s20;
	[sflag:s22] =	ssyncset.done $0x0  }
0xa9: {  	[sflag:s22] =	ssyncadd.s32 s8;
	_ =	sdelay $0x1  }
0xaa: {  	s23 =	simm.s32 $0x1B8B  }
0xab: {  	_ =	swait.ge [sflag:s23], $0x1  }
0xac: {  	[sflag:s23] =	ssyncset.done $0x0  }
0xad: {  	s25 =	simm.s32 $0x1B8E;
	s24 =	sld [smem:$0x3FFE];
	[sflag:s23] =	ssyncadd.s32 $0xFFFFFFFF  }
0xae: {  	s26 =	simm.s32 $execute0_lowered;
	[smem:$0x3FD2] =	sst s25  }
0xaf: {  	s9 =	sshll.u32 s26, $0x1;
	_ =	strace $0x80000046;
	[dreg:$0x1] =	wrdreg $0xFFFFFFFF  }
0xb0: {  	s28 =	simm.s32 $_size_execute0_lowered;
	s7 =	sadd.s32 s7, s9;
	[dreg:$0x0] =	wrdreg $0x0  }
0xb1: {  	s9 =	sshll.u32 s28, $0x1;
	[dreg:$0x2] =	wrdreg s7  }
0xb2: {  	[dreg:$0x3] =	wrdreg s9  }
0xb3: {  	[dreg:$0x4] =	wrdreg $0xC0  }
0xb4: {  	_ =	task [dreg:s11], $0x5FFFF  }
0xb5: {  	[dreg:$0x1] =	wrdreg $0xFFFFFFFF  }
0xb6: {  	[dreg:$0x0] =	wrdreg $0x60  }
0xb7: {  	[dreg:$0x2] =	wrdreg s4  }
0xb8: {  	[dreg:$0x3] =	wrdreg s2  }
0xb9: {  	[dreg:$0x4] =	wrdreg s5  }
0xba: {  	[dreg:$0x5] =	wrdreg s24  }
0xbb: {  	[dreg:$0x6] =	wrdreg s6  }
0xbc: {  	[dreg:$0x7] =	wrdreg s16  }
0xbd: {  	[dreg:$0x8] =	wrdreg $0x9  }
0xbe: {  	_ =	task.clear_ibuf [dreg:s11], $0x9FFFF;
	_ =	strace $0x90000046  }
0xbf: {  	s29 =	simm.s32 $0x9;
	_ =	strace $0x80000048  }
0xc0: {  	_ =	swait.ge [sflag:s29], $0x1  }
0xc1: {  	[sflag:s29] =	ssyncadd.s32 $0xFFFFFFFF  }
0xc2: {  	_ =	strace $0x90000048  }
0xc3: {  	_ =	sfence  }
0xc4: {  	s30 =	sld [smem:$0x0];
	_ =	sdelay $0x2  }
0xc5: {  	s31 =	sshll.u32 s1, $0xD;
	s1 =	sshrl.u32 s1, $0x2  }
0xc6: {  	s3 =	sand.u32 $0x4000, s31;
	s1 =	sadd.s32 s1, s30  }
0xc7: {  	s0 =	sor.u32 s3, s0;
	s1 =	sshll.u32 s1, $0x11  }
0xc8: {  	s0 =	sor.u32 s1, s0  }
0xc9: {  	s0 =	sadd.s32 $0x8F2B, s0  }
0xca: {  	[sflag:s0] =	ssyncadd.remote.s32 $0x1  }
0xcb: {  	_ =	sfence.sel $0xFFFF  }
0xcc: {  	[dreg:$0x0] =	wrdreg $0xFFFFFFFF;
	(pc) =	sbr.abs _section_cstart, $3  }
0xcd: {  	[dreg:$0x1] =	wrdreg $0xFFFFFFFF  }
0xce: {  	_ =	task.clear_ibuf [dreg:s11], $0x2FFFF;
	_ =	strace $0x9FFFFFFF  }
0xcf: {  	(tm) =	ssettm $0x7FFFFFFF  }
tec
execute0_lowered:
.L_overlay_start_1:
0x0: {  	(tag) =	ssettag $0x1  }
0x1: {  	s9 =	rddreg [dreg:$0x0]  }
0x2: {  	s10 =	rddreg [dreg:$0x1]  }
0x3: {  	s3 =	rddreg [dreg:$0x2]  }
0x4: {  	s1 =	srdreg.scid;
	s11 =	stileid.u32  }
0x5: {  	s0 =	rddreg [dreg:$0x3];
	s2 =	sand.u32 $0x1, s1;
	s5 =	smul.u32 $0x270, s11  }
0x6: {  	s4 =	rddreg [dreg:$0x4];
	s1 =	smul.u32 $0x2710, s2  }
0x7: {  	s16 =	rddreg [dreg:$0x5]  }
0x8: {  	[dreg:$0x8] =	wrdreg s4;
	s4 =	sadd.s32 s5, s1;
	s5 =	simm.s32 $0x0  }
0x9: {  	s8 =	sadd.s32 $0x1800, s0;
	[smem:$0x7FF] =	sst s5  }
0xa: {  	s3 =	sadd.s32 s3, s11;
	_ =	strace $0x80000047;
	[dreg:$0x7] =	wrdreg s8  }
0xb: {  	s12 =	sadd.s32 $0x200, s9;
	[dreg:$0xd] =	wrdreg s3  }
0xc: {  	s13 =	sadd.s32 $0x300, s9;
	[dreg:$0xf] =	wrdreg s12  }
0xd: {  	s14 =	sadd.s32 $0x400, s9;
	[dreg:$0x10] =	wrdreg s13  }
0xe: {  	s15 =	sadd.s32 $0x500, s9;
	[dreg:$0x11] =	wrdreg s14  }
0xf: {  	s17 =	sadd.s32 $0x600, s9;
	[dreg:$0x12] =	wrdreg s15  }
0x10: {  	s20 =	sadd.s32 $0x1A00, s0;
	[dreg:$0x13] =	wrdreg s17  }
0x11: {  	s19 =	sadd.s32 $0x700, s9;
	[dreg:$0x1c] =	wrdreg s20  }
0x12: {  	s21 =	sadd.s32 $0x800, s9;
	[dreg:$0x14] =	wrdreg s19  }
0x13: {  	s22 =	sadd.s32 $0x900, s9;
	[dreg:$0x15] =	wrdreg s21  }
0x14: {  	s24 =	sadd.s32 $0xA00, s9;
	s26 =	sadd.s32 $0xB00, s9;
	[dreg:$0x16] =	wrdreg s22  }
0x15: {  	s23 =	ssub.s32 $0x2, s2;
	s28 =	sshll.u32 s2, $0x4;
	[dreg:$0x17] =	wrdreg s24  }
0x16: {  	p0 =	sne.s32 s2, $0x0;
	s2 =	sadd.s32 $0x800, s10;
	[dreg:$0x18] =	wrdreg s26  }
0x17: {  	s8 =	sadd.s32 $0x100, s9;
	[smem:$0x7E8] =	sst s2  }
0x18: {  	s12 =	sadd.s32 $0x1C00, s0;
	[dreg:$0xe] =	wrdreg s8  }
0x19: {  	s13 =	sadd.s32 $0x1D00, s0;
	[dreg:$0x1f] =	wrdreg s12  }
0x1a: {  	s14 =	sadd.s32 $0x1E00, s0;
	[smem:$0x7DA] =	sst s13  }
0x1b: {  	s15 =	sadd.s32 $0x1F00, s0;
	[smem:$0x7DB] =	sst s14  }
0x1c: {  	s19 =	sadd.s32 $0x2000, s0;
	[smem:$0x7DC] =	sst s15  }
0x1d: {  	s20 =	sadd.s32 $0x2100, s0;
	[smem:$0x7DD] =	sst s19  }
0x1e: {  	s22 =	sadd.s32 $0x2200, s0;
	[smem:$0x7DE] =	sst s20  }
0x1f: {  	s21 =	simm.s32 $0x6080;
	[smem:$0x7DF] =	sst s22  }
0x20: {  	s24 =	sadd.s32 $0x2300, s0;
	[dreg:$0x1a] =	wrdreg s21  }
0x21: {  	s26 =	sadd.s32 $0x300, s10;
	[smem:$0x7E0] =	sst s24  }
0x22: {  	s17 =	sor.u32 s11, s28;
	s28 =	sadd.s32 $0x400, s10;
	[smem:$0x7E3] =	sst s26  }
0x23: {  	s3 =	sadd.s32 $0x900, s10;
	[smem:$0x7E4] =	sst s28  }
0x24: {  	s8 =	sadd.s32 $0x200, s10;
	[smem:$0x7E9] =	sst s3  }
0x25: {  	s12 =	sadd.s32 $0x300, s16;
	[smem:$0x7D9] =	sst s8  }
0x26: {  	s13 =	sadd.s32 $0x400, s16;
	[smem:$0x7EE] =	sst s12  }
0x27: {  	s14 =	sadd.s32 $0x500, s16;
	[smem:$0x7EF] =	sst s13  }
0x28: {  	s15 =	sadd.s32 $0x600, s16;
	[smem:$0x7F0] =	sst s14  }
0x29: {  	s7 =	sshrl.u32 s1, $0x3;
	s19 =	sadd.s32 $0x700, s16;
	[smem:$0x7F1] =	sst s15  }
0x2a: {  	s6 =	sshrl.u32 s4, $0x3;
	s20 =	sadd.s32 $0x800, s16;
	[smem:$0x7F2] =	sst s19  }
0x2b: {  	s6 =	smul.u32 $0xC00, s6;
	s21 =	sadd.s32 $0x900, s16;
	[smem:$0x7F3] =	sst s20  }
0x2c: {  	s7 =	smul.u32 $0xC00, s7;
	s22 =	sadd.s32 $0xA00, s16;
	[smem:$0x7F4] =	sst s21  }
0x2d: {  	s30 =	sadd.s32 s9, s6;
	[smem:$0x7F5] =	sst s22  }
0x2e: {  	s7 =	sadd.s32 $0x36D800, s7;
	s6 =	sadd.s32 s16, s6;
	[dreg:$0x9] =	wrdreg s30  }
0x2f: {  	s31 =	sadd.s32 s9, s7;
	[dreg:$0xa] =	wrdreg s6  }
0x30: {  	s7 =	sadd.s32 s16, s7;
	[dreg:$0xb] =	wrdreg s31  }
0x31: {  	s18 =	smul.u32 $0xC00, s11;
	s9 =	sadd.s32 $0x1B00, s0;
	[dreg:$0xc] =	wrdreg s7  }
0x32: {  	s25 =	sshrl.u32 s23, $0x1;
	s31 =	sadd.s32 $0x100, s10;
	[dreg:$0x1e] =	wrdreg s9  }
0x33: {  	s30 =	ssub.s32 s23, s25;
	s23 =	simm.s32 $0x6880;
	[smem:$0x7D8] =	sst s31  }
0x34: {  	s25 =	sadd.s32 $0x2400, s0;
	[dreg:$0x1b] =	wrdreg s23  }
0x35: {  	s6 =	sadd.s32 s18, s0;
	s0 =	sadd.s32 $0x2500, s0;
	[smem:$0x7E1] =	sst s25  }
0x36: {  	p1 =	seq.s32 s11, $0xF;
	s9 =	sadd.s32 $0xB00, s10;
	[smem:$0x7E2] =	sst s0  }
0x37: {  	s18 =	sshll.u32 s11, $0x7;
	s11 =	sadd.s32 $0x200, s16;
	[smem:$0x7EB] =	sst s9  }
0x38: {  	[smem:$0x7ED] =	sst s11  }
0x39: {  	s29 =	sadd.s32 $0x4A00, s6;
	[dreg:$0x1d] =	wrdreg s18  }
0x3a: {  	s8 =	smax.u32 s30, $0x1;
	s30 =	sadd.s32 $0x600, s10;
	[dreg:$0x19] =	wrdreg s29  }
0x3b: {  	s31 =	sadd.s32 $0x700, s10;
	[smem:$0x7E6] =	sst s30  }
0x3c: {  	s6 =	sadd.s32 $0xA00, s10;
	[smem:$0x7E7] =	sst s31  }
0x3d: {  	s23 =	sadd.s32 $0xB00, s16;
	[smem:$0x7EA] =	sst s6  }
0x3e: {  	v0 =	vmov s17;
	s24 =	sor.u32 $0x10, s18;
	[smem:$0x7F6] =	sst s23  }
0x3f: {  	v2 =	vshrl.u32 v0, $0x3;
	s25 =	sor.u32 $0x20, s18;
	[smem:$0x7F7] =	sst s24  }
0x40: {  	v1 =	vmov s4;
	v3 =	vmul.u32 $0xC0, v2;
	s26 =	sor.u32 $0x30, s18;
	[smem:$0x7F8] =	sst s25  }
0x41: {  	vm1 =	vmmov $0xffff;
	v5 =	vshrl.u32 v1, $0x3;
	v4 =	vand.u32 $0x7, v0;
	s28 =	sor.u32 $0x40, s18;
	[smem:$0x7F9] =	sst s26  }
0x42: {  	v7 =	vmul.u32 $0xC0, v5;
	s29 =	sadd.s32 $0x500, s10;
	[smem:$0x7FA] =	sst s28;
	v6 =	vor.u32 v4, v3;
	v4 =	vlaneseq.u32  }
0x43: {  	s10 =	sadd.s32 $0x100, s16;
	[smem:$0x7E5] =	sst s29;
	v3 =	vand.u32 $0x7, v4;
	v5 =	vshrl.u32 v4, $0x3;
	v4 =	vor.u32 $0x8, v4  }
0x44: {  	s30 =	sor.u32 $0x60, s18;
	[smem:$0x7EC] =	sst s10;
	v5 =	vmul.u32 $0x8, v5;
	v8 =	vperm.xlane v6, v3;
	v9 =	vperm.xlane v6, v4  }
0x45: {  	vm0 =	vmmov @!p0 $0xffff;
	s7 =	sadd.s32 $0x2710, s1;
	s31 =	sor.u32 $0x70, s18;
	[smem:$0x7FC] =	sst s30;
	v10 =	vperm.xlane v7, v3;
	v11 =	vperm.xlane v7, v4  }
0x46: {  	v2 =	vmov s1;
	s29 =	sor.u32 $0x50, s18;
	[smem:$0x7FD] =	sst s31;
	v6 =	vmov s7;
	v7 =	vadd.s32 v5, v8  }
0x47: {  	s17 =	simm.s32 $0x3;
	[smem:$0x7FB] =	sst s29;
	v8 =	vadd.s32 v5, v9;
	v9 =	vadd.s32 v5, v10;
	v10 =	vadd.s32 v5, v11  }
.LBB2_1:
0x48: {  	[smem:$0x7D7] =	sst s8  }
0x49: {  	s18 =	rddreg [dreg:$0xb]  }
0x4a: {  	s19 =	rddreg [dreg:$0xc];
	s7 =	simm.s32 @p1 $0x1FC1;
	s1 =	stileid.u32  }
0x4b: {  	[hbm:s19], [sflag:s7] =	dma.local @p1 [hbm:s18], $0x3C000  }
0x4c: {  	s19 =	sshll.u32 @!p1 s1, $0x6;
	s7 =	rddreg [dreg:$0x9]  }
0x4d: {  	s18 =	rddreg [dreg:$0xa];
	s19 =	sor.u32 @!p1 $0x1C01, s19  }
0x4e: {  	[hbm:s18], [sflag:s19] =	dma.local @!p1 [hbm:s7], $0x3A800  }
0x4f: {  	s18 =	simm.s32 @!p0 $0x0;
	s7 =	rddreg [dreg:$0xd]  }
0x50: {  	[tilespmem:s18], [sflag:$0x4] =	stream.linear.gather @!p0 [hbm4b:s7+s18], $0x8, $0x38;
	[tilespmem:$0x13180] =	vst v63  }
0x51: {  	s7 =	simm.s32 @!p0 $0x4  }
0x52: {  	_ =	swait.ge @!p0 [sflag:s7], $0x8  }
0x53: {  	[sflag:s7] =	ssyncset.done @!p0 $0x0  }
0x54: {  	[sflag:s7] =	ssyncadd.s32 @!p0 $0xFFFFFFF8  }
0x55: {  	v11 =	vld.msk @!p0 [tilespmem:$0x0], $0xff;
	_ =	sdelay $0x4  }
0x56: {  	v12 =	vshrl.u32 @!p0 v11, $0x3  }
0x57: {  	v12 =	vmul.u32 @!p0 $0xC0, v12  }
0x58: {  	v13 =	vlaneseq.u32 @!p0;
	v11 =	vand.u32 @!p0 $0x7, v11  }
0x59: {  	v11 =	vor.u32 @!p0 v11, v12;
	v12 =	vand.u32 @!p0 $0x7, v13;
	v13 =	vshrl.u32 @!p0 v13, $0x3  }
0x5a: {  	v11 =	vperm.xlane @!p0 v11, v12;
	v12 =	vmul.u32 @!p0 $0x8, v13;
	_ =	sdelay $0x1  }
0x5b: {  	v11 =	vadd.s32 @!p0 v12, v11;
	_ =	sdelay $0x3  }
0x5c: {  	s19 =	simm.s32 @!p0 $0x80;
	s1 =	rddreg [dreg:$0x0]  }
0x5d: {  	[tilespmem:s19], [sflag:$0x2] =	stream.indirect_vreg.gather @!p0 [hbm4b:s1+s18], $0x80, v11, vm0, $0xb8;
	[tilespmem:$0x13180] =	vst v63  }
0x5e: {  	s21 =	simm.s32 @!p0 $0x880;
	s20 =	rddreg [dreg:$0xe]  }
0x5f: {  	[tilespmem:s21], [sflag:$0x2] =	stream.indirect_vreg.gather @!p0 [hbm4b:s20+s18], $0x80, v11, vm0, $0xb8;
	[tilespmem:$0x13180] =	vst v63  }
0x60: {  	s1 =	rddreg [dreg:$0xf];
	s20 =	simm.s32 @!p0 $0x1080  }
0x61: {  	[tilespmem:s20], [sflag:$0x2] =	stream.indirect_vreg.gather @!p0 [hbm4b:s1+s18], $0x80, v11, vm0, $0xb8;
	[tilespmem:$0x13180] =	vst v63  }
0x62: {  	s21 =	rddreg [dreg:$0x10];
	s1 =	simm.s32 @!p0 $0x1880  }
0x63: {  	[tilespmem:s1], [sflag:$0x2] =	stream.indirect_vreg.gather @!p0 [hbm4b:s21+s18], $0x80, v11, vm0, $0xb8;
	[tilespmem:$0x13180] =	vst v63  }
0x64: {  	s20 =	rddreg [dreg:$0x11];
	s1 =	simm.s32 @!p0 $0x2080  }
0x65: {  	[tilespmem:s1], [sflag:$0x2] =	stream.indirect_vreg.gather @!p0 [hbm4b:s20+s18], $0x80, v11, vm0, $0xb8;
	[tilespmem:$0x13180] =	vst v63  }
0x66: {  	s21 =	rddreg [dreg:$0x12];
	s1 =	simm.s32 @!p0 $0x2880  }
0x67: {  	[tilespmem:s1], [sflag:$0x2] =	stream.indirect_vreg.gather @!p0 [hbm4b:s21+s18], $0x80, v11, vm0, $0xb8;
	[tilespmem:$0x13180] =	vst v63  }
0x68: {  	s20 =	rddreg [dreg:$0x13];
	s1 =	simm.s32 @!p0 $0x3080  }
0x69: {  	[tilespmem:s1], [sflag:$0x2] =	stream.indirect_vreg.gather @!p0 [hbm4b:s20+s18], $0x80, v11, vm0, $0xb8;
	[tilespmem:$0x13180] =	vst v63  }
0x6a: {  	s21 =	rddreg [dreg:$0x14];
	s1 =	simm.s32 @!p0 $0x3880  }
0x6b: {  	[tilespmem:s1], [sflag:$0x2] =	stream.indirect_vreg.gather @!p0 [hbm4b:s21+s18], $0x80, v11, vm0, $0xb8;
	[tilespmem:$0x13180] =	vst v63  }
0x6c: {  	s20 =	rddreg [dreg:$0x15];
	s1 =	simm.s32 @!p0 $0x4080  }
0x6d: {  	[tilespmem:s1], [sflag:$0x2] =	stream.indirect_vreg.gather @!p0 [hbm4b:s20+s18], $0x80, v11, vm0, $0xb8;
	[tilespmem:$0x13180] =	vst v63  }
0x6e: {  	s21 =	rddreg [dreg:$0x16];
	s1 =	simm.s32 @!p0 $0x4880  }
0x6f: {  	[tilespmem:s1], [sflag:$0x2] =	stream.indirect_vreg.gather @!p0 [hbm4b:s21+s18], $0x80, v11, vm0, $0xb8;
	[tilespmem:$0x13180] =	vst v63  }
0x70: {  	s20 =	rddreg [dreg:$0x17];
	s1 =	simm.s32 @!p0 $0x5080  }
0x71: {  	[tilespmem:s1], [sflag:$0x2] =	stream.indirect_vreg.gather @!p0 [hbm4b:s20+s18], $0x80, v11, vm0, $0xb8;
	[tilespmem:$0x13180] =	vst v63  }
0x72: {  	s21 =	rddreg [dreg:$0x18];
	s1 =	simm.s32 @!p0 $0x5880  }
0x73: {  	[tilespmem:s1], [sflag:$0x2] =	stream.indirect_vreg.gather @!p0 [hbm4b:s21+s18], $0x80, v11, vm0, $0xb8;
	[tilespmem:$0x13180] =	vst v63  }
0x74: {  	s1 =	simm.s32 @!p0 $0x2  }
0x75: {  	_ =	swait.ge @!p0 [sflag:s1], $0x6000  }
0x76: {  	[sflag:s1] =	ssyncset.done @!p0 $0x0  }
0x77: {  	s20 =	rddreg [dreg:$0x19];
	[sflag:s1] =	ssyncadd.s32 @!p0 $0xFFFFA000  }
0x78: {  	[hbm4b:s20+s18] =	stream.linear.scatter @!p0 [tilespmem:s19], [sflag:$0x4], $0x6000, $0x38;
	[tilespmem:$0x13180] =	vst v63  }
0x79: {  	_ =	swait.ge @!p0 [sflag:s7], $0x6000  }
0x7a: {  	s22 =	rddreg [dreg:$0x8];
	[sflag:s7] =	ssyncset.done @!p0 $0x0  }
0x7b: {  	s4 =	simm.s32 $0x4;
	s23 =	rddreg [dreg:$0x1a];
	[sflag:s7] =	ssyncadd.s32 @!p0 $0xFFFFA000  }
0x7c: {  	[tilespmem:s23], [sflag:$0x4] =	stream.linear.gather [hbm4b:s22+s5], $0x800, $0x38;
	[tilespmem:$0x13180] =	vst v63  }
0x7d: {  	_ =	swait.ge [sflag:s4], $0x800  }
0x7e: {  	s24 =	rddreg [dreg:$0x7];
	[sflag:s4] =	ssyncset.done $0x0  }
0x7f: {  	s25 =	rddreg [dreg:$0x1b];
	[sflag:s4] =	ssyncadd.s32 $0xFFFFF800  }
0x80: {  	[tilespmem:s25], [sflag:$0x4] =	stream.linear.gather [hbm4b:s24+s5], $0x800, $0x38;
	[tilespmem:$0x13180] =	vst v63  }
0x81: {  	_ =	swait.ge [sflag:s4], $0x800  }
0x82: {  	[sflag:s4] =	ssyncset.done $0x0  }
0x83: {  	s1 =	simm.s32 @p1 $0x1;
	[sflag:s4] =	ssyncadd.s32 $0xFFFFF800  }
0x84: {  	_ =	swait.ge @p1 [sflag:s1], $0x3C000  }
0x85: {  	[sflag:s1] =	ssyncset.done @p1 $0x0  }
0x86: {  	[sflag:s1] =	ssyncadd.s32 @p1 $0xFFFC4000;
	s1 =	simm.s32 @!p1 $0x1  }
0x87: {  	_ =	swait.ge @!p1 [sflag:s1], $0x3A800  }
0x88: {  	[sflag:s1] =	ssyncset.done @!p1 $0x0  }
0x89: {  	[sflag:s1] =	ssyncadd.s32 @!p1 $0xFFFC5800  }
0x8a: {  	[bflag:$0x0] =	sbarrier.arrive $0xFFFF  }
0x8b: {  	s26 =	rddreg [dreg:$0x1d]  }
0x8c: {  	v11 =	vld [tilespmem:s26+$0x6080];
	_ =	sdelay $0x1  }
0x8d: {  	v33 =	vld [tilespmem:s26+$0x6880];
	_ =	sdelay $0x2  }
0x8e: {  	vm2 =	vge.s32 v11, v2;
	vm3 =	vlt.s32 v11, v6  }
0x8f: {  	vm2 =	vmand vm2, vm3  }
0x90: {  	v12 =	vnsel vm2, $0x0, v33  }
0x91: {  	v34 =	vshrl.u32 v12, $0x3  }
0x92: {  	v13 =	vmul.u32 $0xC0, v34  }
0x93: {  	v14 =	vand.u32 $0x7, v12  }
0x94: {  	v13 =	vor.u32 v14, v13  }
0x95: {  	v14 =	vperm.xlane v13, v3;
	_ =	sdelay $0x1  }
0x96: {  	v14 =	vadd.s32 v5, v14;
	_ =	sdelay $0x1  }
0x97: {  	v11 =	vsel vm2, v11, v1  }
0x98: {  	s28 =	rddreg [dreg:$0x1];
	[tilespmem:$0x7100] =	vst v11  }
0x99: {  	s29 =	simm.s32 $0x7180;
	s23 =	sld [smem:$0x7D8];
	[tilespmem:$0x7080] =	vst v12  }
0x9a: {  	[tilespmem:s29], [sflag:$0x3] =	stream.indirect_vreg.gather [hbm4b:s28+s5], $0x80, v14, vm1, $0xb8;
	[tilespmem:$0x13180] =	vst v63  }
0x9b: {  	s30 =	simm.s32 $0x7980;
	s8 =	sld [smem:$0x7D9]  }
0x9c: {  	[tilespmem:s30], [sflag:$0x3] =	stream.indirect_vreg.gather [hbm4b:s23+s5], $0x80, v14, vm1, $0xb8;
	[tilespmem:$0x13180] =	vst v63  }
0x9d: {  	s31 =	simm.s32 $0x8180;
	s9 =	sld [smem:$0x7E3]  }
0x9e: {  	[tilespmem:s31], [sflag:$0x3] =	stream.indirect_vreg.gather [hbm4b:s8+s5], $0x80, v14, vm1, $0xb8;
	[tilespmem:$0x13180] =	vst v63  }
0x9f: {  	s0 =	simm.s32 $0x8980;
	s18 =	sld [smem:$0x7E4]  }
0xa0: {  	[tilespmem:s0], [sflag:$0x3] =	stream.indirect_vreg.gather [hbm4b:s9+s5], $0x80, v14, vm1, $0xb8;
	[tilespmem:$0x13180] =	vst v63  }
0xa1: {  	s1 =	simm.s32 $0x9180;
	s19 =	sld [smem:$0x7E5]  }
0xa2: {  	[tilespmem:s1], [sflag:$0x3] =	stream.indirect_vreg.gather [hbm4b:s18+s5], $0x80, v14, vm1, $0xb8;
	[tilespmem:$0x13180] =	vst v63  }
0xa3: {  	s2 =	simm.s32 $0x9980;
	s20 =	sld [smem:$0x7E6]  }
0xa4: {  	[tilespmem:s2], [sflag:$0x3] =	stream.indirect_vreg.gather [hbm4b:s19+s5], $0x80, v14, vm1, $0xb8;
	[tilespmem:$0x13180] =	vst v63  }
0xa5: {  	s4 =	simm.s32 $0xA180  }
0xa6: {  	[tilespmem:s4], [sflag:$0x3] =	stream.indirect_vreg.gather [hbm4b:s20+s5], $0x80, v14, vm1, $0xb8;
	[tilespmem:$0x13180] =	vst v63  }
0xa7: {  	s4 =	sld [smem:$0x7E7];
	_ =	sdelay $0x1  }
0xa8: {  	s14 =	simm.s32 $0xA980;
	s29 =	sld [smem:$0x7E8]  }
0xa9: {  	[tilespmem:s14], [sflag:$0x3] =	stream.indirect_vreg.gather [hbm4b:s4+s5], $0x80, v14, vm1, $0xb8;
	[tilespmem:$0x13180] =	vst v63  }
0xaa: {  	s15 =	simm.s32 $0xB180;
	s30 =	sld [smem:$0x7E9]  }
0xab: {  	[tilespmem:s15], [sflag:$0x3] =	stream.indirect_vreg.gather [hbm4b:s29+s5], $0x80, v14, vm1, $0xb8;
	[tilespmem:$0x13180] =	vst v63  }
0xac: {  	s16 =	simm.s32 $0xB980;
	v11 =	vperm.xlane v13, v4;
	s31 =	sld [smem:$0x7EA]  }
0xad: {  	[tilespmem:s16], [sflag:$0x3] =	stream.indirect_vreg.gather [hbm4b:s30+s5], $0x80, v14, vm1, $0xb8;
	[tilespmem:$0x13180] =	vst v63  }
0xae: {  	s22 =	simm.s32 $0xC180;
	v11 =	vadd.s32 v5, v11;
	s1 =	sld [smem:$0x7EB]  }
0xaf: {  	[tilespmem:s22], [sflag:$0x3] =	stream.indirect_vreg.gather [hbm4b:s31+s5], $0x80, v14, vm1, $0xb8;
	[tilespmem:$0x13180] =	vst v63  }
0xb0: {  	s24 =	simm.s32 $0xC980  }
0xb1: {  	[tilespmem:s24], [sflag:$0x3] =	stream.indirect_vreg.gather [hbm4b:s1+s5], $0x80, v14, vm1, $0xb8;
	[tilespmem:$0x13180] =	vst v63  }
0xb2: {  	s25 =	simm.s32 $0xD180  }
0xb3: {  	[tilespmem:s25], [sflag:$0x3] =	stream.indirect_vreg.gather [hbm4b:s28+s5], $0x80, v11, vm1, $0xb8;
	[tilespmem:$0x13180] =	vst v63  }
0xb4: {  	s26 =	simm.s32 $0xD980  }
0xb5: {  	[tilespmem:s26], [sflag:$0x3] =	stream.indirect_vreg.gather [hbm4b:s23+s5], $0x80, v11, vm1, $0xb8;
	[tilespmem:$0x13180] =	vst v63  }
0xb6: {  	s28 =	simm.s32 $0xE180  }
0xb7: {  	[tilespmem:s28], [sflag:$0x3] =	stream.indirect_vreg.gather [hbm4b:s8+s5], $0x80, v11, vm1, $0xb8;
	[tilespmem:$0x13180] =	vst v63  }
0xb8: {  	s21 =	simm.s32 $0xE980  }
0xb9: {  	[tilespmem:s21], [sflag:$0x3] =	stream.indirect_vreg.gather [hbm4b:s9+s5], $0x80, v11, vm1, $0xb8;
	[tilespmem:$0x13180] =	vst v63  }
0xba: {  	s24 =	simm.s32 $0xF180  }
0xbb: {  	[tilespmem:s24], [sflag:$0x3] =	stream.indirect_vreg.gather [hbm4b:s18+s5], $0x80, v11, vm1, $0xb8;
	[tilespmem:$0x13180] =	vst v63  }
0xbc: {  	s25 =	simm.s32 $0xF980  }
0xbd: {  	[tilespmem:s25], [sflag:$0x3] =	stream.indirect_vreg.gather [hbm4b:s19+s5], $0x80, v11, vm1, $0xb8;
	[tilespmem:$0x13180] =	vst v63  }
0xbe: {  	s28 =	simm.s32 $0x10180  }
0xbf: {  	[tilespmem:s28], [sflag:$0x3] =	stream.indirect_vreg.gather [hbm4b:s20+s5], $0x80, v11, vm1, $0xb8;
	[tilespmem:$0x13180] =	vst v63  }
0xc0: {  	s21 =	simm.s32 $0x10980  }
0xc1: {  	[tilespmem:s21], [sflag:$0x3] =	stream.indirect_vreg.gather [hbm4b:s4+s5], $0x80, v11, vm1, $0xb8;
	[tilespmem:$0x13180] =	vst v63  }
0xc2: {  	s24 =	simm.s32 $0x11180  }
0xc3: {  	[tilespmem:s24], [sflag:$0x3] =	stream.indirect_vreg.gather [hbm4b:s29+s5], $0x80, v11, vm1, $0xb8;
	[tilespmem:$0x13180] =	vst v63  }
0xc4: {  	s25 =	simm.s32 $0x11980  }
0xc5: {  	[tilespmem:s25], [sflag:$0x3] =	stream.indirect_vreg.gather [hbm4b:s30+s5], $0x80, v11, vm1, $0xb8;
	[tilespmem:$0x13180] =	vst v63  }
0xc6: {  	s28 =	simm.s32 $0x12180  }
0xc7: {  	[tilespmem:s28], [sflag:$0x3] =	stream.indirect_vreg.gather [hbm4b:s31+s5], $0x80, v11, vm1, $0xb8;
	[tilespmem:$0x13180] =	vst v63  }
0xc8: {  	s21 =	simm.s32 $0x12980  }
0xc9: {  	[tilespmem:s21], [sflag:$0x3] =	stream.indirect_vreg.gather [hbm4b:s1+s5], $0x80, v11, vm1, $0xb8;
	[tilespmem:$0x13180] =	vst v63  }
0xca: {  	_ =	swait.ge [sflag:s17], $0xC000  }
0xcb: {  	[sflag:s17] =	ssyncset.done $0x0  }
0xcc: {  	[sflag:s17] =	ssyncadd.s32 $0xFFFF4000  }
0xcd: {  	v11 =	vld [tilespmem:$0x7100];
	_ =	sdelay $0x4  }
0xce: {  	v35 =	vshrl.u32 v11, $0x3  }
0xcf: {  	v12 =	vmul.u32 $0xC0, v35  }
0xd0: {  	v11 =	vand.u32 $0x7, v11  }
0xd1: {  	v11 =	vor.u32 v11, v12  }
0xd2: {  	v12 =	vperm.xlane v11, v3;
	_ =	sdelay $0x1  }
0xd3: {  	v12 =	vadd.s32 v5, v12;
	_ =	sdelay $0x3  }
0xd4: {  	s3 =	simm.s32 $0x7180;
	s7 =	rddreg [dreg:$0x5]  }
0xd5: {  	[hbm4b:s7+s5] =	stream.indirect_vreg.scatter [tilespmem:s3], [sflag:$0x3], $0x80, v12, vm1, $0xb8;
	[tilespmem:$0x13180] =	vst v63  }
0xd6: {  	s3 =	sld [smem:$0x7EC];
	_ =	sdelay $0x1  }
0xd7: {  	s6 =	simm.s32 $0x7980;
	s28 =	sld [smem:$0x7ED]  }
0xd8: {  	[hbm4b:s3+s5] =	stream.indirect_vreg.scatter [tilespmem:s6], [sflag:$0x3], $0x80, v12, vm1, $0xb8;
	[tilespmem:$0x13180] =	vst v63  }
0xd9: {  	s10 =	simm.s32 $0x8180;
	s6 =	sld [smem:$0x7EE]  }
0xda: {  	[hbm4b:s28+s5] =	stream.indirect_vreg.scatter [tilespmem:s10], [sflag:$0x3], $0x80, v12, vm1, $0xb8;
	[tilespmem:$0x13180] =	vst v63  }
0xdb: {  	s11 =	simm.s32 $0x8980;
	s10 =	sld [smem:$0x7EF]  }
0xdc: {  	[hbm4b:s6+s5] =	stream.indirect_vreg.scatter [tilespmem:s11], [sflag:$0x3], $0x80, v12, vm1, $0xb8;
	[tilespmem:$0x13180] =	vst v63  }
0xdd: {  	s12 =	simm.s32 $0x9180;
	s11 =	sld [smem:$0x7F0]  }
0xde: {  	[hbm4b:s10+s5] =	stream.indirect_vreg.scatter [tilespmem:s12], [sflag:$0x3], $0x80, v12, vm1, $0xb8;
	[tilespmem:$0x13180] =	vst v63  }
0xdf: {  	s13 =	simm.s32 $0x9980;
	s12 =	sld [smem:$0x7F1]  }
0xe0: {  	[hbm4b:s11+s5] =	stream.indirect_vreg.scatter [tilespmem:s13], [sflag:$0x3], $0x80, v12, vm1, $0xb8;
	[tilespmem:$0x13180] =	vst v63  }
0xe1: {  	s0 =	simm.s32 $0xA180;
	s13 =	sld [smem:$0x7F2]  }
0xe2: {  	[hbm4b:s12+s5] =	stream.indirect_vreg.scatter [tilespmem:s0], [sflag:$0x3], $0x80, v12, vm1, $0xb8;
	[tilespmem:$0x13180] =	vst v63  }
0xe3: {  	s14 =	simm.s32 $0xA980  }
0xe4: {  	[hbm4b:s13+s5] =	stream.indirect_vreg.scatter [tilespmem:s14], [sflag:$0x3], $0x80, v12, vm1, $0xb8;
	[tilespmem:$0x13180] =	vst v63  }
0xe5: {  	s14 =	sld [smem:$0x7F3];
	_ =	sdelay $0x1  }
0xe6: {  	s15 =	simm.s32 $0xB180  }
0xe7: {  	[hbm4b:s14+s5] =	stream.indirect_vreg.scatter [tilespmem:s15], [sflag:$0x3], $0x80, v12, vm1, $0xb8;
	[tilespmem:$0x13180] =	vst v63  }
0xe8: {  	s15 =	sld [smem:$0x7F4];
	_ =	sdelay $0x1  }
0xe9: {  	s16 =	simm.s32 $0xB980  }
0xea: {  	[hbm4b:s15+s5] =	stream.indirect_vreg.scatter [tilespmem:s16], [sflag:$0x3], $0x80, v12, vm1, $0xb8;
	[tilespmem:$0x13180] =	vst v63  }
0xeb: {  	s16 =	sld [smem:$0x7F5];
	_ =	sdelay $0x1  }
0xec: {  	s2 =	simm.s32 $0xC180;
	v11 =	vperm.xlane v11, v4  }
0xed: {  	[hbm4b:s16+s5] =	stream.indirect_vreg.scatter [tilespmem:s2], [sflag:$0x3], $0x80, v12, vm1, $0xb8;
	[tilespmem:$0x13180] =	vst v63  }
0xee: {  	v11 =	vadd.s32 v5, v11;
	s2 =	sld [smem:$0x7F6];
	_ =	sdelay $0x1  }
0xef: {  	s22 =	simm.s32 $0xC980  }
0xf0: {  	[hbm4b:s2+s5] =	stream.indirect_vreg.scatter [tilespmem:s22], [sflag:$0x3], $0x80, v12, vm1, $0xb8;
	[tilespmem:$0x13180] =	vst v63  }
0xf1: {  	s22 =	simm.s32 $0xD180  }
0xf2: {  	[hbm4b:s7+s5] =	stream.indirect_vreg.scatter [tilespmem:s22], [sflag:$0x3], $0x80, v11, vm1, $0xb8;
	[tilespmem:$0x13180] =	vst v63  }
0xf3: {  	s26 =	simm.s32 $0xD980  }
0xf4: {  	[hbm4b:s3+s5] =	stream.indirect_vreg.scatter [tilespmem:s26], [sflag:$0x3], $0x80, v11, vm1, $0xb8;
	[tilespmem:$0x13180] =	vst v63  }
0xf5: {  	s7 =	simm.s32 $0xE180  }
0xf6: {  	[hbm4b:s28+s5] =	stream.indirect_vreg.scatter [tilespmem:s7], [sflag:$0x3], $0x80, v11, vm1, $0xb8;
	[tilespmem:$0x13180] =	vst v63  }
0xf7: {  	s26 =	simm.s32 $0xE980  }
0xf8: {  	[hbm4b:s6+s5] =	stream.indirect_vreg.scatter [tilespmem:s26], [sflag:$0x3], $0x80, v11, vm1, $0xb8;
	[tilespmem:$0x13180] =	vst v63  }
0xf9: {  	s7 =	simm.s32 $0xF180  }
0xfa: {  	[hbm4b:s10+s5] =	stream.indirect_vreg.scatter [tilespmem:s7], [sflag:$0x3], $0x80, v11, vm1, $0xb8;
	[tilespmem:$0x13180] =	vst v63  }
0xfb: {  	s22 =	simm.s32 $0xF980  }
0xfc: {  	[hbm4b:s11+s5] =	stream.indirect_vreg.scatter [tilespmem:s22], [sflag:$0x3], $0x80, v11, vm1, $0xb8;
	[tilespmem:$0x13180] =	vst v63  }
0xfd: {  	s22 =	simm.s32 $0x10180  }
0xfe: {  	[hbm4b:s12+s5] =	stream.indirect_vreg.scatter [tilespmem:s22], [sflag:$0x3], $0x80, v11, vm1, $0xb8;
	[tilespmem:$0x13180] =	vst v63  }
0xff: {  	s0 =	simm.s32 $0x10980  }
0x100: {  	[hbm4b:s13+s5] =	stream.indirect_vreg.scatter [tilespmem:s0], [sflag:$0x3], $0x80, v11, vm1, $0xb8;
	[tilespmem:$0x13180] =	vst v63  }
0x101: {  	s22 =	simm.s32 $0x11180  }
0x102: {  	[hbm4b:s14+s5] =	stream.indirect_vreg.scatter [tilespmem:s22], [sflag:$0x3], $0x80, v11, vm1, $0xb8;
	[tilespmem:$0x13180] =	vst v63  }
0x103: {  	s25 =	simm.s32 $0x11980  }
0x104: {  	[hbm4b:s15+s5] =	stream.indirect_vreg.scatter [tilespmem:s25], [sflag:$0x3], $0x80, v11, vm1, $0xb8;
	[tilespmem:$0x13180] =	vst v63  }
0x105: {  	s24 =	simm.s32 $0x12180  }
0x106: {  	[hbm4b:s16+s5] =	stream.indirect_vreg.scatter [tilespmem:s24], [sflag:$0x3], $0x80, v11, vm1, $0xb8;
	[tilespmem:$0x13180] =	vst v63  }
0x107: {  	s21 =	simm.s32 $0x12980  }
0x108: {  	[hbm4b:s2+s5] =	stream.indirect_vreg.scatter [tilespmem:s21], [sflag:$0x3], $0x80, v11, vm1, $0xb8;
	[tilespmem:$0x13180] =	vst v63  }
0x109: {  	_ =	swait.ge [sflag:s17], $0xC000  }
0x10a: {  	s24 =	sld [smem:$0x7F7]  }
0x10b: {  	[sflag:s17] =	ssyncset.done $0x0  }
0x10c: {  	[sflag:s17] =	ssyncadd.s32 $0xFFFF4000  }
0x10d: {  	v11 =	vld [tilespmem:s24+$0x6080];
	_ =	sdelay $0x1  }
0x10e: {  	v36 =	vld [tilespmem:s24+$0x6880];
	_ =	sdelay $0x2  }
0x10f: {  	vm2 =	vge.s32 v11, v2;
	vm3 =	vlt.s32 v11, v6  }
0x110: {  	vm2 =	vmand vm2, vm3  }
0x111: {  	v12 =	vnsel vm2, $0x0, v36  }
0x112: {  	v37 =	vshrl.u32 v12, $0x3  }
0x113: {  	v13 =	vmul.u32 $0xC0, v37  }
0x114: {  	v38 =	vand.u32 $0x7, v12  }
0x115: {  	v13 =	vor.u32 v38, v13  }
0x116: {  	v14 =	vperm.xlane v13, v3;
	_ =	sdelay $0x1  }
0x117: {  	v14 =	vadd.s32 v5, v14;
	_ =	sdelay $0x1  }
0x118: {  	v11 =	vsel vm2, v11, v1  }
0x119: {  	[tilespmem:$0x7100] =	vst v11  }
0x11a: {  	s25 =	simm.s32 $0x7180;
	s21 =	rddreg [dreg:$0x1];
	[tilespmem:$0x7080] =	vst v12  }
0x11b: {  	[tilespmem:s25], [sflag:$0x3] =	stream.indirect_vreg.gather [hbm4b:s21+s5], $0x80, v14, vm1, $0xb8;
	[tilespmem:$0x13180] =	vst v63  }
0x11c: {  	s25 =	simm.s32 $0x7980  }
0x11d: {  	[tilespmem:s25], [sflag:$0x3] =	stream.indirect_vreg.gather [hbm4b:s23+s5], $0x80, v14, vm1, $0xb8;
	[tilespmem:$0x13180] =	vst v63  }
0x11e: {  	s25 =	simm.s32 $0x8180  }
0x11f: {  	[tilespmem:s25], [sflag:$0x3] =	stream.indirect_vreg.gather [hbm4b:s8+s5], $0x80, v14, vm1, $0xb8;
	[tilespmem:$0x13180] =	vst v63  }
0x120: {  	s25 =	simm.s32 $0x8980  }
0x121: {  	[tilespmem:s25], [sflag:$0x3] =	stream.indirect_vreg.gather [hbm4b:s9+s5], $0x80, v14, vm1, $0xb8;
	[tilespmem:$0x13180] =	vst v63  }
0x122: {  	s25 =	simm.s32 $0x9180  }
0x123: {  	[tilespmem:s25], [sflag:$0x3] =	stream.indirect_vreg.gather [hbm4b:s18+s5], $0x80, v14, vm1, $0xb8;
	[tilespmem:$0x13180] =	vst v63  }
0x124: {  	s25 =	simm.s32 $0x9980  }
0x125: {  	[tilespmem:s25], [sflag:$0x3] =	stream.indirect_vreg.gather [hbm4b:s19+s5], $0x80, v14, vm1, $0xb8;
	[tilespmem:$0x13180] =	vst v63  }
0x126: {  	s25 =	simm.s32 $0xA180  }
0x127: {  	[tilespmem:s25], [sflag:$0x3] =	stream.indirect_vreg.gather [hbm4b:s20+s5], $0x80, v14, vm1, $0xb8;
	[tilespmem:$0x13180] =	vst v63  }
0x128: {  	s25 =	simm.s32 $0xA980  }
0x129: {  	[tilespmem:s25], [sflag:$0x3] =	stream.indirect_vreg.gather [hbm4b:s4+s5], $0x80, v14, vm1, $0xb8;
	[tilespmem:$0x13180] =	vst v63  }
0x12a: {  	s25 =	simm.s32 $0xB180  }
0x12b: {  	[tilespmem:s25], [sflag:$0x3] =	stream.indirect_vreg.gather [hbm4b:s29+s5], $0x80, v14, vm1, $0xb8;
	[tilespmem:$0x13180] =	vst v63  }
0x12c: {  	v11 =	vperm.xlane v13, v4;
	s25 =	simm.s32 $0xB980  }
0x12d: {  	[tilespmem:s25], [sflag:$0x3] =	stream.indirect_vreg.gather [hbm4b:s30+s5], $0x80, v14, vm1, $0xb8;
	[tilespmem:$0x13180] =	vst v63  }
0x12e: {  	v11 =	vadd.s32 v5, v11;
	s25 =	simm.s32 $0xC180  }
0x12f: {  	[tilespmem:s25], [sflag:$0x3] =	stream.indirect_vreg.gather [hbm4b:s31+s5], $0x80, v14, vm1, $0xb8;
	[tilespmem:$0x13180] =	vst v63  }
0x130: {  	s25 =	simm.s32 $0xC980  }
0x131: {  	[tilespmem:s25], [sflag:$0x3] =	stream.indirect_vreg.gather [hbm4b:s1+s5], $0x80, v14, vm1, $0xb8;
	[tilespmem:$0x13180] =	vst v63  }
0x132: {  	s24 =	simm.s32 $0xD180  }
0x133: {  	[tilespmem:s24], [sflag:$0x3] =	stream.indirect_vreg.gather [hbm4b:s21+s5], $0x80, v11, vm1, $0xb8;
	[tilespmem:$0x13180] =	vst v63  }
0x134: {  	s25 =	simm.s32 $0xD980  }
0x135: {  	[tilespmem:s25], [sflag:$0x3] =	stream.indirect_vreg.gather [hbm4b:s23+s5], $0x80, v11, vm1, $0xb8;
	[tilespmem:$0x13180] =	vst v63  }
0x136: {  	s21 =	simm.s32 $0xE180  }
0x137: {  	[tilespmem:s21], [sflag:$0x3] =	stream.indirect_vreg.gather [hbm4b:s8+s5], $0x80, v11, vm1, $0xb8;
	[tilespmem:$0x13180] =	vst v63  }
0x138: {  	_ = 	snop  }
0x139: {  	[tilespmem:s26], [sflag:$0x3] =	stream.indirect_vreg.gather [hbm4b:s9+s5], $0x80, v11, vm1, $0xb8;
	[tilespmem:$0x13180] =	vst v63  }
0x13a: {  	_ = 	snop  }
0x13b: {  	[tilespmem:s7], [sflag:$0x3] =	stream.indirect_vreg.gather [hbm4b:s18+s5], $0x80, v11, vm1, $0xb8;
	[tilespmem:$0x13180] =	vst v63  }
0x13c: {  	s7 =	simm.s32 $0xF980  }
0x13d: {  	[tilespmem:s7], [sflag:$0x3] =	stream.indirect_vreg.gather [hbm4b:s19+s5], $0x80, v11, vm1, $0xb8;
	[tilespmem:$0x13180] =	vst v63  }
0x13e: {  	s7 =	simm.s32 $0x10180  }
0x13f: {  	[tilespmem:s7], [sflag:$0x3] =	stream.indirect_vreg.gather [hbm4b:s20+s5], $0x80, v11, vm1, $0xb8;
	[tilespmem:$0x13180] =	vst v63  }
0x140: {  	_ = 	snop  }
0x141: {  	[tilespmem:s0], [sflag:$0x3] =	stream.indirect_vreg.gather [hbm4b:s4+s5], $0x80, v11, vm1, $0xb8;
	[tilespmem:$0x13180] =	vst v63  }
0x142: {  	_ = 	snop  }
0x143: {  	[tilespmem:s22], [sflag:$0x3] =	stream.indirect_vreg.gather [hbm4b:s29+s5], $0x80, v11, vm1, $0xb8;
	[tilespmem:$0x13180] =	vst v63  }
0x144: {  	s7 =	simm.s32 $0x11980  }
0x145: {  	[tilespmem:s7], [sflag:$0x3] =	stream.indirect_vreg.gather [hbm4b:s30+s5], $0x80, v11, vm1, $0xb8;
	[tilespmem:$0x13180] =	vst v63  }
0x146: {  	s7 =	simm.s32 $0x12180  }
0x147: {  	[tilespmem:s7], [sflag:$0x3] =	stream.indirect_vreg.gather [hbm4b:s31+s5], $0x80, v11, vm1, $0xb8;
	[tilespmem:$0x13180] =	vst v63  }
0x148: {  	s7 =	simm.s32 $0x12980  }
0x149: {  	[tilespmem:s7], [sflag:$0x3] =	stream.indirect_vreg.gather [hbm4b:s1+s5], $0x80, v11, vm1, $0xb8;
	[tilespmem:$0x13180] =	vst v63  }
0x14a: {  	_ =	swait.ge [sflag:s17], $0xC000  }
0x14b: {  	[sflag:s17] =	ssyncset.done $0x0  }
0x14c: {  	[sflag:s17] =	ssyncadd.s32 $0xFFFF4000  }
0x14d: {  	v11 =	vld [tilespmem:$0x7100];
	_ =	sdelay $0x4  }
0x14e: {  	v39 =	vshrl.u32 v11, $0x3  }
0x14f: {  	v12 =	vmul.u32 $0xC0, v39  }
0x150: {  	v11 =	vand.u32 $0x7, v11  }
0x151: {  	v11 =	vor.u32 v11, v12  }
0x152: {  	v12 =	vperm.xlane v11, v3;
	_ =	sdelay $0x1  }
0x153: {  	v12 =	vadd.s32 v5, v12;
	_ =	sdelay $0x3  }
0x154: {  	s7 =	simm.s32 $0x7180;
	s0 =	rddreg [dreg:$0x5]  }
0x155: {  	[hbm4b:s0+s5] =	stream.indirect_vreg.scatter [tilespmem:s7], [sflag:$0x3], $0x80, v12, vm1, $0xb8;
	[tilespmem:$0x13180] =	vst v63  }
0x156: {  	s7 =	simm.s32 $0x7980  }
0x157: {  	[hbm4b:s3+s5] =	stream.indirect_vreg.scatter [tilespmem:s7], [sflag:$0x3], $0x80, v12, vm1, $0xb8;
	[tilespmem:$0x13180] =	vst v63  }
0x158: {  	s7 =	simm.s32 $0x8180  }
0x159: {  	[hbm4b:s28+s5] =	stream.indirect_vreg.scatter [tilespmem:s7], [sflag:$0x3], $0x80, v12, vm1, $0xb8;
	[tilespmem:$0x13180] =	vst v63  }
0x15a: {  	s7 =	simm.s32 $0x8980  }
0x15b: {  	[hbm4b:s6+s5] =	stream.indirect_vreg.scatter [tilespmem:s7], [sflag:$0x3], $0x80, v12, vm1, $0xb8;
	[tilespmem:$0x13180] =	vst v63  }
0x15c: {  	s7 =	simm.s32 $0x9180  }
0x15d: {  	[hbm4b:s10+s5] =	stream.indirect_vreg.scatter [tilespmem:s7], [sflag:$0x3], $0x80, v12, vm1, $0xb8;
	[tilespmem:$0x13180] =	vst v63  }
0x15e: {  	s7 =	simm.s32 $0x9980  }
0x15f: {  	[hbm4b:s11+s5] =	stream.indirect_vreg.scatter [tilespmem:s7], [sflag:$0x3], $0x80, v12, vm1, $0xb8;
	[tilespmem:$0x13180] =	vst v63  }
0x160: {  	s7 =	simm.s32 $0xA180  }
0x161: {  	[hbm4b:s12+s5] =	stream.indirect_vreg.scatter [tilespmem:s7], [sflag:$0x3], $0x80, v12, vm1, $0xb8;
	[tilespmem:$0x13180] =	vst v63  }
0x162: {  	s7 =	simm.s32 $0xA980  }
0x163: {  	[hbm4b:s13+s5] =	stream.indirect_vreg.scatter [tilespmem:s7], [sflag:$0x3], $0x80, v12, vm1, $0xb8;
	[tilespmem:$0x13180] =	vst v63  }
0x164: {  	s7 =	simm.s32 $0xB180  }
0x165: {  	[hbm4b:s14+s5] =	stream.indirect_vreg.scatter [tilespmem:s7], [sflag:$0x3], $0x80, v12, vm1, $0xb8;
	[tilespmem:$0x13180] =	vst v63  }
0x166: {  	v11 =	vperm.xlane v11, v4;
	s7 =	simm.s32 $0xB980  }
0x167: {  	[hbm4b:s15+s5] =	stream.indirect_vreg.scatter [tilespmem:s7], [sflag:$0x3], $0x80, v12, vm1, $0xb8;
	[tilespmem:$0x13180] =	vst v63  }
0x168: {  	v11 =	vadd.s32 v5, v11;
	s7 =	simm.s32 $0xC180  }
0x169: {  	[hbm4b:s16+s5] =	stream.indirect_vreg.scatter [tilespmem:s7], [sflag:$0x3], $0x80, v12, vm1, $0xb8;
	[tilespmem:$0x13180] =	vst v63  }
0x16a: {  	s7 =	simm.s32 $0xC980  }
0x16b: {  	[hbm4b:s2+s5] =	stream.indirect_vreg.scatter [tilespmem:s7], [sflag:$0x3], $0x80, v12, vm1, $0xb8;
	[tilespmem:$0x13180] =	vst v63  }
0x16c: {  	_ = 	snop  }
0x16d: {  	[hbm4b:s0+s5] =	stream.indirect_vreg.scatter [tilespmem:s24], [sflag:$0x3], $0x80, v11, vm1, $0xb8;
	[tilespmem:$0x13180] =	vst v63  }
0x16e: {  	_ = 	snop  }
0x16f: {  	[hbm4b:s3+s5] =	stream.indirect_vreg.scatter [tilespmem:s25], [sflag:$0x3], $0x80, v11, vm1, $0xb8;
	[tilespmem:$0x13180] =	vst v63  }
0x170: {  	_ = 	snop  }
0x171: {  	[hbm4b:s28+s5] =	stream.indirect_vreg.scatter [tilespmem:s21], [sflag:$0x3], $0x80, v11, vm1, $0xb8;
	[tilespmem:$0x13180] =	vst v63  }
0x172: {  	s26 =	simm.s32 $0xE980  }
0x173: {  	[hbm4b:s6+s5] =	stream.indirect_vreg.scatter [tilespmem:s26], [sflag:$0x3], $0x80, v11, vm1, $0xb8;
	[tilespmem:$0x13180] =	vst v63  }
0x174: {  	s26 =	simm.s32 $0xF180  }
0x175: {  	[hbm4b:s10+s5] =	stream.indirect_vreg.scatter [tilespmem:s26], [sflag:$0x3], $0x80, v11, vm1, $0xb8;
	[tilespmem:$0x13180] =	vst v63  }
0x176: {  	s7 =	simm.s32 $0xF980  }
0x177: {  	[hbm4b:s11+s5] =	stream.indirect_vreg.scatter [tilespmem:s7], [sflag:$0x3], $0x80, v11, vm1, $0xb8;
	[tilespmem:$0x13180] =	vst v63  }
0x178: {  	s26 =	simm.s32 $0x10180  }
0x179: {  	[hbm4b:s12+s5] =	stream.indirect_vreg.scatter [tilespmem:s26], [sflag:$0x3], $0x80, v11, vm1, $0xb8;
	[tilespmem:$0x13180] =	vst v63  }
0x17a: {  	s21 =	simm.s32 $0x10980  }
0x17b: {  	[hbm4b:s13+s5] =	stream.indirect_vreg.scatter [tilespmem:s21], [sflag:$0x3], $0x80, v11, vm1, $0xb8;
	[tilespmem:$0x13180] =	vst v63  }
0x17c: {  	s22 =	simm.s32 $0x11180  }
0x17d: {  	[hbm4b:s14+s5] =	stream.indirect_vreg.scatter [tilespmem:s22], [sflag:$0x3], $0x80, v11, vm1, $0xb8;
	[tilespmem:$0x13180] =	vst v63  }
0x17e: {  	s22 =	simm.s32 $0x11980  }
0x17f: {  	[hbm4b:s15+s5] =	stream.indirect_vreg.scatter [tilespmem:s22], [sflag:$0x3], $0x80, v11, vm1, $0xb8;
	[tilespmem:$0x13180] =	vst v63  }
0x180: {  	s26 =	simm.s32 $0x12180  }
0x181: {  	[hbm4b:s16+s5] =	stream.indirect_vreg.scatter [tilespmem:s26], [sflag:$0x3], $0x80, v11, vm1, $0xb8;
	[tilespmem:$0x13180] =	vst v63  }
0x182: {  	s21 =	simm.s32 $0x12980  }
0x183: {  	[hbm4b:s2+s5] =	stream.indirect_vreg.scatter [tilespmem:s21], [sflag:$0x3], $0x80, v11, vm1, $0xb8;
	[tilespmem:$0x13180] =	vst v63  }
0x184: {  	_ =	swait.ge [sflag:s17], $0xC000  }
0x185: {  	s22 =	sld [smem:$0x7F8]  }
0x186: {  	[sflag:s17] =	ssyncset.done $0x0  }
0x187: {  	[sflag:s17] =	ssyncadd.s32 $0xFFFF4000  }
0x188: {  	v11 =	vld [tilespmem:s22+$0x6080];
	_ =	sdelay $0x1  }
0x189: {  	v40 =	vld [tilespmem:s22+$0x6880];
	_ =	sdelay $0x2  }
0x18a: {  	vm2 =	vge.s32 v11, v2;
	vm3 =	vlt.s32 v11, v6  }
0x18b: {  	vm2 =	vmand vm2, vm3  }
0x18c: {  	v12 =	vnsel vm2, $0x0, v40  }
0x18d: {  	v41 =	vshrl.u32 v12, $0x3  }
0x18e: {  	v13 =	vmul.u32 $0xC0, v41  }
0x18f: {  	v42 =	vand.u32 $0x7, v12  }
0x190: {  	v13 =	vor.u32 v42, v13  }
0x191: {  	v14 =	vperm.xlane v13, v3;
	_ =	sdelay $0x1  }
0x192: {  	v14 =	vadd.s32 v5, v14;
	_ =	sdelay $0x1  }
0x193: {  	v11 =	vsel vm2, v11, v1  }
0x194: {  	[tilespmem:$0x7100] =	vst v11  }
0x195: {  	s26 =	simm.s32 $0x7180;
	s21 =	rddreg [dreg:$0x1];
	[tilespmem:$0x7080] =	vst v12  }
0x196: {  	[tilespmem:s26], [sflag:$0x3] =	stream.indirect_vreg.gather [hbm4b:s21+s5], $0x80, v14, vm1, $0xb8;
	[tilespmem:$0x13180] =	vst v63  }
0x197: {  	s22 =	simm.s32 $0x7980  }
0x198: {  	[tilespmem:s22], [sflag:$0x3] =	stream.indirect_vreg.gather [hbm4b:s23+s5], $0x80, v14, vm1, $0xb8;
	[tilespmem:$0x13180] =	vst v63  }
0x199: {  	s26 =	simm.s32 $0x8180  }
0x19a: {  	[tilespmem:s26], [sflag:$0x3] =	stream.indirect_vreg.gather [hbm4b:s8+s5], $0x80, v14, vm1, $0xb8;
	[tilespmem:$0x13180] =	vst v63  }
0x19b: {  	s22 =	simm.s32 $0x8980  }
0x19c: {  	[tilespmem:s22], [sflag:$0x3] =	stream.indirect_vreg.gather [hbm4b:s9+s5], $0x80, v14, vm1, $0xb8;
	[tilespmem:$0x13180] =	vst v63  }
0x19d: {  	s26 =	simm.s32 $0x9180  }
0x19e: {  	[tilespmem:s26], [sflag:$0x3] =	stream.indirect_vreg.gather [hbm4b:s18+s5], $0x80, v14, vm1, $0xb8;
	[tilespmem:$0x13180] =	vst v63  }
0x19f: {  	s22 =	simm.s32 $0x9980  }
0x1a0: {  	[tilespmem:s22], [sflag:$0x3] =	stream.indirect_vreg.gather [hbm4b:s19+s5], $0x80, v14, vm1, $0xb8;
	[tilespmem:$0x13180] =	vst v63  }
0x1a1: {  	s26 =	simm.s32 $0xA180  }
0x1a2: {  	[tilespmem:s26], [sflag:$0x3] =	stream.indirect_vreg.gather [hbm4b:s20+s5], $0x80, v14, vm1, $0xb8;
	[tilespmem:$0x13180] =	vst v63  }
0x1a3: {  	s22 =	simm.s32 $0xA980  }
0x1a4: {  	[tilespmem:s22], [sflag:$0x3] =	stream.indirect_vreg.gather [hbm4b:s4+s5], $0x80, v14, vm1, $0xb8;
	[tilespmem:$0x13180] =	vst v63  }
0x1a5: {  	s7 =	simm.s32 $0xB180  }
0x1a6: {  	[tilespmem:s7], [sflag:$0x3] =	stream.indirect_vreg.gather [hbm4b:s29+s5], $0x80, v14, vm1, $0xb8;
	[tilespmem:$0x13180] =	vst v63  }
0x1a7: {  	v11 =	vperm.xlane v13, v4;
	s26 =	simm.s32 $0xB980  }
0x1a8: {  	[tilespmem:s26], [sflag:$0x3] =	stream.indirect_vreg.gather [hbm4b:s30+s5], $0x80, v14, vm1, $0xb8;
	[tilespmem:$0x13180] =	vst v63  }
0x1a9: {  	v11 =	vadd.s32 v5, v11;
	s22 =	simm.s32 $0xC180  }
0x1aa: {  	[tilespmem:s22], [sflag:$0x3] =	stream.indirect_vreg.gather [hbm4b:s31+s5], $0x80, v14, vm1, $0xb8;
	[tilespmem:$0x13180] =	vst v63  }
0x1ab: {  	s22 =	simm.s32 $0xC980  }
0x1ac: {  	[tilespmem:s22], [sflag:$0x3] =	stream.indirect_vreg.gather [hbm4b:s1+s5], $0x80, v14, vm1, $0xb8;
	[tilespmem:$0x13180] =	vst v63  }
0x1ad: {  	s22 =	simm.s32 $0xD180  }
0x1ae: {  	[tilespmem:s22], [sflag:$0x3] =	stream.indirect_vreg.gather [hbm4b:s21+s5], $0x80, v11, vm1, $0xb8;
	[tilespmem:$0x13180] =	vst v63  }
0x1af: {  	s25 =	simm.s32 $0xD980  }
0x1b0: {  	[tilespmem:s25], [sflag:$0x3] =	stream.indirect_vreg.gather [hbm4b:s23+s5], $0x80, v11, vm1, $0xb8;
	[tilespmem:$0x13180] =	vst v63  }
0x1b1: {  	s24 =	simm.s32 $0xE180  }
0x1b2: {  	[tilespmem:s24], [sflag:$0x3] =	stream.indirect_vreg.gather [hbm4b:s8+s5], $0x80, v11, vm1, $0xb8;
	[tilespmem:$0x13180] =	vst v63  }
0x1b3: {  	s0 =	simm.s32 $0xE980  }
0x1b4: {  	[tilespmem:s0], [sflag:$0x3] =	stream.indirect_vreg.gather [hbm4b:s9+s5], $0x80, v11, vm1, $0xb8;
	[tilespmem:$0x13180] =	vst v63  }
0x1b5: {  	s21 =	simm.s32 $0xF180  }
0x1b6: {  	[tilespmem:s21], [sflag:$0x3] =	stream.indirect_vreg.gather [hbm4b:s18+s5], $0x80, v11, vm1, $0xb8;
	[tilespmem:$0x13180] =	vst v63  }
0x1b7: {  	s24 =	simm.s32 $0xF980  }
0x1b8: {  	[tilespmem:s24], [sflag:$0x3] =	stream.indirect_vreg.gather [hbm4b:s19+s5], $0x80, v11, vm1, $0xb8;
	[tilespmem:$0x13180] =	vst v63  }
0x1b9: {  	s25 =	simm.s32 $0x10180  }
0x1ba: {  	[tilespmem:s25], [sflag:$0x3] =	stream.indirect_vreg.gather [hbm4b:s20+s5], $0x80, v11, vm1, $0xb8;
	[tilespmem:$0x13180] =	vst v63  }
0x1bb: {  	s26 =	simm.s32 $0x10980  }
0x1bc: {  	[tilespmem:s26], [sflag:$0x3] =	stream.indirect_vreg.gather [hbm4b:s4+s5], $0x80, v11, vm1, $0xb8;
	[tilespmem:$0x13180] =	vst v63  }
0x1bd: {  	s24 =	simm.s32 $0x11180  }
0x1be: {  	[tilespmem:s24], [sflag:$0x3] =	stream.indirect_vreg.gather [hbm4b:s29+s5], $0x80, v11, vm1, $0xb8;
	[tilespmem:$0x13180] =	vst v63  }
0x1bf: {  	s26 =	simm.s32 $0x11980  }
0x1c0: {  	[tilespmem:s26], [sflag:$0x3] =	stream.indirect_vreg.gather [hbm4b:s30+s5], $0x80, v11, vm1, $0xb8;
	[tilespmem:$0x13180] =	vst v63  }
0x1c1: {  	s25 =	simm.s32 $0x12180  }
0x1c2: {  	[tilespmem:s25], [sflag:$0x3] =	stream.indirect_vreg.gather [hbm4b:s31+s5], $0x80, v11, vm1, $0xb8;
	[tilespmem:$0x13180] =	vst v63  }
0x1c3: {  	s22 =	simm.s32 $0x12980  }
0x1c4: {  	[tilespmem:s22], [sflag:$0x3] =	stream.indirect_vreg.gather [hbm4b:s1+s5], $0x80, v11, vm1, $0xb8;
	[tilespmem:$0x13180] =	vst v63  }
0x1c5: {  	_ =	swait.ge [sflag:s17], $0xC000  }
0x1c6: {  	[sflag:s17] =	ssyncset.done $0x0  }
0x1c7: {  	[sflag:s17] =	ssyncadd.s32 $0xFFFF4000  }
0x1c8: {  	v11 =	vld [tilespmem:$0x7100];
	_ =	sdelay $0x4  }
0x1c9: {  	v43 =	vshrl.u32 v11, $0x3  }
0x1ca: {  	v12 =	vmul.u32 $0xC0, v43  }
0x1cb: {  	v11 =	vand.u32 $0x7, v11  }
0x1cc: {  	v11 =	vor.u32 v11, v12  }
0x1cd: {  	v12 =	vperm.xlane v11, v3;
	_ =	sdelay $0x1  }
0x1ce: {  	v12 =	vadd.s32 v5, v12;
	_ =	sdelay $0x3  }
0x1cf: {  	s22 =	simm.s32 $0x7180;
	s0 =	rddreg [dreg:$0x5]  }
0x1d0: {  	[hbm4b:s0+s5] =	stream.indirect_vreg.scatter [tilespmem:s22], [sflag:$0x3], $0x80, v12, vm1, $0xb8;
	[tilespmem:$0x13180] =	vst v63  }
0x1d1: {  	s22 =	simm.s32 $0x7980  }
0x1d2: {  	[hbm4b:s3+s5] =	stream.indirect_vreg.scatter [tilespmem:s22], [sflag:$0x3], $0x80, v12, vm1, $0xb8;
	[tilespmem:$0x13180] =	vst v63  }
0x1d3: {  	s22 =	simm.s32 $0x8180  }
0x1d4: {  	[hbm4b:s28+s5] =	stream.indirect_vreg.scatter [tilespmem:s22], [sflag:$0x3], $0x80, v12, vm1, $0xb8;
	[tilespmem:$0x13180] =	vst v63  }
0x1d5: {  	s22 =	simm.s32 $0x8980  }
0x1d6: {  	[hbm4b:s6+s5] =	stream.indirect_vreg.scatter [tilespmem:s22], [sflag:$0x3], $0x80, v12, vm1, $0xb8;
	[tilespmem:$0x13180] =	vst v63  }
0x1d7: {  	s22 =	simm.s32 $0x9180  }
0x1d8: {  	[hbm4b:s10+s5] =	stream.indirect_vreg.scatter [tilespmem:s22], [sflag:$0x3], $0x80, v12, vm1, $0xb8;
	[tilespmem:$0x13180] =	vst v63  }
0x1d9: {  	s22 =	simm.s32 $0x9980  }
0x1da: {  	[hbm4b:s11+s5] =	stream.indirect_vreg.scatter [tilespmem:s22], [sflag:$0x3], $0x80, v12, vm1, $0xb8;
	[tilespmem:$0x13180] =	vst v63  }
0x1db: {  	s22 =	simm.s32 $0xA180  }
0x1dc: {  	[hbm4b:s12+s5] =	stream.indirect_vreg.scatter [tilespmem:s22], [sflag:$0x3], $0x80, v12, vm1, $0xb8;
	[tilespmem:$0x13180] =	vst v63  }
0x1dd: {  	s22 =	simm.s32 $0xA980  }
0x1de: {  	[hbm4b:s13+s5] =	stream.indirect_vreg.scatter [tilespmem:s22], [sflag:$0x3], $0x80, v12, vm1, $0xb8;
	[tilespmem:$0x13180] =	vst v63  }
0x1df: {  	_ = 	snop  }
0x1e0: {  	[hbm4b:s14+s5] =	stream.indirect_vreg.scatter [tilespmem:s7], [sflag:$0x3], $0x80, v12, vm1, $0xb8;
	[tilespmem:$0x13180] =	vst v63  }
0x1e1: {  	v11 =	vperm.xlane v11, v4;
	s22 =	simm.s32 $0xB980  }
0x1e2: {  	[hbm4b:s15+s5] =	stream.indirect_vreg.scatter [tilespmem:s22], [sflag:$0x3], $0x80, v12, vm1, $0xb8;
	[tilespmem:$0x13180] =	vst v63  }
0x1e3: {  	v11 =	vadd.s32 v5, v11;
	s22 =	simm.s32 $0xC180  }
0x1e4: {  	[hbm4b:s16+s5] =	stream.indirect_vreg.scatter [tilespmem:s22], [sflag:$0x3], $0x80, v12, vm1, $0xb8;
	[tilespmem:$0x13180] =	vst v63  }
0x1e5: {  	s22 =	simm.s32 $0xC980  }
0x1e6: {  	[hbm4b:s2+s5] =	stream.indirect_vreg.scatter [tilespmem:s22], [sflag:$0x3], $0x80, v12, vm1, $0xb8;
	[tilespmem:$0x13180] =	vst v63  }
0x1e7: {  	s22 =	simm.s32 $0xD180  }
0x1e8: {  	[hbm4b:s0+s5] =	stream.indirect_vreg.scatter [tilespmem:s22], [sflag:$0x3], $0x80, v11, vm1, $0xb8;
	[tilespmem:$0x13180] =	vst v63  }
0x1e9: {  	s22 =	simm.s32 $0xD980  }
0x1ea: {  	[hbm4b:s3+s5] =	stream.indirect_vreg.scatter [tilespmem:s22], [sflag:$0x3], $0x80, v11, vm1, $0xb8;
	[tilespmem:$0x13180] =	vst v63  }
0x1eb: {  	s22 =	simm.s32 $0xE180  }
0x1ec: {  	[hbm4b:s28+s5] =	stream.indirect_vreg.scatter [tilespmem:s22], [sflag:$0x3], $0x80, v11, vm1, $0xb8;
	[tilespmem:$0x13180] =	vst v63  }
0x1ed: {  	s22 =	simm.s32 $0xE980  }
0x1ee: {  	[hbm4b:s6+s5] =	stream.indirect_vreg.scatter [tilespmem:s22], [sflag:$0x3], $0x80, v11, vm1, $0xb8;
	[tilespmem:$0x13180] =	vst v63  }
0x1ef: {  	_ = 	snop  }
0x1f0: {  	[hbm4b:s10+s5] =	stream.indirect_vreg.scatter [tilespmem:s21], [sflag:$0x3], $0x80, v11, vm1, $0xb8;
	[tilespmem:$0x13180] =	vst v63  }
0x1f1: {  	s21 =	simm.s32 $0xF980  }
0x1f2: {  	[hbm4b:s11+s5] =	stream.indirect_vreg.scatter [tilespmem:s21], [sflag:$0x3], $0x80, v11, vm1, $0xb8;
	[tilespmem:$0x13180] =	vst v63  }
0x1f3: {  	s22 =	simm.s32 $0x10180  }
0x1f4: {  	[hbm4b:s12+s5] =	stream.indirect_vreg.scatter [tilespmem:s22], [sflag:$0x3], $0x80, v11, vm1, $0xb8;
	[tilespmem:$0x13180] =	vst v63  }
0x1f5: {  	s21 =	simm.s32 $0x10980  }
0x1f6: {  	[hbm4b:s13+s5] =	stream.indirect_vreg.scatter [tilespmem:s21], [sflag:$0x3], $0x80, v11, vm1, $0xb8;
	[tilespmem:$0x13180] =	vst v63  }
0x1f7: {  	_ = 	snop  }
0x1f8: {  	[hbm4b:s14+s5] =	stream.indirect_vreg.scatter [tilespmem:s24], [sflag:$0x3], $0x80, v11, vm1, $0xb8;
	[tilespmem:$0x13180] =	vst v63  }
0x1f9: {  	_ = 	snop  }
0x1fa: {  	[hbm4b:s15+s5] =	stream.indirect_vreg.scatter [tilespmem:s26], [sflag:$0x3], $0x80, v11, vm1, $0xb8;
	[tilespmem:$0x13180] =	vst v63  }
0x1fb: {  	_ = 	snop  }
0x1fc: {  	[hbm4b:s16+s5] =	stream.indirect_vreg.scatter [tilespmem:s25], [sflag:$0x3], $0x80, v11, vm1, $0xb8;
	[tilespmem:$0x13180] =	vst v63  }
0x1fd: {  	s22 =	simm.s32 $0x12980  }
0x1fe: {  	[hbm4b:s2+s5] =	stream.indirect_vreg.scatter [tilespmem:s22], [sflag:$0x3], $0x80, v11, vm1, $0xb8;
	[tilespmem:$0x13180] =	vst v63  }
0x1ff: {  	_ =	swait.ge [sflag:s17], $0xC000  }
0x200: {  	s24 =	sld [smem:$0x7F9]  }
0x201: {  	[sflag:s17] =	ssyncset.done $0x0  }
0x202: {  	[sflag:s17] =	ssyncadd.s32 $0xFFFF4000  }
0x203: {  	v11 =	vld [tilespmem:s24+$0x6080];
	_ =	sdelay $0x1  }
0x204: {  	v44 =	vld [tilespmem:s24+$0x6880];
	_ =	sdelay $0x2  }
0x205: {  	vm2 =	vge.s32 v11, v2;
	vm3 =	vlt.s32 v11, v6  }
0x206: {  	vm2 =	vmand vm2, vm3  }
0x207: {  	v12 =	vnsel vm2, $0x0, v44  }
0x208: {  	v45 =	vshrl.u32 v12, $0x3  }
0x209: {  	v13 =	vmul.u32 $0xC0, v45  }
0x20a: {  	v46 =	vand.u32 $0x7, v12  }
0x20b: {  	v13 =	vor.u32 v46, v13  }
0x20c: {  	v14 =	vperm.xlane v13, v3;
	_ =	sdelay $0x1  }
0x20d: {  	v14 =	vadd.s32 v5, v14;
	_ =	sdelay $0x1  }
0x20e: {  	v11 =	vsel vm2, v11, v1  }
0x20f: {  	[tilespmem:$0x7100] =	vst v11  }
0x210: {  	s21 =	simm.s32 $0x7180;
	s0 =	rddreg [dreg:$0x1];
	[tilespmem:$0x7080] =	vst v12  }
0x211: {  	[tilespmem:s21], [sflag:$0x3] =	stream.indirect_vreg.gather [hbm4b:s0+s5], $0x80, v14, vm1, $0xb8;
	[tilespmem:$0x13180] =	vst v63  }
0x212: {  	s24 =	simm.s32 $0x7980  }
0x213: {  	[tilespmem:s24], [sflag:$0x3] =	stream.indirect_vreg.gather [hbm4b:s23+s5], $0x80, v14, vm1, $0xb8;
	[tilespmem:$0x13180] =	vst v63  }
0x214: {  	s25 =	simm.s32 $0x8180  }
0x215: {  	[tilespmem:s25], [sflag:$0x3] =	stream.indirect_vreg.gather [hbm4b:s8+s5], $0x80, v14, vm1, $0xb8;
	[tilespmem:$0x13180] =	vst v63  }
0x216: {  	s26 =	simm.s32 $0x8980  }
0x217: {  	[tilespmem:s26], [sflag:$0x3] =	stream.indirect_vreg.gather [hbm4b:s9+s5], $0x80, v14, vm1, $0xb8;
	[tilespmem:$0x13180] =	vst v63  }
0x218: {  	s22 =	simm.s32 $0x9180  }
0x219: {  	[tilespmem:s22], [sflag:$0x3] =	stream.indirect_vreg.gather [hbm4b:s18+s5], $0x80, v14, vm1, $0xb8;
	[tilespmem:$0x13180] =	vst v63  }
0x21a: {  	s26 =	simm.s32 $0x9980  }
0x21b: {  	[tilespmem:s26], [sflag:$0x3] =	stream.indirect_vreg.gather [hbm4b:s19+s5], $0x80, v14, vm1, $0xb8;
	[tilespmem:$0x13180] =	vst v63  }
0x21c: {  	s25 =	simm.s32 $0xA180  }
0x21d: {  	[tilespmem:s25], [sflag:$0x3] =	stream.indirect_vreg.gather [hbm4b:s20+s5], $0x80, v14, vm1, $0xb8;
	[tilespmem:$0x13180] =	vst v63  }
0x21e: {  	s25 =	simm.s32 $0xA980  }
0x21f: {  	[tilespmem:s25], [sflag:$0x3] =	stream.indirect_vreg.gather [hbm4b:s4+s5], $0x80, v14, vm1, $0xb8;
	[tilespmem:$0x13180] =	vst v63  }
0x220: {  	s7 =	simm.s32 $0xB180  }
0x221: {  	[tilespmem:s7], [sflag:$0x3] =	stream.indirect_vreg.gather [hbm4b:s29+s5], $0x80, v14, vm1, $0xb8;
	[tilespmem:$0x13180] =	vst v63  }
0x222: {  	v11 =	vperm.xlane v13, v4;
	s22 =	simm.s32 $0xB980  }
0x223: {  	[tilespmem:s22], [sflag:$0x3] =	stream.indirect_vreg.gather [hbm4b:s30+s5], $0x80, v14, vm1, $0xb8;
	[tilespmem:$0x13180] =	vst v63  }
0x224: {  	v11 =	vadd.s32 v5, v11;
	s22 =	simm.s32 $0xC180  }
0x225: {  	[tilespmem:s22], [sflag:$0x3] =	stream.indirect_vreg.gather [hbm4b:s31+s5], $0x80, v14, vm1, $0xb8;
	[tilespmem:$0x13180] =	vst v63  }
0x226: {  	s7 =	simm.s32 $0xC980  }
0x227: {  	[tilespmem:s7], [sflag:$0x3] =	stream.indirect_vreg.gather [hbm4b:s1+s5], $0x80, v14, vm1, $0xb8;
	[tilespmem:$0x13180] =	vst v63  }
0x228: {  	s22 =	simm.s32 $0xD180  }
0x229: {  	[tilespmem:s22], [sflag:$0x3] =	stream.indirect_vreg.gather [hbm4b:s0+s5], $0x80, v11, vm1, $0xb8;
	[tilespmem:$0x13180] =	vst v63  }
0x22a: {  	s22 =	simm.s32 $0xD980  }
0x22b: {  	[tilespmem:s22], [sflag:$0x3] =	stream.indirect_vreg.gather [hbm4b:s23+s5], $0x80, v11, vm1, $0xb8;
	[tilespmem:$0x13180] =	vst v63  }
0x22c: {  	s22 =	simm.s32 $0xE180  }
0x22d: {  	[tilespmem:s22], [sflag:$0x3] =	stream.indirect_vreg.gather [hbm4b:s8+s5], $0x80, v11, vm1, $0xb8;
	[tilespmem:$0x13180] =	vst v63  }
0x22e: {  	s22 =	simm.s32 $0xE980  }
0x22f: {  	[tilespmem:s22], [sflag:$0x3] =	stream.indirect_vreg.gather [hbm4b:s9+s5], $0x80, v11, vm1, $0xb8;
	[tilespmem:$0x13180] =	vst v63  }
0x230: {  	s22 =	simm.s32 $0xF180  }
0x231: {  	[tilespmem:s22], [sflag:$0x3] =	stream.indirect_vreg.gather [hbm4b:s18+s5], $0x80, v11, vm1, $0xb8;
	[tilespmem:$0x13180] =	vst v63  }
0x232: {  	s22 =	simm.s32 $0xF980  }
0x233: {  	[tilespmem:s22], [sflag:$0x3] =	stream.indirect_vreg.gather [hbm4b:s19+s5], $0x80, v11, vm1, $0xb8;
	[tilespmem:$0x13180] =	vst v63  }
0x234: {  	s22 =	simm.s32 $0x10180  }
0x235: {  	[tilespmem:s22], [sflag:$0x3] =	stream.indirect_vreg.gather [hbm4b:s20+s5], $0x80, v11, vm1, $0xb8;
	[tilespmem:$0x13180] =	vst v63  }
0x236: {  	s22 =	simm.s32 $0x10980  }
0x237: {  	[tilespmem:s22], [sflag:$0x3] =	stream.indirect_vreg.gather [hbm4b:s4+s5], $0x80, v11, vm1, $0xb8;
	[tilespmem:$0x13180] =	vst v63  }
0x238: {  	s22 =	simm.s32 $0x11180  }
0x239: {  	[tilespmem:s22], [sflag:$0x3] =	stream.indirect_vreg.gather [hbm4b:s29+s5], $0x80, v11, vm1, $0xb8;
	[tilespmem:$0x13180] =	vst v63  }
0x23a: {  	s22 =	simm.s32 $0x11980  }
0x23b: {  	[tilespmem:s22], [sflag:$0x3] =	stream.indirect_vreg.gather [hbm4b:s30+s5], $0x80, v11, vm1, $0xb8;
	[tilespmem:$0x13180] =	vst v63  }
0x23c: {  	s22 =	simm.s32 $0x12180  }
0x23d: {  	[tilespmem:s22], [sflag:$0x3] =	stream.indirect_vreg.gather [hbm4b:s31+s5], $0x80, v11, vm1, $0xb8;
	[tilespmem:$0x13180] =	vst v63  }
0x23e: {  	s22 =	simm.s32 $0x12980  }
0x23f: {  	[tilespmem:s22], [sflag:$0x3] =	stream.indirect_vreg.gather [hbm4b:s1+s5], $0x80, v11, vm1, $0xb8;
	[tilespmem:$0x13180] =	vst v63  }
0x240: {  	_ =	swait.ge [sflag:s17], $0xC000  }
0x241: {  	[sflag:s17] =	ssyncset.done $0x0  }
0x242: {  	[sflag:s17] =	ssyncadd.s32 $0xFFFF4000  }
0x243: {  	v11 =	vld [tilespmem:$0x7100];
	_ =	sdelay $0x4  }
0x244: {  	v47 =	vshrl.u32 v11, $0x3  }
0x245: {  	v12 =	vmul.u32 $0xC0, v47  }
0x246: {  	v11 =	vand.u32 $0x7, v11  }
0x247: {  	v11 =	vor.u32 v11, v12  }
0x248: {  	v12 =	vperm.xlane v11, v3;
	_ =	sdelay $0x1  }
0x249: {  	v12 =	vadd.s32 v5, v12;
	_ =	sdelay $0x3  }
0x24a: {  	s0 =	rddreg [dreg:$0x5]  }
0x24b: {  	[hbm4b:s0+s5] =	stream.indirect_vreg.scatter [tilespmem:s21], [sflag:$0x3], $0x80, v12, vm1, $0xb8;
	[tilespmem:$0x13180] =	vst v63  }
0x24c: {  	_ = 	snop  }
0x24d: {  	[hbm4b:s3+s5] =	stream.indirect_vreg.scatter [tilespmem:s24], [sflag:$0x3], $0x80, v12, vm1, $0xb8;
	[tilespmem:$0x13180] =	vst v63  }
0x24e: {  	s24 =	simm.s32 $0x8180  }
0x24f: {  	[hbm4b:s28+s5] =	stream.indirect_vreg.scatter [tilespmem:s24], [sflag:$0x3], $0x80, v12, vm1, $0xb8;
	[tilespmem:$0x13180] =	vst v63  }
0x250: {  	s24 =	simm.s32 $0x8980  }
0x251: {  	[hbm4b:s6+s5] =	stream.indirect_vreg.scatter [tilespmem:s24], [sflag:$0x3], $0x80, v12, vm1, $0xb8;
	[tilespmem:$0x13180] =	vst v63  }
0x252: {  	s24 =	simm.s32 $0x9180  }
0x253: {  	[hbm4b:s10+s5] =	stream.indirect_vreg.scatter [tilespmem:s24], [sflag:$0x3], $0x80, v12, vm1, $0xb8;
	[tilespmem:$0x13180] =	vst v63  }
0x254: {  	_ = 	snop  }
0x255: {  	[hbm4b:s11+s5] =	stream.indirect_vreg.scatter [tilespmem:s26], [sflag:$0x3], $0x80, v12, vm1, $0xb8;
	[tilespmem:$0x13180] =	vst v63  }
0x256: {  	s26 =	simm.s32 $0xA180  }
0x257: {  	[hbm4b:s12+s5] =	stream.indirect_vreg.scatter [tilespmem:s26], [sflag:$0x3], $0x80, v12, vm1, $0xb8;
	[tilespmem:$0x13180] =	vst v63  }
0x258: {  	_ = 	snop  }
0x259: {  	[hbm4b:s13+s5] =	stream.indirect_vreg.scatter [tilespmem:s25], [sflag:$0x3], $0x80, v12, vm1, $0xb8;
	[tilespmem:$0x13180] =	vst v63  }
0x25a: {  	s24 =	simm.s32 $0xB180  }
0x25b: {  	[hbm4b:s14+s5] =	stream.indirect_vreg.scatter [tilespmem:s24], [sflag:$0x3], $0x80, v12, vm1, $0xb8;
	[tilespmem:$0x13180] =	vst v63  }
0x25c: {  	v11 =	vperm.xlane v11, v4;
	s25 =	simm.s32 $0xB980  }
0x25d: {  	[hbm4b:s15+s5] =	stream.indirect_vreg.scatter [tilespmem:s25], [sflag:$0x3], $0x80, v12, vm1, $0xb8;
	[tilespmem:$0x13180] =	vst v63  }
0x25e: {  	v11 =	vadd.s32 v5, v11;
	s26 =	simm.s32 $0xC180  }
0x25f: {  	[hbm4b:s16+s5] =	stream.indirect_vreg.scatter [tilespmem:s26], [sflag:$0x3], $0x80, v12, vm1, $0xb8;
	[tilespmem:$0x13180] =	vst v63  }
0x260: {  	_ = 	snop  }
0x261: {  	[hbm4b:s2+s5] =	stream.indirect_vreg.scatter [tilespmem:s7], [sflag:$0x3], $0x80, v12, vm1, $0xb8;
	[tilespmem:$0x13180] =	vst v63  }
0x262: {  	s21 =	simm.s32 $0xD180  }
0x263: {  	[hbm4b:s0+s5] =	stream.indirect_vreg.scatter [tilespmem:s21], [sflag:$0x3], $0x80, v11, vm1, $0xb8;
	[tilespmem:$0x13180] =	vst v63  }
0x264: {  	s0 =	simm.s32 $0xD980  }
0x265: {  	[hbm4b:s3+s5] =	stream.indirect_vreg.scatter [tilespmem:s0], [sflag:$0x3], $0x80, v11, vm1, $0xb8;
	[tilespmem:$0x13180] =	vst v63  }
0x266: {  	s24 =	simm.s32 $0xE180  }
0x267: {  	[hbm4b:s28+s5] =	stream.indirect_vreg.scatter [tilespmem:s24], [sflag:$0x3], $0x80, v11, vm1, $0xb8;
	[tilespmem:$0x13180] =	vst v63  }
0x268: {  	s26 =	simm.s32 $0xE980  }
0x269: {  	[hbm4b:s6+s5] =	stream.indirect_vreg.scatter [tilespmem:s26], [sflag:$0x3], $0x80, v11, vm1, $0xb8;
	[tilespmem:$0x13180] =	vst v63  }
0x26a: {  	s26 =	simm.s32 $0xF180  }
0x26b: {  	[hbm4b:s10+s5] =	stream.indirect_vreg.scatter [tilespmem:s26], [sflag:$0x3], $0x80, v11, vm1, $0xb8;
	[tilespmem:$0x13180] =	vst v63  }
0x26c: {  	s24 =	simm.s32 $0xF980  }
0x26d: {  	[hbm4b:s11+s5] =	stream.indirect_vreg.scatter [tilespmem:s24], [sflag:$0x3], $0x80, v11, vm1, $0xb8;
	[tilespmem:$0x13180] =	vst v63  }
0x26e: {  	s24 =	simm.s32 $0x10180  }
0x26f: {  	[hbm4b:s12+s5] =	stream.indirect_vreg.scatter [tilespmem:s24], [sflag:$0x3], $0x80, v11, vm1, $0xb8;
	[tilespmem:$0x13180] =	vst v63  }
0x270: {  	s24 =	simm.s32 $0x10980  }
0x271: {  	[hbm4b:s13+s5] =	stream.indirect_vreg.scatter [tilespmem:s24], [sflag:$0x3], $0x80, v11, vm1, $0xb8;
	[tilespmem:$0x13180] =	vst v63  }
0x272: {  	s24 =	simm.s32 $0x11180  }
0x273: {  	[hbm4b:s14+s5] =	stream.indirect_vreg.scatter [tilespmem:s24], [sflag:$0x3], $0x80, v11, vm1, $0xb8;
	[tilespmem:$0x13180] =	vst v63  }
0x274: {  	s24 =	simm.s32 $0x11980  }
0x275: {  	[hbm4b:s15+s5] =	stream.indirect_vreg.scatter [tilespmem:s24], [sflag:$0x3], $0x80, v11, vm1, $0xb8;
	[tilespmem:$0x13180] =	vst v63  }
0x276: {  	s24 =	simm.s32 $0x12180  }
0x277: {  	[hbm4b:s16+s5] =	stream.indirect_vreg.scatter [tilespmem:s24], [sflag:$0x3], $0x80, v11, vm1, $0xb8;
	[tilespmem:$0x13180] =	vst v63  }
0x278: {  	_ = 	snop  }
0x279: {  	[hbm4b:s2+s5] =	stream.indirect_vreg.scatter [tilespmem:s22], [sflag:$0x3], $0x80, v11, vm1, $0xb8;
	[tilespmem:$0x13180] =	vst v63  }
0x27a: {  	_ =	swait.ge [sflag:s17], $0xC000  }
0x27b: {  	s22 =	sld [smem:$0x7FA]  }
0x27c: {  	[sflag:s17] =	ssyncset.done $0x0  }
0x27d: {  	[sflag:s17] =	ssyncadd.s32 $0xFFFF4000  }
0x27e: {  	v11 =	vld [tilespmem:s22+$0x6080];
	_ =	sdelay $0x1  }
0x27f: {  	v48 =	vld [tilespmem:s22+$0x6880];
	_ =	sdelay $0x2  }
0x280: {  	vm2 =	vge.s32 v11, v2;
	vm3 =	vlt.s32 v11, v6  }
0x281: {  	vm2 =	vmand vm2, vm3  }
0x282: {  	v12 =	vnsel vm2, $0x0, v48  }
0x283: {  	v49 =	vshrl.u32 v12, $0x3  }
0x284: {  	v13 =	vmul.u32 $0xC0, v49  }
0x285: {  	v50 =	vand.u32 $0x7, v12  }
0x286: {  	v13 =	vor.u32 v50, v13  }
0x287: {  	v14 =	vperm.xlane v13, v3;
	_ =	sdelay $0x1  }
0x288: {  	v14 =	vadd.s32 v5, v14;
	_ =	sdelay $0x1  }
0x289: {  	v11 =	vsel vm2, v11, v1  }
0x28a: {  	[tilespmem:$0x7100] =	vst v11  }
0x28b: {  	s24 =	simm.s32 $0x7180;
	s22 =	rddreg [dreg:$0x1];
	[tilespmem:$0x7080] =	vst v12  }
0x28c: {  	[tilespmem:s24], [sflag:$0x3] =	stream.indirect_vreg.gather [hbm4b:s22+s5], $0x80, v14, vm1, $0xb8;
	[tilespmem:$0x13180] =	vst v63  }
0x28d: {  	s24 =	simm.s32 $0x7980  }
0x28e: {  	[tilespmem:s24], [sflag:$0x3] =	stream.indirect_vreg.gather [hbm4b:s23+s5], $0x80, v14, vm1, $0xb8;
	[tilespmem:$0x13180] =	vst v63  }
0x28f: {  	s24 =	simm.s32 $0x8180  }
0x290: {  	[tilespmem:s24], [sflag:$0x3] =	stream.indirect_vreg.gather [hbm4b:s8+s5], $0x80, v14, vm1, $0xb8;
	[tilespmem:$0x13180] =	vst v63  }
0x291: {  	s24 =	simm.s32 $0x8980  }
0x292: {  	[tilespmem:s24], [sflag:$0x3] =	stream.indirect_vreg.gather [hbm4b:s9+s5], $0x80, v14, vm1, $0xb8;
	[tilespmem:$0x13180] =	vst v63  }
0x293: {  	s24 =	simm.s32 $0x9180  }
0x294: {  	[tilespmem:s24], [sflag:$0x3] =	stream.indirect_vreg.gather [hbm4b:s18+s5], $0x80, v14, vm1, $0xb8;
	[tilespmem:$0x13180] =	vst v63  }
0x295: {  	s24 =	simm.s32 $0x9980  }
0x296: {  	[tilespmem:s24], [sflag:$0x3] =	stream.indirect_vreg.gather [hbm4b:s19+s5], $0x80, v14, vm1, $0xb8;
	[tilespmem:$0x13180] =	vst v63  }
0x297: {  	s24 =	simm.s32 $0xA180  }
0x298: {  	[tilespmem:s24], [sflag:$0x3] =	stream.indirect_vreg.gather [hbm4b:s20+s5], $0x80, v14, vm1, $0xb8;
	[tilespmem:$0x13180] =	vst v63  }
0x299: {  	s24 =	simm.s32 $0xA980  }
0x29a: {  	[tilespmem:s24], [sflag:$0x3] =	stream.indirect_vreg.gather [hbm4b:s4+s5], $0x80, v14, vm1, $0xb8;
	[tilespmem:$0x13180] =	vst v63  }
0x29b: {  	s24 =	simm.s32 $0xB180  }
0x29c: {  	[tilespmem:s24], [sflag:$0x3] =	stream.indirect_vreg.gather [hbm4b:s29+s5], $0x80, v14, vm1, $0xb8;
	[tilespmem:$0x13180] =	vst v63  }
0x29d: {  	v11 =	vperm.xlane v13, v4;
	s24 =	simm.s32 $0xB980  }
0x29e: {  	[tilespmem:s24], [sflag:$0x3] =	stream.indirect_vreg.gather [hbm4b:s30+s5], $0x80, v14, vm1, $0xb8;
	[tilespmem:$0x13180] =	vst v63  }
0x29f: {  	s25 =	simm.s32 $0xC180;
	v11 =	vadd.s32 v5, v11  }
0x2a0: {  	[tilespmem:s25], [sflag:$0x3] =	stream.indirect_vreg.gather [hbm4b:s31+s5], $0x80, v14, vm1, $0xb8;
	[tilespmem:$0x13180] =	vst v63  }
0x2a1: {  	s25 =	simm.s32 $0xC980  }
0x2a2: {  	[tilespmem:s25], [sflag:$0x3] =	stream.indirect_vreg.gather [hbm4b:s1+s5], $0x80, v14, vm1, $0xb8;
	[tilespmem:$0x13180] =	vst v63  }
0x2a3: {  	s24 =	simm.s32 $0xD180  }
0x2a4: {  	[tilespmem:s24], [sflag:$0x3] =	stream.indirect_vreg.gather [hbm4b:s22+s5], $0x80, v11, vm1, $0xb8;
	[tilespmem:$0x13180] =	vst v63  }
0x2a5: {  	_ = 	snop  }
0x2a6: {  	[tilespmem:s0], [sflag:$0x3] =	stream.indirect_vreg.gather [hbm4b:s23+s5], $0x80, v11, vm1, $0xb8;
	[tilespmem:$0x13180] =	vst v63  }
0x2a7: {  	s7 =	simm.s32 $0xE180  }
0x2a8: {  	[tilespmem:s7], [sflag:$0x3] =	stream.indirect_vreg.gather [hbm4b:s8+s5], $0x80, v11, vm1, $0xb8;
	[tilespmem:$0x13180] =	vst v63  }
0x2a9: {  	s7 =	simm.s32 $0xE980  }
0x2aa: {  	[tilespmem:s7], [sflag:$0x3] =	stream.indirect_vreg.gather [hbm4b:s9+s5], $0x80, v11, vm1, $0xb8;
	[tilespmem:$0x13180] =	vst v63  }
0x2ab: {  	_ = 	snop  }
0x2ac: {  	[tilespmem:s26], [sflag:$0x3] =	stream.indirect_vreg.gather [hbm4b:s18+s5], $0x80, v11, vm1, $0xb8;
	[tilespmem:$0x13180] =	vst v63  }
0x2ad: {  	s25 =	simm.s32 $0xF980  }
0x2ae: {  	[tilespmem:s25], [sflag:$0x3] =	stream.indirect_vreg.gather [hbm4b:s19+s5], $0x80, v11, vm1, $0xb8;
	[tilespmem:$0x13180] =	vst v63  }
0x2af: {  	s26 =	simm.s32 $0x10180  }
0x2b0: {  	[tilespmem:s26], [sflag:$0x3] =	stream.indirect_vreg.gather [hbm4b:s20+s5], $0x80, v11, vm1, $0xb8;
	[tilespmem:$0x13180] =	vst v63  }
0x2b1: {  	s22 =	simm.s32 $0x10980  }
0x2b2: {  	[tilespmem:s22], [sflag:$0x3] =	stream.indirect_vreg.gather [hbm4b:s4+s5], $0x80, v11, vm1, $0xb8;
	[tilespmem:$0x13180] =	vst v63  }
0x2b3: {  	s24 =	simm.s32 $0x11180  }
0x2b4: {  	[tilespmem:s24], [sflag:$0x3] =	stream.indirect_vreg.gather [hbm4b:s29+s5], $0x80, v11, vm1, $0xb8;
	[tilespmem:$0x13180] =	vst v63  }
0x2b5: {  	s26 =	simm.s32 $0x11980  }
0x2b6: {  	[tilespmem:s26], [sflag:$0x3] =	stream.indirect_vreg.gather [hbm4b:s30+s5], $0x80, v11, vm1, $0xb8;
	[tilespmem:$0x13180] =	vst v63  }
0x2b7: {  	s25 =	simm.s32 $0x12180  }
0x2b8: {  	[tilespmem:s25], [sflag:$0x3] =	stream.indirect_vreg.gather [hbm4b:s31+s5], $0x80, v11, vm1, $0xb8;
	[tilespmem:$0x13180] =	vst v63  }
0x2b9: {  	s21 =	simm.s32 $0x12980  }
0x2ba: {  	[tilespmem:s21], [sflag:$0x3] =	stream.indirect_vreg.gather [hbm4b:s1+s5], $0x80, v11, vm1, $0xb8;
	[tilespmem:$0x13180] =	vst v63  }
0x2bb: {  	_ =	swait.ge [sflag:s17], $0xC000  }
0x2bc: {  	[sflag:s17] =	ssyncset.done $0x0  }
0x2bd: {  	[sflag:s17] =	ssyncadd.s32 $0xFFFF4000  }
0x2be: {  	v11 =	vld [tilespmem:$0x7100];
	_ =	sdelay $0x4  }
0x2bf: {  	v51 =	vshrl.u32 v11, $0x3  }
0x2c0: {  	v12 =	vmul.u32 $0xC0, v51  }
0x2c1: {  	v11 =	vand.u32 $0x7, v11  }
0x2c2: {  	v11 =	vor.u32 v11, v12  }
0x2c3: {  	v12 =	vperm.xlane v11, v3;
	_ =	sdelay $0x1  }
0x2c4: {  	v12 =	vadd.s32 v5, v12;
	_ =	sdelay $0x3  }
0x2c5: {  	s21 =	simm.s32 $0x7180;
	s0 =	rddreg [dreg:$0x5]  }
0x2c6: {  	[hbm4b:s0+s5] =	stream.indirect_vreg.scatter [tilespmem:s21], [sflag:$0x3], $0x80, v12, vm1, $0xb8;
	[tilespmem:$0x13180] =	vst v63  }
0x2c7: {  	s21 =	simm.s32 $0x7980  }
0x2c8: {  	[hbm4b:s3+s5] =	stream.indirect_vreg.scatter [tilespmem:s21], [sflag:$0x3], $0x80, v12, vm1, $0xb8;
	[tilespmem:$0x13180] =	vst v63  }
0x2c9: {  	s21 =	simm.s32 $0x8180  }
0x2ca: {  	[hbm4b:s28+s5] =	stream.indirect_vreg.scatter [tilespmem:s21], [sflag:$0x3], $0x80, v12, vm1, $0xb8;
	[tilespmem:$0x13180] =	vst v63  }
0x2cb: {  	s21 =	simm.s32 $0x8980  }
0x2cc: {  	[hbm4b:s6+s5] =	stream.indirect_vreg.scatter [tilespmem:s21], [sflag:$0x3], $0x80, v12, vm1, $0xb8;
	[tilespmem:$0x13180] =	vst v63  }
0x2cd: {  	s21 =	simm.s32 $0x9180  }
0x2ce: {  	[hbm4b:s10+s5] =	stream.indirect_vreg.scatter [tilespmem:s21], [sflag:$0x3], $0x80, v12, vm1, $0xb8;
	[tilespmem:$0x13180] =	vst v63  }
0x2cf: {  	s21 =	simm.s32 $0x9980  }
0x2d0: {  	[hbm4b:s11+s5] =	stream.indirect_vreg.scatter [tilespmem:s21], [sflag:$0x3], $0x80, v12, vm1, $0xb8;
	[tilespmem:$0x13180] =	vst v63  }
0x2d1: {  	s21 =	simm.s32 $0xA180  }
0x2d2: {  	[hbm4b:s12+s5] =	stream.indirect_vreg.scatter [tilespmem:s21], [sflag:$0x3], $0x80, v12, vm1, $0xb8;
	[tilespmem:$0x13180] =	vst v63  }
0x2d3: {  	s21 =	simm.s32 $0xA980  }
0x2d4: {  	[hbm4b:s13+s5] =	stream.indirect_vreg.scatter [tilespmem:s21], [sflag:$0x3], $0x80, v12, vm1, $0xb8;
	[tilespmem:$0x13180] =	vst v63  }
0x2d5: {  	s21 =	simm.s32 $0xB180  }
0x2d6: {  	[hbm4b:s14+s5] =	stream.indirect_vreg.scatter [tilespmem:s21], [sflag:$0x3], $0x80, v12, vm1, $0xb8;
	[tilespmem:$0x13180] =	vst v63  }
0x2d7: {  	v11 =	vperm.xlane v11, v4;
	s21 =	simm.s32 $0xB980  }
0x2d8: {  	[hbm4b:s15+s5] =	stream.indirect_vreg.scatter [tilespmem:s21], [sflag:$0x3], $0x80, v12, vm1, $0xb8;
	[tilespmem:$0x13180] =	vst v63  }
0x2d9: {  	v11 =	vadd.s32 v5, v11;
	s21 =	simm.s32 $0xC180  }
0x2da: {  	[hbm4b:s16+s5] =	stream.indirect_vreg.scatter [tilespmem:s21], [sflag:$0x3], $0x80, v12, vm1, $0xb8;
	[tilespmem:$0x13180] =	vst v63  }
0x2db: {  	s21 =	simm.s32 $0xC980  }
0x2dc: {  	[hbm4b:s2+s5] =	stream.indirect_vreg.scatter [tilespmem:s21], [sflag:$0x3], $0x80, v12, vm1, $0xb8;
	[tilespmem:$0x13180] =	vst v63  }
0x2dd: {  	s21 =	simm.s32 $0xD180  }
0x2de: {  	[hbm4b:s0+s5] =	stream.indirect_vreg.scatter [tilespmem:s21], [sflag:$0x3], $0x80, v11, vm1, $0xb8;
	[tilespmem:$0x13180] =	vst v63  }
0x2df: {  	s0 =	simm.s32 $0xD980  }
0x2e0: {  	[hbm4b:s3+s5] =	stream.indirect_vreg.scatter [tilespmem:s0], [sflag:$0x3], $0x80, v11, vm1, $0xb8;
	[tilespmem:$0x13180] =	vst v63  }
0x2e1: {  	s21 =	simm.s32 $0xE180  }
0x2e2: {  	[hbm4b:s28+s5] =	stream.indirect_vreg.scatter [tilespmem:s21], [sflag:$0x3], $0x80, v11, vm1, $0xb8;
	[tilespmem:$0x13180] =	vst v63  }
0x2e3: {  	_ = 	snop  }
0x2e4: {  	[hbm4b:s6+s5] =	stream.indirect_vreg.scatter [tilespmem:s7], [sflag:$0x3], $0x80, v11, vm1, $0xb8;
	[tilespmem:$0x13180] =	vst v63  }
0x2e5: {  	s21 =	simm.s32 $0xF180  }
0x2e6: {  	[hbm4b:s10+s5] =	stream.indirect_vreg.scatter [tilespmem:s21], [sflag:$0x3], $0x80, v11, vm1, $0xb8;
	[tilespmem:$0x13180] =	vst v63  }
0x2e7: {  	s21 =	simm.s32 $0xF980  }
0x2e8: {  	[hbm4b:s11+s5] =	stream.indirect_vreg.scatter [tilespmem:s21], [sflag:$0x3], $0x80, v11, vm1, $0xb8;
	[tilespmem:$0x13180] =	vst v63  }
0x2e9: {  	s21 =	simm.s32 $0x10180  }
0x2ea: {  	[hbm4b:s12+s5] =	stream.indirect_vreg.scatter [tilespmem:s21], [sflag:$0x3], $0x80, v11, vm1, $0xb8;
	[tilespmem:$0x13180] =	vst v63  }
0x2eb: {  	_ = 	snop  }
0x2ec: {  	[hbm4b:s13+s5] =	stream.indirect_vreg.scatter [tilespmem:s22], [sflag:$0x3], $0x80, v11, vm1, $0xb8;
	[tilespmem:$0x13180] =	vst v63  }
0x2ed: {  	_ = 	snop  }
0x2ee: {  	[hbm4b:s14+s5] =	stream.indirect_vreg.scatter [tilespmem:s24], [sflag:$0x3], $0x80, v11, vm1, $0xb8;
	[tilespmem:$0x13180] =	vst v63  }
0x2ef: {  	_ = 	snop  }
0x2f0: {  	[hbm4b:s15+s5] =	stream.indirect_vreg.scatter [tilespmem:s26], [sflag:$0x3], $0x80, v11, vm1, $0xb8;
	[tilespmem:$0x13180] =	vst v63  }
0x2f1: {  	_ = 	snop  }
0x2f2: {  	[hbm4b:s16+s5] =	stream.indirect_vreg.scatter [tilespmem:s25], [sflag:$0x3], $0x80, v11, vm1, $0xb8;
	[tilespmem:$0x13180] =	vst v63  }
0x2f3: {  	s21 =	simm.s32 $0x12980  }
0x2f4: {  	[hbm4b:s2+s5] =	stream.indirect_vreg.scatter [tilespmem:s21], [sflag:$0x3], $0x80, v11, vm1, $0xb8;
	[tilespmem:$0x13180] =	vst v63  }
0x2f5: {  	_ =	swait.ge [sflag:s17], $0xC000  }
0x2f6: {  	s22 =	sld [smem:$0x7FB]  }
0x2f7: {  	[sflag:s17] =	ssyncset.done $0x0  }
0x2f8: {  	[sflag:s17] =	ssyncadd.s32 $0xFFFF4000  }
0x2f9: {  	v11 =	vld [tilespmem:s22+$0x6080];
	_ =	sdelay $0x1  }
0x2fa: {  	v52 =	vld [tilespmem:s22+$0x6880];
	_ =	sdelay $0x2  }
0x2fb: {  	vm2 =	vge.s32 v11, v2;
	vm3 =	vlt.s32 v11, v6  }
0x2fc: {  	vm2 =	vmand vm2, vm3  }
0x2fd: {  	v12 =	vnsel vm2, $0x0, v52  }
0x2fe: {  	v53 =	vshrl.u32 v12, $0x3  }
0x2ff: {  	v13 =	vmul.u32 $0xC0, v53  }
0x300: {  	v54 =	vand.u32 $0x7, v12  }
0x301: {  	v13 =	vor.u32 v54, v13  }
0x302: {  	v14 =	vperm.xlane v13, v3;
	_ =	sdelay $0x1  }
0x303: {  	v14 =	vadd.s32 v5, v14;
	_ =	sdelay $0x1  }
0x304: {  	v11 =	vsel vm2, v11, v1  }
0x305: {  	[tilespmem:$0x7100] =	vst v11  }
0x306: {  	s7 =	simm.s32 $0x7180;
	s22 =	rddreg [dreg:$0x1];
	[tilespmem:$0x7080] =	vst v12  }
0x307: {  	[tilespmem:s7], [sflag:$0x3] =	stream.indirect_vreg.gather [hbm4b:s22+s5], $0x80, v14, vm1, $0xb8;
	[tilespmem:$0x13180] =	vst v63  }
0x308: {  	s24 =	simm.s32 $0x7980  }
0x309: {  	[tilespmem:s24], [sflag:$0x3] =	stream.indirect_vreg.gather [hbm4b:s23+s5], $0x80, v14, vm1, $0xb8;
	[tilespmem:$0x13180] =	vst v63  }
0x30a: {  	s25 =	simm.s32 $0x8180  }
0x30b: {  	[tilespmem:s25], [sflag:$0x3] =	stream.indirect_vreg.gather [hbm4b:s8+s5], $0x80, v14, vm1, $0xb8;
	[tilespmem:$0x13180] =	vst v63  }
0x30c: {  	s26 =	simm.s32 $0x8980  }
0x30d: {  	[tilespmem:s26], [sflag:$0x3] =	stream.indirect_vreg.gather [hbm4b:s9+s5], $0x80, v14, vm1, $0xb8;
	[tilespmem:$0x13180] =	vst v63  }
0x30e: {  	s24 =	simm.s32 $0x9180  }
0x30f: {  	[tilespmem:s24], [sflag:$0x3] =	stream.indirect_vreg.gather [hbm4b:s18+s5], $0x80, v14, vm1, $0xb8;
	[tilespmem:$0x13180] =	vst v63  }
0x310: {  	s25 =	simm.s32 $0x9980  }
0x311: {  	[tilespmem:s25], [sflag:$0x3] =	stream.indirect_vreg.gather [hbm4b:s19+s5], $0x80, v14, vm1, $0xb8;
	[tilespmem:$0x13180] =	vst v63  }
0x312: {  	s24 =	simm.s32 $0xA180  }
0x313: {  	[tilespmem:s24], [sflag:$0x3] =	stream.indirect_vreg.gather [hbm4b:s20+s5], $0x80, v14, vm1, $0xb8;
	[tilespmem:$0x13180] =	vst v63  }
0x314: {  	s26 =	simm.s32 $0xA980  }
0x315: {  	[tilespmem:s26], [sflag:$0x3] =	stream.indirect_vreg.gather [hbm4b:s4+s5], $0x80, v14, vm1, $0xb8;
	[tilespmem:$0x13180] =	vst v63  }
0x316: {  	s21 =	simm.s32 $0xB180  }
0x317: {  	[tilespmem:s21], [sflag:$0x3] =	stream.indirect_vreg.gather [hbm4b:s29+s5], $0x80, v14, vm1, $0xb8;
	[tilespmem:$0x13180] =	vst v63  }
0x318: {  	v11 =	vperm.xlane v13, v4;
	s25 =	simm.s32 $0xB980  }
0x319: {  	[tilespmem:s25], [sflag:$0x3] =	stream.indirect_vreg.gather [hbm4b:s30+s5], $0x80, v14, vm1, $0xb8;
	[tilespmem:$0x13180] =	vst v63  }
0x31a: {  	v11 =	vadd.s32 v5, v11;
	s26 =	simm.s32 $0xC180  }
0x31b: {  	[tilespmem:s26], [sflag:$0x3] =	stream.indirect_vreg.gather [hbm4b:s31+s5], $0x80, v14, vm1, $0xb8;
	[tilespmem:$0x13180] =	vst v63  }
0x31c: {  	s25 =	simm.s32 $0xC980  }
0x31d: {  	[tilespmem:s25], [sflag:$0x3] =	stream.indirect_vreg.gather [hbm4b:s1+s5], $0x80, v14, vm1, $0xb8;
	[tilespmem:$0x13180] =	vst v63  }
0x31e: {  	s26 =	simm.s32 $0xD180  }
0x31f: {  	[tilespmem:s26], [sflag:$0x3] =	stream.indirect_vreg.gather [hbm4b:s22+s5], $0x80, v11, vm1, $0xb8;
	[tilespmem:$0x13180] =	vst v63  }
0x320: {  	_ = 	snop  }
0x321: {  	[tilespmem:s0], [sflag:$0x3] =	stream.indirect_vreg.gather [hbm4b:s23+s5], $0x80, v11, vm1, $0xb8;
	[tilespmem:$0x13180] =	vst v63  }
0x322: {  	s0 =	smov.u32 s23;
	s23 =	simm.s32 $0xE180  }
0x323: {  	[tilespmem:s23], [sflag:$0x3] =	stream.indirect_vreg.gather [hbm4b:s8+s5], $0x80, v11, vm1, $0xb8;
	[tilespmem:$0x13180] =	vst v63  }
0x324: {  	s21 =	simm.s32 $0xE980  }
0x325: {  	[tilespmem:s21], [sflag:$0x3] =	stream.indirect_vreg.gather [hbm4b:s9+s5], $0x80, v11, vm1, $0xb8;
	[tilespmem:$0x13180] =	vst v63  }
0x326: {  	s23 =	simm.s32 $0xF180  }
0x327: {  	[tilespmem:s23], [sflag:$0x3] =	stream.indirect_vreg.gather [hbm4b:s18+s5], $0x80, v11, vm1, $0xb8;
	[tilespmem:$0x13180] =	vst v63  }
0x328: {  	s22 =	simm.s32 $0xF980  }
0x329: {  	[tilespmem:s22], [sflag:$0x3] =	stream.indirect_vreg.gather [hbm4b:s19+s5], $0x80, v11, vm1, $0xb8;
	[tilespmem:$0x13180] =	vst v63  }
0x32a: {  	s22 =	simm.s32 $0x10180  }
0x32b: {  	[tilespmem:s22], [sflag:$0x3] =	stream.indirect_vreg.gather [hbm4b:s20+s5], $0x80, v11, vm1, $0xb8;
	[tilespmem:$0x13180] =	vst v63  }
0x32c: {  	s22 =	simm.s32 $0x10980  }
0x32d: {  	[tilespmem:s22], [sflag:$0x3] =	stream.indirect_vreg.gather [hbm4b:s4+s5], $0x80, v11, vm1, $0xb8;
	[tilespmem:$0x13180] =	vst v63  }
0x32e: {  	s22 =	simm.s32 $0x11180  }
0x32f: {  	[tilespmem:s22], [sflag:$0x3] =	stream.indirect_vreg.gather [hbm4b:s29+s5], $0x80, v11, vm1, $0xb8;
	[tilespmem:$0x13180] =	vst v63  }
0x330: {  	s22 =	simm.s32 $0x11980  }
0x331: {  	[tilespmem:s22], [sflag:$0x3] =	stream.indirect_vreg.gather [hbm4b:s30+s5], $0x80, v11, vm1, $0xb8;
	[tilespmem:$0x13180] =	vst v63  }
0x332: {  	s22 =	simm.s32 $0x12180  }
0x333: {  	[tilespmem:s22], [sflag:$0x3] =	stream.indirect_vreg.gather [hbm4b:s31+s5], $0x80, v11, vm1, $0xb8;
	[tilespmem:$0x13180] =	vst v63  }
0x334: {  	s22 =	simm.s32 $0x12980  }
0x335: {  	[tilespmem:s22], [sflag:$0x3] =	stream.indirect_vreg.gather [hbm4b:s1+s5], $0x80, v11, vm1, $0xb8;
	[tilespmem:$0x13180] =	vst v63  }
0x336: {  	_ =	swait.ge [sflag:s17], $0xC000  }
0x337: {  	[sflag:s17] =	ssyncset.done $0x0  }
0x338: {  	[sflag:s17] =	ssyncadd.s32 $0xFFFF4000  }
0x339: {  	v11 =	vld [tilespmem:$0x7100];
	_ =	sdelay $0x4  }
0x33a: {  	v55 =	vshrl.u32 v11, $0x3  }
0x33b: {  	v12 =	vmul.u32 $0xC0, v55  }
0x33c: {  	v11 =	vand.u32 $0x7, v11  }
0x33d: {  	v11 =	vor.u32 v11, v12  }
0x33e: {  	v12 =	vperm.xlane v11, v3;
	_ =	sdelay $0x1  }
0x33f: {  	v12 =	vadd.s32 v5, v12;
	_ =	sdelay $0x3  }
0x340: {  	s22 =	rddreg [dreg:$0x5]  }
0x341: {  	[hbm4b:s22+s5] =	stream.indirect_vreg.scatter [tilespmem:s7], [sflag:$0x3], $0x80, v12, vm1, $0xb8;
	[tilespmem:$0x13180] =	vst v63  }
0x342: {  	s7 =	simm.s32 $0x7980  }
0x343: {  	[hbm4b:s3+s5] =	stream.indirect_vreg.scatter [tilespmem:s7], [sflag:$0x3], $0x80, v12, vm1, $0xb8;
	[tilespmem:$0x13180] =	vst v63  }
0x344: {  	s7 =	simm.s32 $0x8180  }
0x345: {  	[hbm4b:s28+s5] =	stream.indirect_vreg.scatter [tilespmem:s7], [sflag:$0x3], $0x80, v12, vm1, $0xb8;
	[tilespmem:$0x13180] =	vst v63  }
0x346: {  	s7 =	simm.s32 $0x8980  }
0x347: {  	[hbm4b:s6+s5] =	stream.indirect_vreg.scatter [tilespmem:s7], [sflag:$0x3], $0x80, v12, vm1, $0xb8;
	[tilespmem:$0x13180] =	vst v63  }
0x348: {  	s7 =	simm.s32 $0x9180  }
0x349: {  	[hbm4b:s10+s5] =	stream.indirect_vreg.scatter [tilespmem:s7], [sflag:$0x3], $0x80, v12, vm1, $0xb8;
	[tilespmem:$0x13180] =	vst v63  }
0x34a: {  	s7 =	simm.s32 $0x9980  }
0x34b: {  	[hbm4b:s11+s5] =	stream.indirect_vreg.scatter [tilespmem:s7], [sflag:$0x3], $0x80, v12, vm1, $0xb8;
	[tilespmem:$0x13180] =	vst v63  }
0x34c: {  	_ = 	snop  }
0x34d: {  	[hbm4b:s12+s5] =	stream.indirect_vreg.scatter [tilespmem:s24], [sflag:$0x3], $0x80, v12, vm1, $0xb8;
	[tilespmem:$0x13180] =	vst v63  }
0x34e: {  	s24 =	simm.s32 $0xA980  }
0x34f: {  	[hbm4b:s13+s5] =	stream.indirect_vreg.scatter [tilespmem:s24], [sflag:$0x3], $0x80, v12, vm1, $0xb8;
	[tilespmem:$0x13180] =	vst v63  }
0x350: {  	s7 =	simm.s32 $0xB180  }
0x351: {  	[hbm4b:s14+s5] =	stream.indirect_vreg.scatter [tilespmem:s7], [sflag:$0x3], $0x80, v12, vm1, $0xb8;
	[tilespmem:$0x13180] =	vst v63  }
0x352: {  	v11 =	vperm.xlane v11, v4;
	s7 =	simm.s32 $0xB980  }
0x353: {  	[hbm4b:s15+s5] =	stream.indirect_vreg.scatter [tilespmem:s7], [sflag:$0x3], $0x80, v12, vm1, $0xb8;
	[tilespmem:$0x13180] =	vst v63  }
0x354: {  	v11 =	vadd.s32 v5, v11;
	s7 =	simm.s32 $0xC180  }
0x355: {  	[hbm4b:s16+s5] =	stream.indirect_vreg.scatter [tilespmem:s7], [sflag:$0x3], $0x80, v12, vm1, $0xb8;
	[tilespmem:$0x13180] =	vst v63  }
0x356: {  	_ = 	snop  }
0x357: {  	[hbm4b:s2+s5] =	stream.indirect_vreg.scatter [tilespmem:s25], [sflag:$0x3], $0x80, v12, vm1, $0xb8;
	[tilespmem:$0x13180] =	vst v63  }
0x358: {  	_ = 	snop  }
0x359: {  	[hbm4b:s22+s5] =	stream.indirect_vreg.scatter [tilespmem:s26], [sflag:$0x3], $0x80, v11, vm1, $0xb8;
	[tilespmem:$0x13180] =	vst v63  }
0x35a: {  	s22 =	simm.s32 $0xD980  }
0x35b: {  	[hbm4b:s3+s5] =	stream.indirect_vreg.scatter [tilespmem:s22], [sflag:$0x3], $0x80, v11, vm1, $0xb8;
	[tilespmem:$0x13180] =	vst v63  }
0x35c: {  	s26 =	simm.s32 $0xE180  }
0x35d: {  	[hbm4b:s28+s5] =	stream.indirect_vreg.scatter [tilespmem:s26], [sflag:$0x3], $0x80, v11, vm1, $0xb8;
	[tilespmem:$0x13180] =	vst v63  }
0x35e: {  	_ = 	snop  }
0x35f: {  	[hbm4b:s6+s5] =	stream.indirect_vreg.scatter [tilespmem:s21], [sflag:$0x3], $0x80, v11, vm1, $0xb8;
	[tilespmem:$0x13180] =	vst v63  }
0x360: {  	_ = 	snop  }
0x361: {  	[hbm4b:s10+s5] =	stream.indirect_vreg.scatter [tilespmem:s23], [sflag:$0x3], $0x80, v11, vm1, $0xb8;
	[tilespmem:$0x13180] =	vst v63  }
0x362: {  	s26 =	simm.s32 $0xF980  }
0x363: {  	[hbm4b:s11+s5] =	stream.indirect_vreg.scatter [tilespmem:s26], [sflag:$0x3], $0x80, v11, vm1, $0xb8;
	[tilespmem:$0x13180] =	vst v63  }
0x364: {  	s23 =	simm.s32 $0x10180  }
0x365: {  	[hbm4b:s12+s5] =	stream.indirect_vreg.scatter [tilespmem:s23], [sflag:$0x3], $0x80, v11, vm1, $0xb8;
	[tilespmem:$0x13180] =	vst v63  }
0x366: {  	s26 =	simm.s32 $0x10980  }
0x367: {  	[hbm4b:s13+s5] =	stream.indirect_vreg.scatter [tilespmem:s26], [sflag:$0x3], $0x80, v11, vm1, $0xb8;
	[tilespmem:$0x13180] =	vst v63  }
0x368: {  	s23 =	simm.s32 $0x11180  }
0x369: {  	[hbm4b:s14+s5] =	stream.indirect_vreg.scatter [tilespmem:s23], [sflag:$0x3], $0x80, v11, vm1, $0xb8;
	[tilespmem:$0x13180] =	vst v63  }
0x36a: {  	s26 =	simm.s32 $0x11980  }
0x36b: {  	[hbm4b:s15+s5] =	stream.indirect_vreg.scatter [tilespmem:s26], [sflag:$0x3], $0x80, v11, vm1, $0xb8;
	[tilespmem:$0x13180] =	vst v63  }
0x36c: {  	s23 =	simm.s32 $0x12180  }
0x36d: {  	[hbm4b:s16+s5] =	stream.indirect_vreg.scatter [tilespmem:s23], [sflag:$0x3], $0x80, v11, vm1, $0xb8;
	[tilespmem:$0x13180] =	vst v63  }
0x36e: {  	s26 =	simm.s32 $0x12980  }
0x36f: {  	[hbm4b:s2+s5] =	stream.indirect_vreg.scatter [tilespmem:s26], [sflag:$0x3], $0x80, v11, vm1, $0xb8;
	[tilespmem:$0x13180] =	vst v63  }
0x370: {  	_ =	swait.ge [sflag:s17], $0xC000  }
0x371: {  	s23 =	sld [smem:$0x7FC]  }
0x372: {  	[sflag:s17] =	ssyncset.done $0x0  }
0x373: {  	[sflag:s17] =	ssyncadd.s32 $0xFFFF4000  }
0x374: {  	v11 =	vld [tilespmem:s23+$0x6080];
	_ =	sdelay $0x1  }
0x375: {  	v56 =	vld [tilespmem:s23+$0x6880];
	_ =	sdelay $0x2  }
0x376: {  	vm2 =	vge.s32 v11, v2;
	vm3 =	vlt.s32 v11, v6  }
0x377: {  	vm2 =	vmand vm2, vm3  }
0x378: {  	v12 =	vnsel vm2, $0x0, v56  }
0x379: {  	v57 =	vshrl.u32 v12, $0x3  }
0x37a: {  	v13 =	vmul.u32 $0xC0, v57  }
0x37b: {  	v58 =	vand.u32 $0x7, v12  }
0x37c: {  	v13 =	vor.u32 v58, v13  }
0x37d: {  	v14 =	vperm.xlane v13, v3;
	_ =	sdelay $0x1  }
0x37e: {  	v14 =	vadd.s32 v5, v14;
	_ =	sdelay $0x1  }
0x37f: {  	v11 =	vsel vm2, v11, v1  }
0x380: {  	[tilespmem:$0x7100] =	vst v11  }
0x381: {  	s26 =	simm.s32 $0x7180;
	s21 =	rddreg [dreg:$0x1];
	[tilespmem:$0x7080] =	vst v12  }
0x382: {  	[tilespmem:s26], [sflag:$0x3] =	stream.indirect_vreg.gather [hbm4b:s21+s5], $0x80, v14, vm1, $0xb8;
	[tilespmem:$0x13180] =	vst v63  }
0x383: {  	s26 =	simm.s32 $0x7980  }
0x384: {  	[tilespmem:s26], [sflag:$0x3] =	stream.indirect_vreg.gather [hbm4b:s0+s5], $0x80, v14, vm1, $0xb8;
	[tilespmem:$0x13180] =	vst v63  }
0x385: {  	s26 =	simm.s32 $0x8180  }
0x386: {  	[tilespmem:s26], [sflag:$0x3] =	stream.indirect_vreg.gather [hbm4b:s8+s5], $0x80, v14, vm1, $0xb8;
	[tilespmem:$0x13180] =	vst v63  }
0x387: {  	s26 =	simm.s32 $0x8980  }
0x388: {  	[tilespmem:s26], [sflag:$0x3] =	stream.indirect_vreg.gather [hbm4b:s9+s5], $0x80, v14, vm1, $0xb8;
	[tilespmem:$0x13180] =	vst v63  }
0x389: {  	s26 =	simm.s32 $0x9180  }
0x38a: {  	[tilespmem:s26], [sflag:$0x3] =	stream.indirect_vreg.gather [hbm4b:s18+s5], $0x80, v14, vm1, $0xb8;
	[tilespmem:$0x13180] =	vst v63  }
0x38b: {  	s26 =	simm.s32 $0x9980  }
0x38c: {  	[tilespmem:s26], [sflag:$0x3] =	stream.indirect_vreg.gather [hbm4b:s19+s5], $0x80, v14, vm1, $0xb8;
	[tilespmem:$0x13180] =	vst v63  }
0x38d: {  	s26 =	simm.s32 $0xA180  }
0x38e: {  	[tilespmem:s26], [sflag:$0x3] =	stream.indirect_vreg.gather [hbm4b:s20+s5], $0x80, v14, vm1, $0xb8;
	[tilespmem:$0x13180] =	vst v63  }
0x38f: {  	s24 =	simm.s32 $0xA980  }
0x390: {  	[tilespmem:s24], [sflag:$0x3] =	stream.indirect_vreg.gather [hbm4b:s4+s5], $0x80, v14, vm1, $0xb8;
	[tilespmem:$0x13180] =	vst v63  }
0x391: {  	s24 =	simm.s32 $0xB180  }
0x392: {  	[tilespmem:s24], [sflag:$0x3] =	stream.indirect_vreg.gather [hbm4b:s29+s5], $0x80, v14, vm1, $0xb8;
	[tilespmem:$0x13180] =	vst v63  }
0x393: {  	v11 =	vperm.xlane v13, v4;
	s26 =	simm.s32 $0xB980  }
0x394: {  	[tilespmem:s26], [sflag:$0x3] =	stream.indirect_vreg.gather [hbm4b:s30+s5], $0x80, v14, vm1, $0xb8;
	[tilespmem:$0x13180] =	vst v63  }
0x395: {  	v11 =	vadd.s32 v5, v11;
	s24 =	simm.s32 $0xC180  }
0x396: {  	[tilespmem:s24], [sflag:$0x3] =	stream.indirect_vreg.gather [hbm4b:s31+s5], $0x80, v14, vm1, $0xb8;
	[tilespmem:$0x13180] =	vst v63  }
0x397: {  	s7 =	simm.s32 $0xC980  }
0x398: {  	[tilespmem:s7], [sflag:$0x3] =	stream.indirect_vreg.gather [hbm4b:s1+s5], $0x80, v14, vm1, $0xb8;
	[tilespmem:$0x13180] =	vst v63  }
0x399: {  	s25 =	simm.s32 $0xD180  }
0x39a: {  	[tilespmem:s25], [sflag:$0x3] =	stream.indirect_vreg.gather [hbm4b:s21+s5], $0x80, v11, vm1, $0xb8;
	[tilespmem:$0x13180] =	vst v63  }
0x39b: {  	_ = 	snop  }
0x39c: {  	[tilespmem:s22], [sflag:$0x3] =	stream.indirect_vreg.gather [hbm4b:s0+s5], $0x80, v11, vm1, $0xb8;
	[tilespmem:$0x13180] =	vst v63  }
0x39d: {  	s21 =	simm.s32 $0xE180  }
0x39e: {  	[tilespmem:s21], [sflag:$0x3] =	stream.indirect_vreg.gather [hbm4b:s8+s5], $0x80, v11, vm1, $0xb8;
	[tilespmem:$0x13180] =	vst v63  }
0x39f: {  	s26 =	simm.s32 $0xE980  }
0x3a0: {  	[tilespmem:s26], [sflag:$0x3] =	stream.indirect_vreg.gather [hbm4b:s9+s5], $0x80, v11, vm1, $0xb8;
	[tilespmem:$0x13180] =	vst v63  }
0x3a1: {  	s23 =	simm.s32 $0xF180  }
0x3a2: {  	[tilespmem:s23], [sflag:$0x3] =	stream.indirect_vreg.gather [hbm4b:s18+s5], $0x80, v11, vm1, $0xb8;
	[tilespmem:$0x13180] =	vst v63  }
0x3a3: {  	s24 =	simm.s32 $0xF980  }
0x3a4: {  	[tilespmem:s24], [sflag:$0x3] =	stream.indirect_vreg.gather [hbm4b:s19+s5], $0x80, v11, vm1, $0xb8;
	[tilespmem:$0x13180] =	vst v63  }
0x3a5: {  	s25 =	simm.s32 $0x10180  }
0x3a6: {  	[tilespmem:s25], [sflag:$0x3] =	stream.indirect_vreg.gather [hbm4b:s20+s5], $0x80, v11, vm1, $0xb8;
	[tilespmem:$0x13180] =	vst v63  }
0x3a7: {  	s26 =	simm.s32 $0x10980  }
0x3a8: {  	[tilespmem:s26], [sflag:$0x3] =	stream.indirect_vreg.gather [hbm4b:s4+s5], $0x80, v11, vm1, $0xb8;
	[tilespmem:$0x13180] =	vst v63  }
0x3a9: {  	s22 =	simm.s32 $0x11180  }
0x3aa: {  	[tilespmem:s22], [sflag:$0x3] =	stream.indirect_vreg.gather [hbm4b:s29+s5], $0x80, v11, vm1, $0xb8;
	[tilespmem:$0x13180] =	vst v63  }
0x3ab: {  	s22 =	simm.s32 $0x11980  }
0x3ac: {  	[tilespmem:s22], [sflag:$0x3] =	stream.indirect_vreg.gather [hbm4b:s30+s5], $0x80, v11, vm1, $0xb8;
	[tilespmem:$0x13180] =	vst v63  }
0x3ad: {  	s22 =	simm.s32 $0x12180  }
0x3ae: {  	[tilespmem:s22], [sflag:$0x3] =	stream.indirect_vreg.gather [hbm4b:s31+s5], $0x80, v11, vm1, $0xb8;
	[tilespmem:$0x13180] =	vst v63  }
0x3af: {  	s22 =	simm.s32 $0x12980  }
0x3b0: {  	[tilespmem:s22], [sflag:$0x3] =	stream.indirect_vreg.gather [hbm4b:s1+s5], $0x80, v11, vm1, $0xb8;
	[tilespmem:$0x13180] =	vst v63  }
0x3b1: {  	_ =	swait.ge [sflag:s17], $0xC000  }
0x3b2: {  	[sflag:s17] =	ssyncset.done $0x0  }
0x3b3: {  	[sflag:s17] =	ssyncadd.s32 $0xFFFF4000  }
0x3b4: {  	v11 =	vld [tilespmem:$0x7100];
	_ =	sdelay $0x4  }
0x3b5: {  	v59 =	vshrl.u32 v11, $0x3  }
0x3b6: {  	v12 =	vmul.u32 $0xC0, v59  }
0x3b7: {  	v11 =	vand.u32 $0x7, v11  }
0x3b8: {  	v11 =	vor.u32 v11, v12  }
0x3b9: {  	v12 =	vperm.xlane v11, v3;
	_ =	sdelay $0x1  }
0x3ba: {  	v12 =	vadd.s32 v5, v12;
	_ =	sdelay $0x3  }
0x3bb: {  	s22 =	simm.s32 $0x7180;
	s7 =	rddreg [dreg:$0x5]  }
0x3bc: {  	[hbm4b:s7+s5] =	stream.indirect_vreg.scatter [tilespmem:s22], [sflag:$0x3], $0x80, v12, vm1, $0xb8;
	[tilespmem:$0x13180] =	vst v63  }
0x3bd: {  	s22 =	simm.s32 $0x7980  }
0x3be: {  	[hbm4b:s3+s5] =	stream.indirect_vreg.scatter [tilespmem:s22], [sflag:$0x3], $0x80, v12, vm1, $0xb8;
	[tilespmem:$0x13180] =	vst v63  }
0x3bf: {  	s22 =	simm.s32 $0x8180  }
0x3c0: {  	[hbm4b:s28+s5] =	stream.indirect_vreg.scatter [tilespmem:s22], [sflag:$0x3], $0x80, v12, vm1, $0xb8;
	[tilespmem:$0x13180] =	vst v63  }
0x3c1: {  	s22 =	simm.s32 $0x8980  }
0x3c2: {  	[hbm4b:s6+s5] =	stream.indirect_vreg.scatter [tilespmem:s22], [sflag:$0x3], $0x80, v12, vm1, $0xb8;
	[tilespmem:$0x13180] =	vst v63  }
0x3c3: {  	s22 =	simm.s32 $0x9180  }
0x3c4: {  	[hbm4b:s10+s5] =	stream.indirect_vreg.scatter [tilespmem:s22], [sflag:$0x3], $0x80, v12, vm1, $0xb8;
	[tilespmem:$0x13180] =	vst v63  }
0x3c5: {  	s22 =	simm.s32 $0x9980  }
0x3c6: {  	[hbm4b:s11+s5] =	stream.indirect_vreg.scatter [tilespmem:s22], [sflag:$0x3], $0x80, v12, vm1, $0xb8;
	[tilespmem:$0x13180] =	vst v63  }
0x3c7: {  	s22 =	simm.s32 $0xA180  }
0x3c8: {  	[hbm4b:s12+s5] =	stream.indirect_vreg.scatter [tilespmem:s22], [sflag:$0x3], $0x80, v12, vm1, $0xb8;
	[tilespmem:$0x13180] =	vst v63  }
0x3c9: {  	s22 =	simm.s32 $0xA980  }
0x3ca: {  	[hbm4b:s13+s5] =	stream.indirect_vreg.scatter [tilespmem:s22], [sflag:$0x3], $0x80, v12, vm1, $0xb8;
	[tilespmem:$0x13180] =	vst v63  }
0x3cb: {  	s22 =	simm.s32 $0xB180  }
0x3cc: {  	[hbm4b:s14+s5] =	stream.indirect_vreg.scatter [tilespmem:s22], [sflag:$0x3], $0x80, v12, vm1, $0xb8;
	[tilespmem:$0x13180] =	vst v63  }
0x3cd: {  	v11 =	vperm.xlane v11, v4;
	s22 =	simm.s32 $0xB980  }
0x3ce: {  	[hbm4b:s15+s5] =	stream.indirect_vreg.scatter [tilespmem:s22], [sflag:$0x3], $0x80, v12, vm1, $0xb8;
	[tilespmem:$0x13180] =	vst v63  }
0x3cf: {  	v11 =	vadd.s32 v5, v11;
	s22 =	simm.s32 $0xC180  }
0x3d0: {  	[hbm4b:s16+s5] =	stream.indirect_vreg.scatter [tilespmem:s22], [sflag:$0x3], $0x80, v12, vm1, $0xb8;
	[tilespmem:$0x13180] =	vst v63  }
0x3d1: {  	s22 =	simm.s32 $0xC980  }
0x3d2: {  	[hbm4b:s2+s5] =	stream.indirect_vreg.scatter [tilespmem:s22], [sflag:$0x3], $0x80, v12, vm1, $0xb8;
	[tilespmem:$0x13180] =	vst v63  }
0x3d3: {  	s22 =	simm.s32 $0xD180  }
0x3d4: {  	[hbm4b:s7+s5] =	stream.indirect_vreg.scatter [tilespmem:s22], [sflag:$0x3], $0x80, v11, vm1, $0xb8;
	[tilespmem:$0x13180] =	vst v63  }
0x3d5: {  	s22 =	simm.s32 $0xD980  }
0x3d6: {  	[hbm4b:s3+s5] =	stream.indirect_vreg.scatter [tilespmem:s22], [sflag:$0x3], $0x80, v11, vm1, $0xb8;
	[tilespmem:$0x13180] =	vst v63  }
0x3d7: {  	_ = 	snop  }
0x3d8: {  	[hbm4b:s28+s5] =	stream.indirect_vreg.scatter [tilespmem:s21], [sflag:$0x3], $0x80, v11, vm1, $0xb8;
	[tilespmem:$0x13180] =	vst v63  }
0x3d9: {  	s22 =	simm.s32 $0xE980  }
0x3da: {  	[hbm4b:s6+s5] =	stream.indirect_vreg.scatter [tilespmem:s22], [sflag:$0x3], $0x80, v11, vm1, $0xb8;
	[tilespmem:$0x13180] =	vst v63  }
0x3db: {  	_ = 	snop  }
0x3dc: {  	[hbm4b:s10+s5] =	stream.indirect_vreg.scatter [tilespmem:s23], [sflag:$0x3], $0x80, v11, vm1, $0xb8;
	[tilespmem:$0x13180] =	vst v63  }
0x3dd: {  	_ = 	snop  }
0x3de: {  	[hbm4b:s11+s5] =	stream.indirect_vreg.scatter [tilespmem:s24], [sflag:$0x3], $0x80, v11, vm1, $0xb8;
	[tilespmem:$0x13180] =	vst v63  }
0x3df: {  	_ = 	snop  }
0x3e0: {  	[hbm4b:s12+s5] =	stream.indirect_vreg.scatter [tilespmem:s25], [sflag:$0x3], $0x80, v11, vm1, $0xb8;
	[tilespmem:$0x13180] =	vst v63  }
0x3e1: {  	_ = 	snop  }
0x3e2: {  	[hbm4b:s13+s5] =	stream.indirect_vreg.scatter [tilespmem:s26], [sflag:$0x3], $0x80, v11, vm1, $0xb8;
	[tilespmem:$0x13180] =	vst v63  }
0x3e3: {  	s25 =	simm.s32 $0x11180  }
0x3e4: {  	[hbm4b:s14+s5] =	stream.indirect_vreg.scatter [tilespmem:s25], [sflag:$0x3], $0x80, v11, vm1, $0xb8;
	[tilespmem:$0x13180] =	vst v63  }
0x3e5: {  	s26 =	simm.s32 $0x11980  }
0x3e6: {  	[hbm4b:s15+s5] =	stream.indirect_vreg.scatter [tilespmem:s26], [sflag:$0x3], $0x80, v11, vm1, $0xb8;
	[tilespmem:$0x13180] =	vst v63  }
0x3e7: {  	s21 =	simm.s32 $0x12180  }
0x3e8: {  	[hbm4b:s16+s5] =	stream.indirect_vreg.scatter [tilespmem:s21], [sflag:$0x3], $0x80, v11, vm1, $0xb8;
	[tilespmem:$0x13180] =	vst v63  }
0x3e9: {  	s22 =	simm.s32 $0x12980  }
0x3ea: {  	[hbm4b:s2+s5] =	stream.indirect_vreg.scatter [tilespmem:s22], [sflag:$0x3], $0x80, v11, vm1, $0xb8;
	[tilespmem:$0x13180] =	vst v63  }
0x3eb: {  	_ =	swait.ge [sflag:s17], $0xC000  }
0x3ec: {  	s23 =	sld [smem:$0x7FD]  }
0x3ed: {  	[sflag:s17] =	ssyncset.done $0x0  }
0x3ee: {  	[sflag:s17] =	ssyncadd.s32 $0xFFFF4000  }
0x3ef: {  	v11 =	vld [tilespmem:s23+$0x6080];
	_ =	sdelay $0x1  }
0x3f0: {  	v60 =	vld [tilespmem:s23+$0x6880];
	_ =	sdelay $0x2  }
0x3f1: {  	vm2 =	vge.s32 v11, v2;
	vm3 =	vlt.s32 v11, v6  }
0x3f2: {  	vm2 =	vmand vm2, vm3  }
0x3f3: {  	v12 =	vnsel vm2, $0x0, v60  }
0x3f4: {  	v61 =	vshrl.u32 v12, $0x3  }
0x3f5: {  	v13 =	vmul.u32 $0xC0, v61  }
0x3f6: {  	v62 =	vand.u32 $0x7, v12  }
0x3f7: {  	v13 =	vor.u32 v62, v13  }
0x3f8: {  	v14 =	vperm.xlane v13, v3;
	_ =	sdelay $0x1  }
0x3f9: {  	v14 =	vadd.s32 v5, v14;
	_ =	sdelay $0x1  }
0x3fa: {  	v11 =	vsel vm2, v11, v1  }
0x3fb: {  	[tilespmem:$0x7100] =	vst v11  }
0x3fc: {  	s24 =	simm.s32 $0x7180;
	s21 =	rddreg [dreg:$0x1];
	[tilespmem:$0x7080] =	vst v12  }
0x3fd: {  	[tilespmem:s24], [sflag:$0x3] =	stream.indirect_vreg.gather [hbm4b:s21+s5], $0x80, v14, vm1, $0xb8;
	[tilespmem:$0x13180] =	vst v63  }
0x3fe: {  	s25 =	simm.s32 $0x7980  }
0x3ff: {  	[tilespmem:s25], [sflag:$0x3] =	stream.indirect_vreg.gather [hbm4b:s0+s5], $0x80, v14, vm1, $0xb8;
	[tilespmem:$0x13180] =	vst v63  }
0x400: {  	s26 =	simm.s32 $0x8180  }
0x401: {  	[tilespmem:s26], [sflag:$0x3] =	stream.indirect_vreg.gather [hbm4b:s8+s5], $0x80, v14, vm1, $0xb8;
	[tilespmem:$0x13180] =	vst v63  }
0x402: {  	s22 =	simm.s32 $0x8980  }
0x403: {  	[tilespmem:s22], [sflag:$0x3] =	stream.indirect_vreg.gather [hbm4b:s9+s5], $0x80, v14, vm1, $0xb8;
	[tilespmem:$0x13180] =	vst v63  }
0x404: {  	s23 =	simm.s32 $0x9180  }
0x405: {  	[tilespmem:s23], [sflag:$0x3] =	stream.indirect_vreg.gather [hbm4b:s18+s5], $0x80, v14, vm1, $0xb8;
	[tilespmem:$0x13180] =	vst v63  }
0x406: {  	s26 =	simm.s32 $0x9980  }
0x407: {  	[tilespmem:s26], [sflag:$0x3] =	stream.indirect_vreg.gather [hbm4b:s19+s5], $0x80, v14, vm1, $0xb8;
	[tilespmem:$0x13180] =	vst v63  }
0x408: {  	s24 =	simm.s32 $0xA180  }
0x409: {  	[tilespmem:s24], [sflag:$0x3] =	stream.indirect_vreg.gather [hbm4b:s20+s5], $0x80, v14, vm1, $0xb8;
	[tilespmem:$0x13180] =	vst v63  }
0x40a: {  	s25 =	simm.s32 $0xA980  }
0x40b: {  	[tilespmem:s25], [sflag:$0x3] =	stream.indirect_vreg.gather [hbm4b:s4+s5], $0x80, v14, vm1, $0xb8;
	[tilespmem:$0x13180] =	vst v63  }
0x40c: {  	s25 =	simm.s32 $0xB180  }
0x40d: {  	[tilespmem:s25], [sflag:$0x3] =	stream.indirect_vreg.gather [hbm4b:s29+s5], $0x80, v14, vm1, $0xb8;
	[tilespmem:$0x13180] =	vst v63  }
0x40e: {  	v11 =	vperm.xlane v13, v4;
	s22 =	simm.s32 $0xB980  }
0x40f: {  	[tilespmem:s22], [sflag:$0x3] =	stream.indirect_vreg.gather [hbm4b:s30+s5], $0x80, v14, vm1, $0xb8;
	[tilespmem:$0x13180] =	vst v63  }
0x410: {  	v11 =	vadd.s32 v5, v11;
	s23 =	simm.s32 $0xC180  }
0x411: {  	[tilespmem:s23], [sflag:$0x3] =	stream.indirect_vreg.gather [hbm4b:s31+s5], $0x80, v14, vm1, $0xb8;
	[tilespmem:$0x13180] =	vst v63  }
0x412: {  	s24 =	simm.s32 $0xC980  }
0x413: {  	[tilespmem:s24], [sflag:$0x3] =	stream.indirect_vreg.gather [hbm4b:s1+s5], $0x80, v14, vm1, $0xb8;
	[tilespmem:$0x13180] =	vst v63  }
0x414: {  	s7 =	simm.s32 $0xD180  }
0x415: {  	[tilespmem:s7], [sflag:$0x3] =	stream.indirect_vreg.gather [hbm4b:s21+s5], $0x80, v11, vm1, $0xb8;
	[tilespmem:$0x13180] =	vst v63  }
0x416: {  	s21 =	simm.s32 $0xD980  }
0x417: {  	[tilespmem:s21], [sflag:$0x3] =	stream.indirect_vreg.gather [hbm4b:s0+s5], $0x80, v11, vm1, $0xb8;
	[tilespmem:$0x13180] =	vst v63  }
0x418: {  	s0 =	simm.s32 $0xE180  }
0x419: {  	[tilespmem:s0], [sflag:$0x3] =	stream.indirect_vreg.gather [hbm4b:s8+s5], $0x80, v11, vm1, $0xb8;
	[tilespmem:$0x13180] =	vst v63  }
0x41a: {  	s8 =	simm.s32 $0xE980  }
0x41b: {  	[tilespmem:s8], [sflag:$0x3] =	stream.indirect_vreg.gather [hbm4b:s9+s5], $0x80, v11, vm1, $0xb8;
	[tilespmem:$0x13180] =	vst v63  }
0x41c: {  	s9 =	simm.s32 $0xF180  }
0x41d: {  	[tilespmem:s9], [sflag:$0x3] =	stream.indirect_vreg.gather [hbm4b:s18+s5], $0x80, v11, vm1, $0xb8;
	[tilespmem:$0x13180] =	vst v63  }
0x41e: {  	s18 =	simm.s32 $0xF980  }
0x41f: {  	[tilespmem:s18], [sflag:$0x3] =	stream.indirect_vreg.gather [hbm4b:s19+s5], $0x80, v11, vm1, $0xb8;
	[tilespmem:$0x13180] =	vst v63  }
0x420: {  	s19 =	simm.s32 $0x10180  }
0x421: {  	[tilespmem:s19], [sflag:$0x3] =	stream.indirect_vreg.gather [hbm4b:s20+s5], $0x80, v11, vm1, $0xb8;
	[tilespmem:$0x13180] =	vst v63  }
0x422: {  	s20 =	simm.s32 $0x10980  }
0x423: {  	[tilespmem:s20], [sflag:$0x3] =	stream.indirect_vreg.gather [hbm4b:s4+s5], $0x80, v11, vm1, $0xb8;
	[tilespmem:$0x13180] =	vst v63  }
0x424: {  	s4 =	simm.s32 $0x11180  }
0x425: {  	[tilespmem:s4], [sflag:$0x3] =	stream.indirect_vreg.gather [hbm4b:s29+s5], $0x80, v11, vm1, $0xb8;
	[tilespmem:$0x13180] =	vst v63  }
0x426: {  	s22 =	simm.s32 $0x11980  }
0x427: {  	[tilespmem:s22], [sflag:$0x3] =	stream.indirect_vreg.gather [hbm4b:s30+s5], $0x80, v11, vm1, $0xb8;
	[tilespmem:$0x13180] =	vst v63  }
0x428: {  	s23 =	simm.s32 $0x12180  }
0x429: {  	[tilespmem:s23], [sflag:$0x3] =	stream.indirect_vreg.gather [hbm4b:s31+s5], $0x80, v11, vm1, $0xb8;
	[tilespmem:$0x13180] =	vst v63  }
0x42a: {  	s24 =	simm.s32 $0x12980  }
0x42b: {  	[tilespmem:s24], [sflag:$0x3] =	stream.indirect_vreg.gather [hbm4b:s1+s5], $0x80, v11, vm1, $0xb8;
	[tilespmem:$0x13180] =	vst v63  }
0x42c: {  	_ =	swait.ge [sflag:s17], $0xC000  }
0x42d: {  	[sflag:s17] =	ssyncset.done $0x0  }
0x42e: {  	[sflag:s17] =	ssyncadd.s32 $0xFFFF4000  }
0x42f: {  	v11 =	vld [tilespmem:$0x7100];
	_ =	sdelay $0x4  }
0x430: {  	v63 =	vshrl.u32 v11, $0x3  }
0x431: {  	v12 =	vmul.u32 $0xC0, v63  }
0x432: {  	v11 =	vand.u32 $0x7, v11  }
0x433: {  	v11 =	vor.u32 v11, v12  }
0x434: {  	v12 =	vperm.xlane v11, v3;
	_ =	sdelay $0x1  }
0x435: {  	v12 =	vadd.s32 v5, v12;
	_ =	sdelay $0x3  }
0x436: {  	s30 =	simm.s32 $0x7180;
	s1 =	rddreg [dreg:$0x5]  }
0x437: {  	[hbm4b:s1+s5] =	stream.indirect_vreg.scatter [tilespmem:s30], [sflag:$0x3], $0x80, v12, vm1, $0xb8;
	[tilespmem:$0x13180] =	vst v63  }
0x438: {  	s31 =	simm.s32 $0x7980  }
0x439: {  	[hbm4b:s3+s5] =	stream.indirect_vreg.scatter [tilespmem:s31], [sflag:$0x3], $0x80, v12, vm1, $0xb8;
	[tilespmem:$0x13180] =	vst v63  }
0x43a: {  	s30 =	simm.s32 $0x8180  }
0x43b: {  	[hbm4b:s28+s5] =	stream.indirect_vreg.scatter [tilespmem:s30], [sflag:$0x3], $0x80, v12, vm1, $0xb8;
	[tilespmem:$0x13180] =	vst v63  }
0x43c: {  	s30 =	simm.s32 $0x8980  }
0x43d: {  	[hbm4b:s6+s5] =	stream.indirect_vreg.scatter [tilespmem:s30], [sflag:$0x3], $0x80, v12, vm1, $0xb8;
	[tilespmem:$0x13180] =	vst v63  }
0x43e: {  	s30 =	simm.s32 $0x9180  }
0x43f: {  	[hbm4b:s10+s5] =	stream.indirect_vreg.scatter [tilespmem:s30], [sflag:$0x3], $0x80, v12, vm1, $0xb8;
	[tilespmem:$0x13180] =	vst v63  }
0x440: {  	_ = 	snop  }
0x441: {  	[hbm4b:s11+s5] =	stream.indirect_vreg.scatter [tilespmem:s26], [sflag:$0x3], $0x80, v12, vm1, $0xb8;
	[tilespmem:$0x13180] =	vst v63  }
0x442: {  	s26 =	simm.s32 $0xA180  }
0x443: {  	[hbm4b:s12+s5] =	stream.indirect_vreg.scatter [tilespmem:s26], [sflag:$0x3], $0x80, v12, vm1, $0xb8;
	[tilespmem:$0x13180] =	vst v63  }
0x444: {  	s26 =	simm.s32 $0xA980  }
0x445: {  	[hbm4b:s13+s5] =	stream.indirect_vreg.scatter [tilespmem:s26], [sflag:$0x3], $0x80, v12, vm1, $0xb8;
	[tilespmem:$0x13180] =	vst v63  }
0x446: {  	_ = 	snop  }
0x447: {  	[hbm4b:s14+s5] =	stream.indirect_vreg.scatter [tilespmem:s25], [sflag:$0x3], $0x80, v12, vm1, $0xb8;
	[tilespmem:$0x13180] =	vst v63  }
0x448: {  	v11 =	vperm.xlane v11, v4;
	s26 =	simm.s32 $0xB980  }
0x449: {  	[hbm4b:s15+s5] =	stream.indirect_vreg.scatter [tilespmem:s26], [sflag:$0x3], $0x80, v12, vm1, $0xb8;
	[tilespmem:$0x13180] =	vst v63  }
0x44a: {  	v11 =	vadd.s32 v5, v11;
	s26 =	simm.s32 $0xC180  }
0x44b: {  	[hbm4b:s16+s5] =	stream.indirect_vreg.scatter [tilespmem:s26], [sflag:$0x3], $0x80, v12, vm1, $0xb8;
	[tilespmem:$0x13180] =	vst v63  }
0x44c: {  	s26 =	simm.s32 $0xC980  }
0x44d: {  	[hbm4b:s2+s5] =	stream.indirect_vreg.scatter [tilespmem:s26], [sflag:$0x3], $0x80, v12, vm1, $0xb8;
	[tilespmem:$0x13180] =	vst v63  }
0x44e: {  	_ = 	snop  }
0x44f: {  	[hbm4b:s1+s5] =	stream.indirect_vreg.scatter [tilespmem:s7], [sflag:$0x3], $0x80, v11, vm1, $0xb8;
	[tilespmem:$0x13180] =	vst v63  }
0x450: {  	_ = 	snop  }
0x451: {  	[hbm4b:s3+s5] =	stream.indirect_vreg.scatter [tilespmem:s21], [sflag:$0x3], $0x80, v11, vm1, $0xb8;
	[tilespmem:$0x13180] =	vst v63  }
0x452: {  	_ = 	snop  }
0x453: {  	[hbm4b:s28+s5] =	stream.indirect_vreg.scatter [tilespmem:s0], [sflag:$0x3], $0x80, v11, vm1, $0xb8;
	[tilespmem:$0x13180] =	vst v63  }
0x454: {  	_ = 	snop  }
0x455: {  	[hbm4b:s6+s5] =	stream.indirect_vreg.scatter [tilespmem:s8], [sflag:$0x3], $0x80, v11, vm1, $0xb8;
	[tilespmem:$0x13180] =	vst v63  }
0x456: {  	_ = 	snop  }
0x457: {  	[hbm4b:s10+s5] =	stream.indirect_vreg.scatter [tilespmem:s9], [sflag:$0x3], $0x80, v11, vm1, $0xb8;
	[tilespmem:$0x13180] =	vst v63  }
0x458: {  	_ = 	snop  }
0x459: {  	[hbm4b:s11+s5] =	stream.indirect_vreg.scatter [tilespmem:s18], [sflag:$0x3], $0x80, v11, vm1, $0xb8;
	[tilespmem:$0x13180] =	vst v63  }
0x45a: {  	_ = 	snop  }
0x45b: {  	[hbm4b:s12+s5] =	stream.indirect_vreg.scatter [tilespmem:s19], [sflag:$0x3], $0x80, v11, vm1, $0xb8;
	[tilespmem:$0x13180] =	vst v63  }
0x45c: {  	_ = 	snop  }
0x45d: {  	[hbm4b:s13+s5] =	stream.indirect_vreg.scatter [tilespmem:s20], [sflag:$0x3], $0x80, v11, vm1, $0xb8;
	[tilespmem:$0x13180] =	vst v63  }
0x45e: {  	_ = 	snop  }
0x45f: {  	[hbm4b:s14+s5] =	stream.indirect_vreg.scatter [tilespmem:s4], [sflag:$0x3], $0x80, v11, vm1, $0xb8;
	[tilespmem:$0x13180] =	vst v63  }
0x460: {  	_ = 	snop  }
0x461: {  	[hbm4b:s15+s5] =	stream.indirect_vreg.scatter [tilespmem:s22], [sflag:$0x3], $0x80, v11, vm1, $0xb8;
	[tilespmem:$0x13180] =	vst v63  }
0x462: {  	_ = 	snop  }
0x463: {  	[hbm4b:s16+s5] =	stream.indirect_vreg.scatter [tilespmem:s23], [sflag:$0x3], $0x80, v11, vm1, $0xb8;
	[tilespmem:$0x13180] =	vst v63  }
0x464: {  	_ = 	snop  }
0x465: {  	[hbm4b:s2+s5] =	stream.indirect_vreg.scatter [tilespmem:s24], [sflag:$0x3], $0x80, v11, vm1, $0xb8;
	[tilespmem:$0x13180] =	vst v63  }
0x466: {  	_ =	swait.ge [sflag:s17], $0xC000  }
0x467: {  	[sflag:s17] =	ssyncset.done $0x0  }
0x468: {  	s1 =	rddreg [dreg:$0x1c];
	[sflag:s17] =	ssyncadd.s32 $0xFFFF4000  }
0x469: {  	s23 =	simm.s32 $0x7180;
	s18 =	rddreg [dreg:$0x1e];
	[tilespmem:$0x7080] =	vst v0  }
0x46a: {  	[tilespmem:s23], [sflag:$0x3] =	stream.indirect_vreg.gather [hbm4b:s1+s5], $0x80, v7, vm1, $0xb8;
	[tilespmem:$0x13180] =	vst v63  }
0x46b: {  	s31 =	simm.s32 $0x7980;
	s19 =	rddreg [dreg:$0x1f]  }
0x46c: {  	[tilespmem:s31], [sflag:$0x3] =	stream.indirect_vreg.gather [hbm4b:s18+s5], $0x80, v7, vm1, $0xb8;
	[tilespmem:$0x13180] =	vst v63  }
0x46d: {  	s24 =	simm.s32 $0x8180;
	s20 =	sld [smem:$0x7DA]  }
0x46e: {  	[tilespmem:s24], [sflag:$0x3] =	stream.indirect_vreg.gather [hbm4b:s19+s5], $0x80, v7, vm1, $0xb8;
	[tilespmem:$0x13180] =	vst v63  }
0x46f: {  	s29 =	simm.s32 $0x8980;
	s21 =	sld [smem:$0x7DB]  }
0x470: {  	[tilespmem:s29], [sflag:$0x3] =	stream.indirect_vreg.gather [hbm4b:s20+s5], $0x80, v7, vm1, $0xb8;
	[tilespmem:$0x13180] =	vst v63  }
0x471: {  	s30 =	simm.s32 $0x9180;
	s4 =	sld [smem:$0x7DC]  }
0x472: {  	[tilespmem:s30], [sflag:$0x3] =	stream.indirect_vreg.gather [hbm4b:s21+s5], $0x80, v7, vm1, $0xb8;
	[tilespmem:$0x13180] =	vst v63  }
0x473: {  	s8 =	sld [smem:$0x7DD];
	s29 =	simm.s32 $0x9980  }
0x474: {  	[tilespmem:s29], [sflag:$0x3] =	stream.indirect_vreg.gather [hbm4b:s4+s5], $0x80, v7, vm1, $0xb8;
	[tilespmem:$0x13180] =	vst v63  }
0x475: {  	s0 =	simm.s32 $0xA180;
	s9 =	sld [smem:$0x7DE]  }
0x476: {  	[tilespmem:s0], [sflag:$0x3] =	stream.indirect_vreg.gather [hbm4b:s8+s5], $0x80, v7, vm1, $0xb8;
	[tilespmem:$0x13180] =	vst v63  }
0x477: {  	s22 =	sld [smem:$0x7DF];
	s30 =	simm.s32 $0xA980  }
0x478: {  	[tilespmem:s30], [sflag:$0x3] =	stream.indirect_vreg.gather [hbm4b:s9+s5], $0x80, v7, vm1, $0xb8;
	[tilespmem:$0x13180] =	vst v63  }
0x479: {  	s7 =	simm.s32 $0xB180;
	s23 =	sld [smem:$0x7E0]  }
0x47a: {  	[tilespmem:s7], [sflag:$0x3] =	stream.indirect_vreg.gather [hbm4b:s22+s5], $0x80, v7, vm1, $0xb8;
	[tilespmem:$0x13180] =	vst v63  }
0x47b: {  	s24 =	simm.s32 $0xB980  }
0x47c: {  	[tilespmem:s24], [sflag:$0x3] =	stream.indirect_vreg.gather [hbm4b:s23+s5], $0x80, v7, vm1, $0xb8;
	[tilespmem:$0x13180] =	vst v63  }
0x47d: {  	s24 =	sld [smem:$0x7E1];
	_ =	sdelay $0x1  }
0x47e: {  	s25 =	simm.s32 $0xC180  }
0x47f: {  	[tilespmem:s25], [sflag:$0x3] =	stream.indirect_vreg.gather [hbm4b:s24+s5], $0x80, v7, vm1, $0xb8;
	[tilespmem:$0x13180] =	vst v63  }
0x480: {  	s25 =	sld [smem:$0x7E2];
	_ =	sdelay $0x1  }
0x481: {  	s26 =	simm.s32 $0xC980  }
0x482: {  	[tilespmem:s26], [sflag:$0x3] =	stream.indirect_vreg.gather [hbm4b:s25+s5], $0x80, v7, vm1, $0xb8;
	[tilespmem:$0x13180] =	vst v63  }
0x483: {  	s26 =	simm.s32 $0xD180  }
0x484: {  	[tilespmem:s26], [sflag:$0x3] =	stream.indirect_vreg.gather [hbm4b:s1+s5], $0x80, v8, vm1, $0xb8;
	[tilespmem:$0x13180] =	vst v63  }
0x485: {  	s26 =	simm.s32 $0xD980  }
0x486: {  	[tilespmem:s26], [sflag:$0x3] =	stream.indirect_vreg.gather [hbm4b:s18+s5], $0x80, v8, vm1, $0xb8;
	[tilespmem:$0x13180] =	vst v63  }
0x487: {  	s18 =	simm.s32 $0xE180  }
0x488: {  	[tilespmem:s18], [sflag:$0x3] =	stream.indirect_vreg.gather [hbm4b:s19+s5], $0x80, v8, vm1, $0xb8;
	[tilespmem:$0x13180] =	vst v63  }
0x489: {  	s1 =	simm.s32 $0xE980  }
0x48a: {  	[tilespmem:s1], [sflag:$0x3] =	stream.indirect_vreg.gather [hbm4b:s20+s5], $0x80, v8, vm1, $0xb8;
	[tilespmem:$0x13180] =	vst v63  }
0x48b: {  	s18 =	simm.s32 $0xF180  }
0x48c: {  	[tilespmem:s18], [sflag:$0x3] =	stream.indirect_vreg.gather [hbm4b:s21+s5], $0x80, v8, vm1, $0xb8;
	[tilespmem:$0x13180] =	vst v63  }
0x48d: {  	s19 =	simm.s32 $0xF980  }
0x48e: {  	[tilespmem:s19], [sflag:$0x3] =	stream.indirect_vreg.gather [hbm4b:s4+s5], $0x80, v8, vm1, $0xb8;
	[tilespmem:$0x13180] =	vst v63  }
0x48f: {  	s4 =	simm.s32 $0x10180  }
0x490: {  	[tilespmem:s4], [sflag:$0x3] =	stream.indirect_vreg.gather [hbm4b:s8+s5], $0x80, v8, vm1, $0xb8;
	[tilespmem:$0x13180] =	vst v63  }
0x491: {  	s20 =	simm.s32 $0x10980  }
0x492: {  	[tilespmem:s20], [sflag:$0x3] =	stream.indirect_vreg.gather [hbm4b:s9+s5], $0x80, v8, vm1, $0xb8;
	[tilespmem:$0x13180] =	vst v63  }
0x493: {  	s9 =	simm.s32 $0x11180  }
0x494: {  	[tilespmem:s9], [sflag:$0x3] =	stream.indirect_vreg.gather [hbm4b:s22+s5], $0x80, v8, vm1, $0xb8;
	[tilespmem:$0x13180] =	vst v63  }
0x495: {  	s21 =	simm.s32 $0x11980  }
0x496: {  	[tilespmem:s21], [sflag:$0x3] =	stream.indirect_vreg.gather [hbm4b:s23+s5], $0x80, v8, vm1, $0xb8;
	[tilespmem:$0x13180] =	vst v63  }
0x497: {  	s22 =	simm.s32 $0x12180  }
0x498: {  	[tilespmem:s22], [sflag:$0x3] =	stream.indirect_vreg.gather [hbm4b:s24+s5], $0x80, v8, vm1, $0xb8;
	[tilespmem:$0x13180] =	vst v63  }
0x499: {  	s23 =	simm.s32 $0x12980  }
0x49a: {  	[tilespmem:s23], [sflag:$0x3] =	stream.indirect_vreg.gather [hbm4b:s25+s5], $0x80, v8, vm1, $0xb8;
	[tilespmem:$0x13180] =	vst v63  }
0x49b: {  	s8 =	sld [smem:$0x7D7];
	_ =	swait.ge [sflag:s17], $0xC000  }
0x49c: {  	[sflag:s17] =	ssyncset.done $0x0  }
0x49d: {  	[sflag:s17] =	ssyncadd.s32 $0xFFFF4000  }
0x49e: {  	s25 =	simm.s32 $0x7180;
	[tilespmem:$0x7100] =	vst v1;
	s24 =	rddreg [dreg:$0x5]  }
0x49f: {  	[hbm4b:s24+s5] =	stream.indirect_vreg.scatter [tilespmem:s25], [sflag:$0x3], $0x80, v9, vm1, $0xb8;
	[tilespmem:$0x13180] =	vst v63  }
0x4a0: {  	s25 =	simm.s32 $0x7980  }
0x4a1: {  	[hbm4b:s3+s5] =	stream.indirect_vreg.scatter [tilespmem:s25], [sflag:$0x3], $0x80, v9, vm1, $0xb8;
	[tilespmem:$0x13180] =	vst v63  }
0x4a2: {  	s25 =	simm.s32 $0x8180  }
0x4a3: {  	[hbm4b:s28+s5] =	stream.indirect_vreg.scatter [tilespmem:s25], [sflag:$0x3], $0x80, v9, vm1, $0xb8;
	[tilespmem:$0x13180] =	vst v63  }
0x4a4: {  	s31 =	simm.s32 $0x8980  }
0x4a5: {  	[hbm4b:s6+s5] =	stream.indirect_vreg.scatter [tilespmem:s31], [sflag:$0x3], $0x80, v9, vm1, $0xb8;
	[tilespmem:$0x13180] =	vst v63  }
0x4a6: {  	s31 =	simm.s32 $0x9180  }
0x4a7: {  	[hbm4b:s10+s5] =	stream.indirect_vreg.scatter [tilespmem:s31], [sflag:$0x3], $0x80, v9, vm1, $0xb8;
	[tilespmem:$0x13180] =	vst v63  }
0x4a8: {  	s29 =	simm.s32 $0x9980  }
0x4a9: {  	[hbm4b:s11+s5] =	stream.indirect_vreg.scatter [tilespmem:s29], [sflag:$0x3], $0x80, v9, vm1, $0xb8;
	[tilespmem:$0x13180] =	vst v63  }
0x4aa: {  	_ = 	snop  }
0x4ab: {  	[hbm4b:s12+s5] =	stream.indirect_vreg.scatter [tilespmem:s0], [sflag:$0x3], $0x80, v9, vm1, $0xb8;
	[tilespmem:$0x13180] =	vst v63  }
0x4ac: {  	s30 =	simm.s32 $0xA980  }
0x4ad: {  	[hbm4b:s13+s5] =	stream.indirect_vreg.scatter [tilespmem:s30], [sflag:$0x3], $0x80, v9, vm1, $0xb8;
	[tilespmem:$0x13180] =	vst v63  }
0x4ae: {  	s31 =	simm.s32 $0xB180  }
0x4af: {  	[hbm4b:s14+s5] =	stream.indirect_vreg.scatter [tilespmem:s31], [sflag:$0x3], $0x80, v9, vm1, $0xb8;
	[tilespmem:$0x13180] =	vst v63  }
0x4b0: {  	s25 =	simm.s32 $0xB980  }
0x4b1: {  	[hbm4b:s15+s5] =	stream.indirect_vreg.scatter [tilespmem:s25], [sflag:$0x3], $0x80, v9, vm1, $0xb8;
	[tilespmem:$0x13180] =	vst v63  }
0x4b2: {  	s29 =	simm.s32 $0xC180  }
0x4b3: {  	[hbm4b:s16+s5] =	stream.indirect_vreg.scatter [tilespmem:s29], [sflag:$0x3], $0x80, v9, vm1, $0xb8;
	[tilespmem:$0x13180] =	vst v63  }
0x4b4: {  	s30 =	simm.s32 $0xC980  }
0x4b5: {  	[hbm4b:s2+s5] =	stream.indirect_vreg.scatter [tilespmem:s30], [sflag:$0x3], $0x80, v9, vm1, $0xb8;
	[tilespmem:$0x13180] =	vst v63  }
0x4b6: {  	s7 =	simm.s32 $0xD180  }
0x4b7: {  	[hbm4b:s24+s5] =	stream.indirect_vreg.scatter [tilespmem:s7], [sflag:$0x3], $0x80, v10, vm1, $0xb8;
	[tilespmem:$0x13180] =	vst v63  }
0x4b8: {  	s26 =	simm.s32 $0xD980  }
0x4b9: {  	[hbm4b:s3+s5] =	stream.indirect_vreg.scatter [tilespmem:s26], [sflag:$0x3], $0x80, v10, vm1, $0xb8;
	[tilespmem:$0x13180] =	vst v63  }
0x4ba: {  	s31 =	simm.s32 $0xE180  }
0x4bb: {  	[hbm4b:s28+s5] =	stream.indirect_vreg.scatter [tilespmem:s31], [sflag:$0x3], $0x80, v10, vm1, $0xb8;
	[tilespmem:$0x13180] =	vst v63  }
0x4bc: {  	_ = 	snop  }
0x4bd: {  	[hbm4b:s6+s5] =	stream.indirect_vreg.scatter [tilespmem:s1], [sflag:$0x3], $0x80, v10, vm1, $0xb8;
	[tilespmem:$0x13180] =	vst v63  }
0x4be: {  	_ = 	snop  }
0x4bf: {  	[hbm4b:s10+s5] =	stream.indirect_vreg.scatter [tilespmem:s18], [sflag:$0x3], $0x80, v10, vm1, $0xb8;
	[tilespmem:$0x13180] =	vst v63  }
0x4c0: {  	_ = 	snop  }
0x4c1: {  	[hbm4b:s11+s5] =	stream.indirect_vreg.scatter [tilespmem:s19], [sflag:$0x3], $0x80, v10, vm1, $0xb8;
	[tilespmem:$0x13180] =	vst v63  }
0x4c2: {  	_ = 	snop  }
0x4c3: {  	[hbm4b:s12+s5] =	stream.indirect_vreg.scatter [tilespmem:s4], [sflag:$0x3], $0x80, v10, vm1, $0xb8;
	[tilespmem:$0x13180] =	vst v63  }
0x4c4: {  	_ = 	snop  }
0x4c5: {  	[hbm4b:s13+s5] =	stream.indirect_vreg.scatter [tilespmem:s20], [sflag:$0x3], $0x80, v10, vm1, $0xb8;
	[tilespmem:$0x13180] =	vst v63  }
0x4c6: {  	_ = 	snop  }
0x4c7: {  	[hbm4b:s14+s5] =	stream.indirect_vreg.scatter [tilespmem:s9], [sflag:$0x3], $0x80, v10, vm1, $0xb8;
	[tilespmem:$0x13180] =	vst v63  }
0x4c8: {  	s8 =	sadd.s32 $0xFFFFFFFF, s8  }
0x4c9: {  	[hbm4b:s15+s5] =	stream.indirect_vreg.scatter [tilespmem:s21], [sflag:$0x3], $0x80, v10, vm1, $0xb8;
	[tilespmem:$0x13180] =	vst v63  }
0x4ca: {  	p2 =	sne.s32 s8, $0x0  }
0x4cb: {  	[hbm4b:s16+s5] =	stream.indirect_vreg.scatter [tilespmem:s22], [sflag:$0x3], $0x80, v10, vm1, $0xb8;
	[tilespmem:$0x13180] =	vst v63  }
.Ltmp0:
0x4cc: {  	_ = 	snop;
	(pc) =	sbr.rel @p2 .LBB2_1-.Ltmp0, $4  }
0x4cd: {  	[hbm4b:s2+s5] =	stream.indirect_vreg.scatter [tilespmem:s23], [sflag:$0x3], $0x80, v10, vm1, $0xb8;
	[tilespmem:$0x13180] =	vst v63  }
0x4ce: {  	_ =	swait.ge [sflag:s17], $0xC000  }
0x4cf: {  	[sflag:s17] =	ssyncset.done $0x0  }
0x4d0: {  	[sflag:s17] =	ssyncadd.s32 $0xFFFF4000  }
0x4d1: {  	_ =	sfence.sel $0x180000  }
0x4d2: {  	[bflag:$0x0] =	sbarrier.arrive $0xFFFF  }
0x4d3: {  	_ =	strace $0x90000047  }
0x4d4: {  	s0 =	stileid.u32;
	[bflag:$0x2] =	sbarrier.arrive $0xFFFF  }
0x4d5: {  	p0 =	sne.s32 s0, $0x0;
	s0 =	rddreg [dreg:$0x6]  }
0x4d6: {  	s0 =	sadd.s32 @!p0 $0x100000, s0  }
0x4d7: {  	[sflag:s0] =	ssyncadd.tile.s32 @!p0 $0x1;
	_ =	shalt  }
.Lfunc_end2:
_tile_overlayer_lowered:
.L_overlay_start_2:
0x4d8: {  	(tag) =	ssettag $0x2  }
0x4d9: {  	s0 =	rddreg [dreg:$0x0];
	s2 =	stileid.u32  }
0x4da: {  	s1 =	rddreg [dreg:$0x1];
	p0 =	sne.s32 s2, $0x0  }
0x4db: {  	s3 =	rddreg [dreg:$0x2];
	[bflag:$0x3] =	sbarrier.arrive $0xFFFF;
	s2 =	simm.s32 @!p0 $0x1C04  }
0x4dc: {  	[timem:s3], [sflag:s2] =	dma.local @!p0 [hbm:s0], s1  }
0x4dd: {  	s0 =	simm.s32 @!p0 $0x4  }
0x4de: {  	_ =	swait.ge @!p0 [sflag:s0], s1  }
0x4df: {  	s1 =	ssub.s32 @!p0 $0x0, s1;
	[sflag:s0] =	ssyncset.done @!p0 $0x0  }
0x4e0: {  	[sflag:s0] =	ssyncadd.s32 @!p0 s1  }
0x4e1: {  	[bflag:$0x3] =	sbarrier.arrive $0xFFFF  }
0x4e2: {  	_ =	shalt  }

</sc_bundles>
